<compile_context>
chip_gen: v7x
topology: tpu7x:2x2x1
jax: 0.10.2.dev20260603
libtpu: 0.0.44.dev20260713+nightly
codegen_flags: <defaults>
</compile_context>

<pallas_src>
import jax
import jax.numpy as jnp
from jax import lax
from jax.experimental import pallas as pl
from jax.experimental.pallas import tpu as pltpu
from jax.experimental.pallas import tpu_sc as plsc

N = 10000
E = 320000
H = 128
BN_EPS = 1e-5

NC = 2
NS = 16
NW = NC * NS
CH = 128
NCH = 80
E_PAD = NW * NCH * CH
N_PAD = 10240
ROWS_PT = N_PAD // NS
NBUF = 2
G = 40


def _agg_body(h_hbm, src_hbm, dst_hbm, zeros_hbm, out_hbm,
              acc_sh, src_g, dst_g, b0, b1,
              sem_z, sg0, sg1):
    cid = lax.axis_index("c")
    sid = lax.axis_index("s")
    wid = sid * NC + cid
    crow = wid * NCH
    bufs = (b0, b1)
    sg = (sg0, sg1)

    zcp = pltpu.make_async_copy(
        zeros_hbm.at[pl.ds(sid * ROWS_PT, ROWS_PT)],
        acc_sh.at[pl.ds(sid * ROWS_PT, ROWS_PT)], sem_z)
    zcp.start()

    def load_group(g):
        pltpu.sync_copy(src_hbm.at[pl.ds(crow + g * G, G)], src_g)
        pltpu.sync_copy(dst_hbm.at[pl.ds(crow + g * G, G)], dst_g)

    HC = CH // 2

    def gather_half(k, b, half):
        return pltpu.make_async_copy(
            h_hbm.at[src_g.at[k, pl.ds(half * HC, HC)]],
            bufs[b].at[pl.ds(half * HC, HC)], sg[b])

    class _Gather:
        def __init__(self, k, b):
            self.k, self.b = k, b

        def start(self):
            gather_half(self.k, self.b, 0).start()
            gather_half(self.k, self.b, 1).start()

        def wait(self):
            gather_half(self.k, self.b, 0).wait()
            gather_half(self.k, self.b, 1).wait()

    def gather(k, b):
        return _Gather(k, b)

    load_group(0)
    for b in range(NBUF):
        gather(b, b).start()
    zcp.wait()
    plsc.subcore_barrier()

    for g in range(NCH // G):
        if g > 0:
            load_group(g)
            for b in range(NBUF):
                gather(b, b).start()

        def step(j, carry):
            for b in range(NBUF):
                i = j * NBUF + b
                gather(i, b).wait()
                pltpu.sync_copy(bufs[b], acc_sh.at[dst_g.at[i]], add=True)

                @pl.when(i + NBUF < G)
                def _():
                    gather(i + NBUF, b).start()
            return carry

        lax.fori_loop(0, G // NBUF, step, 0)

    plsc.subcore_barrier()
    pltpu.sync_copy(acc_sh.at[pl.ds(sid * ROWS_PT, ROWS_PT)],
                    out_hbm.at[cid, pl.ds(sid * ROWS_PT, ROWS_PT)])


_agg_call = pl.kernel(
    _agg_body,
    out_type=jax.ShapeDtypeStruct((NC, N_PAD, H), jnp.float32),
    mesh=plsc.VectorSubcoreMesh(core_axis_name="c", subcore_axis_name="s",
                                num_cores=NC, num_subcores=NS),
    scratch_types=[
        pltpu.VMEM_SHARED((N_PAD, H), jnp.float32),
        pltpu.VMEM((G, CH), jnp.int32),
        pltpu.VMEM((G, CH), jnp.int32),
        pltpu.VMEM((CH, H), jnp.float32),
        pltpu.VMEM((CH, H), jnp.float32),
    ] + [pltpu.SemaphoreType.DMA] * 3,
)


BLK = 2000


def _mlp_block(h, parts, W1, b1, W2, b2):
    z = h + parts[0] + parts[1]
    a = jnp.dot(z, W1, preferred_element_type=jnp.float32)
    a = jnp.maximum(a + b1, 0.0)
    o = jnp.dot(a, W2, preferred_element_type=jnp.float32)
    return jnp.maximum(o + b2, 0.0)


def _layer_body(h_ref, p_ref, W1_ref, b1_ref, W2_ref, b2_ref, o_ref):
    o_ref[...] = _mlp_block(h_ref[...], p_ref[...], W1_ref[...], b1_ref[...],
                            W2_ref[...], b2_ref[...])


def _mlp_layer(h, parts, W1, b1, W2, b2):
    row = pl.BlockSpec((BLK, H), lambda i: (i, 0))
    prt = pl.BlockSpec((NC, BLK, H), lambda i: (0, i, 0))
    full = pl.BlockSpec((H, H), lambda i: (0, 0))
    vec = pl.BlockSpec((1, H), lambda i: (0, 0))
    return pl.pallas_call(
        _layer_body,
        grid=(N // BLK,),
        in_specs=[row, prt, full, vec, full, vec],
        out_specs=row,
        out_shape=jax.ShapeDtypeStruct((N, H), jnp.float32),
    )(h, parts, W1, b1.reshape(1, H), W2, b2.reshape(1, H))


def _final_body(h1_ref, h2_ref, p_ref, W1_ref, b1_ref, W2_ref, b2_ref,
                Wj1_ref, Wj2_ref, Wj3_ref, bjk_ref,
                Wc1_ref, bc1_ref, g_ref, b_ref, m_ref, v_ref, Wc2_ref, bc2_ref,
                o_ref):
    h3 = _mlp_block(h2_ref[...], p_ref[...], W1_ref[...], b1_ref[...],
                    W2_ref[...], b2_ref[...])
    t = jnp.dot(h1_ref[...], Wj1_ref[...], preferred_element_type=jnp.float32)
    t += jnp.dot(h2_ref[...], Wj2_ref[...], preferred_element_type=jnp.float32)
    t += jnp.dot(h3, Wj3_ref[...], preferred_element_type=jnp.float32)
    t += bjk_ref[...]
    u = jnp.dot(t, Wc1_ref[...], preferred_element_type=jnp.float32)
    u = u + bc1_ref[...]
    u = (u - m_ref[...]) / jnp.sqrt(v_ref[...] + BN_EPS) * g_ref[...] + b_ref[...]
    u = jnp.maximum(u, 0.0)
    o = jnp.dot(u, Wc2_ref[...], preferred_element_type=jnp.float32)
    o_ref[...] = o + bc2_ref[...]


def _final(h1, h2, parts3, W1, b1, W2, b2,
           W_jk, b_jk, Wc1, bc1, g, b, m, v, Wc2, bc2):
    row = pl.BlockSpec((BLK, H), lambda i: (i, 0))
    prt = pl.BlockSpec((NC, BLK, H), lambda i: (0, i, 0))
    full = pl.BlockSpec((H, H), lambda i: (0, 0))
    vec = pl.BlockSpec((1, H), lambda i: (0, 0))
    return pl.pallas_call(
        _final_body,
        grid=(N // BLK,),
        in_specs=[row, row, prt, full, vec, full, vec,
                  full, full, full, vec, full, vec,
                  vec, vec, vec, vec, full, vec],
        out_specs=row,
        out_shape=jax.ShapeDtypeStruct((N, H), jnp.float32),
    )(h1, h2, parts3, W1, b1.reshape(1, H), W2, b2.reshape(1, H),
      W_jk[0:H], W_jk[H:2 * H], W_jk[2 * H:3 * H],
      b_jk.reshape(1, H), Wc1, bc1.reshape(1, H), g.reshape(1, H),
      b.reshape(1, H), m.reshape(1, H), v.reshape(1, H), Wc2,
      bc2.reshape(1, H))


def kernel(x, edge_index, W1_0, b1_0, W2_0, b2_0, W1_1, b1_1, W2_1, b2_1,
           W1_2, b1_2, W2_2, b2_2, W_jk, b_jk, Wc1, bc1, bn_gamma, bn_beta,
           bn_mean, bn_var, Wc2, bc2):
    pad = jnp.arange(E_PAD - E, dtype=jnp.int32)
    src = jnp.concatenate([edge_index[0], pad % N]).reshape(NW * NCH, CH)
    dst = jnp.concatenate([edge_index[1], N + pad % (N_PAD - N)]
                          ).reshape(NW * NCH, CH)
    zeros = jnp.zeros((N_PAD, H), jnp.float32)
    parts = _agg_call(x, src, dst, zeros)
    h1 = _mlp_layer(x, parts, W1_0, b1_0, W2_0, b2_0)
    parts = _agg_call(h1, src, dst, zeros)
    h2 = _mlp_layer(h1, parts, W1_1, b1_1, W2_1, b2_1)
    parts3 = _agg_call(h2, src, dst, zeros)
    return _final(h1, h2, parts3, W1_2, b1_2, W2_2, b2_2,
                  W_jk, b_jk, Wc1, bc1, bn_gamma, bn_beta, bn_mean, bn_var,
                  Wc2, bc2)

# --- scband reference (transcript-rebuilt; emitter-appended) ---
"""Pipeline reference for scband-gin-model-16088947491245 (READ-ONLY COPY).

The authoritative reference and input builder live on the scoring server;
editing this copy changes nothing except your own understanding.
"""

import jax, jax.numpy as jnp
import numpy as np

N = 10000
E = 320000
D_IN = 128
H = 128
L = 3
BN_EPS = 1e-5

def setup_inputs(seed: int = 0) -> dict:
    key = jax.random.key(seed)
    ks = jax.random.split(key, 20)
    inp = {}
    inp["x"] = jax.random.normal(ks[0], (N, D_IN), dtype=jnp.float32)
    inp["edge_index"] = jax.random.randint(ks[1], (2, E), 0, N, dtype=jnp.int32)
    dims = [D_IN] + [H] * (L - 1)
    k = 2
    for i in range(L):
        inp["W1_%d" % i] = jax.random.normal(ks[k], (dims[i], H), dtype=jnp.float32) / np.sqrt(dims[i]); k += 1
        inp["b1_%d" % i] = jnp.zeros((H,), jnp.float32)
        inp["W2_%d" % i] = jax.random.normal(ks[k], (H, H), dtype=jnp.float32) / np.sqrt(H); k += 1
        inp["b2_%d" % i] = jnp.zeros((H,), jnp.float32)
    inp["W_jk"] = jax.random.normal(ks[k], (L * H, H), dtype=jnp.float32) / np.sqrt(L * H); k += 1
    inp["b_jk"] = jnp.zeros((H,), jnp.float32)
    inp["Wc1"] = jax.random.normal(ks[k], (H, H), dtype=jnp.float32) / np.sqrt(H); k += 1
    inp["bc1"] = jnp.zeros((H,), jnp.float32)
    inp["bn_gamma"] = jnp.ones((H,), jnp.float32)
    inp["bn_beta"] = jnp.zeros((H,), jnp.float32)
    inp["bn_mean"] = jnp.zeros((H,), jnp.float32)
    inp["bn_var"] = jnp.ones((H,), jnp.float32)
    inp["Wc2"] = jax.random.normal(ks[k], (H, H), dtype=jnp.float32) / np.sqrt(H); k += 1
    inp["bc2"] = jnp.zeros((H,), jnp.float32)
    return inp

def _gin_conv(x, src, dst, W1, b1, W2, b2):
    # GINConv with eps=0: nn((1+eps)*x + sum_{j->i} x_j)
    agg = jax.ops.segment_sum(x[src], dst, num_segments=x.shape[0])
    z = x + agg
    h = jnp.dot(z, W1) + b1
    h = jax.nn.relu(h)
    h = jnp.dot(h, W2) + b2
    return h

def reference(x, edge_index, W1_0, b1_0, W2_0, b2_0, W1_1, b1_1, W2_1, b2_1, W1_2, b1_2, W2_2, b2_2, W_jk, b_jk, Wc1, bc1, bn_gamma, bn_beta, bn_mean, bn_var, Wc2, bc2):
    # Eval-mode forward: dropout = identity, batch norm uses running stats.
    src = edge_index[0]
    dst = edge_index[1]
    Ws = [(W1_0, b1_0, W2_0, b2_0), (W1_1, b1_1, W2_1, b2_1), (W1_2, b1_2, W2_2, b2_2)]
    h = x
    xs = []
    for (W1, b1, W2, b2) in Ws:
        h = _gin_conv(h, src, dst, W1, b1, W2, b2)
        h = jax.nn.relu(h)  # BasicGNN inter-layer activation (applied to all layers since jk='cat')
        xs.append(h)
    h = jnp.concatenate(xs, axis=-1)  # JumpingKnowledge 'cat'
    h = jnp.dot(h, W_jk) + b_jk       # BasicGNN final lin after jk
    # classifier MLP([H, H, out]) with batch_norm, plain_last=True
    h = jnp.dot(h, Wc1) + bc1
    h = (h - bn_mean) / jnp.sqrt(bn_var + BN_EPS) * bn_gamma + bn_beta
    h = jax.nn.relu(h)
    h = jnp.dot(h, Wc2) + bc2
    return h

if __name__ == "__main__":
    import jax
    _d = setup_inputs()
    print(jax.jit(kernel)(*tuple(_d.values())))

</pallas_src>

<mosaic_0001>
#map = affine_map<(d0, d1) -> (0, 0)>
#map1 = affine_map<(d0, d1) -> (0, 0, 0)>
module attributes {stable_mosaic.version = 14 : i64} {
  func.func @_agg_body(%arg0: i32, %arg1: i32, %arg2: memref<10000x128xf32, #tpu.memory_space<hbm>>, %arg3: memref<2560x128xi32, #tpu.memory_space<hbm>>, %arg4: memref<2560x128xi32, #tpu.memory_space<hbm>>, %arg5: memref<10240x128xf32, #tpu.memory_space<hbm>>, %arg6: memref<2x10240x128xf32, #tpu.memory_space<hbm>>, %arg7: memref<10240x128xf32, #tpu.memory_space<vmem_shared>>, %arg8: memref<40x128xi32, #tpu.memory_space<vmem>>, %arg9: memref<40x128xi32, #tpu.memory_space<vmem>>, %arg10: memref<128x128xf32, #tpu.memory_space<vmem>>, %arg11: memref<128x128xf32, #tpu.memory_space<vmem>>, %arg12: memref<!tpu.dma_semaphore, #tpu.memory_space<semaphore_mem>>, %arg13: memref<!tpu.dma_semaphore, #tpu.memory_space<semaphore_mem>>, %arg14: memref<!tpu.dma_semaphore, #tpu.memory_space<semaphore_mem>>) attributes {dimension_semantics = [#tpu.dimension_semantics<core_parallel>, #tpu.dimension_semantics<subcore_parallel>], iteration_bounds = array<i64: 2, 16>, scalar_prefetch = 0 : i64, scratch_operands = 8 : i64, tpu.core_type = #tpu.core_type<sc_vector_subcore>, window_params = [{transform_indices = #map}, {transform_indices = #map}, {transform_indices = #map}, {transform_indices = #map}, {transform_indices = #map1}]} {
    %mul3A = arith.constant 2 : i32
    %mul3A_0 = arith.muli %arg1, %mul3A : i32
    %add3A = arith.addi %mul3A_0, %arg0 : i32
    %mul3A_1 = arith.constant 80 : i32
    %mul3A_2 = arith.muli %add3A, %mul3A_1 : i32
    %mul3A_3 = arith.constant 640 : i32
    %mul3A_4 = arith.muli %arg1, %mul3A_3 : i32
    %mul3A_5 = arith.constant 640 : i32
    %mul3A_6 = arith.muli %arg1, %mul3A_5 : i32
    %dma_start3A = arith.constant 0 : i32
    %dma_start3A_7 = tpu.memref_slice %arg7[%mul3A_6, %dma_start3A] : memref<10240x128xf32, #tpu.memory_space<vmem_shared>> -> memref<640x128xf32, #tpu.memory_space<vmem_shared>>
    %dma_start3A_8 = arith.constant 0 : i32
    %dma_start3A_9 = tpu.memref_slice %arg5[%mul3A_4, %dma_start3A_8] : memref<10240x128xf32, #tpu.memory_space<hbm>> -> memref<640x128xf32, #tpu.memory_space<hbm>>
    tpu.enqueue_dma source(%dma_start3A_9 : memref<640x128xf32, #tpu.memory_space<hbm>>) target(%dma_start3A_7 : memref<640x128xf32, #tpu.memory_space<vmem_shared>>) target_semaphore(%arg12 : memref<!tpu.dma_semaphore, #tpu.memory_space<semaphore_mem>>)
    %add3A_10 = arith.constant 0 : i32
    %add3A_11 = arith.addi %mul3A_2, %add3A_10 : i32
    "tpu.region"() ({
      %run_scoped3A = tpu.sem_alloc : memref<!tpu.dma_semaphore, #tpu.memory_space<semaphore_mem>>
      %dma_start3A_117 = arith.constant 0 : i32
      %dma_start3A_118 = tpu.memref_slice %arg3[%add3A_11, %dma_start3A_117] : memref<2560x128xi32, #tpu.memory_space<hbm>> -> memref<40x128xi32, #tpu.memory_space<hbm>>
      %dma_start3A_119 = arith.constant 0 : i32
      %dma_start3A_120 = tpu.memref_slice %arg3[%add3A_11, %dma_start3A_119] : memref<2560x128xi32, #tpu.memory_space<hbm>> -> memref<40x128xi32, #tpu.memory_space<hbm>>
      tpu.enqueue_dma source(%dma_start3A_120 : memref<40x128xi32, #tpu.memory_space<hbm>>) target(%arg8 : memref<40x128xi32, #tpu.memory_space<vmem>>) target_semaphore(%run_scoped3A : memref<!tpu.dma_semaphore, #tpu.memory_space<semaphore_mem>>)
      %dma_wait3A_121 = arith.constant 0 : i32
      %dma_wait3A_122 = tpu.memref_slice %arg3[%add3A_11, %dma_wait3A_121] : memref<2560x128xi32, #tpu.memory_space<hbm>> -> memref<40x128xi32, #tpu.memory_space<hbm>>
      %dma_wait3A_123 = arith.constant 0 : i32
      %dma_wait3A_124 = tpu.memref_slice %arg3[%add3A_11, %dma_wait3A_123] : memref<2560x128xi32, #tpu.memory_space<hbm>> -> memref<40x128xi32, #tpu.memory_space<hbm>>
      tpu.wait_dma2 semaphore(%run_scoped3A : memref<!tpu.dma_semaphore, #tpu.memory_space<semaphore_mem>>) src(%dma_wait3A_124 : memref<40x128xi32, #tpu.memory_space<hbm>>) dst(%arg8 : memref<40x128xi32, #tpu.memory_space<vmem>>)
      tpu.yield
    }) : () -> ()
    %add3A_12 = arith.constant 0 : i32
    %add3A_13 = arith.addi %mul3A_2, %add3A_12 : i32
    "tpu.region"() ({
      %run_scoped3A = tpu.sem_alloc : memref<!tpu.dma_semaphore, #tpu.memory_space<semaphore_mem>>
      %dma_start3A_117 = arith.constant 0 : i32
      %dma_start3A_118 = tpu.memref_slice %arg4[%add3A_13, %dma_start3A_117] : memref<2560x128xi32, #tpu.memory_space<hbm>> -> memref<40x128xi32, #tpu.memory_space<hbm>>
      %dma_start3A_119 = arith.constant 0 : i32
      %dma_start3A_120 = tpu.memref_slice %arg4[%add3A_13, %dma_start3A_119] : memref<2560x128xi32, #tpu.memory_space<hbm>> -> memref<40x128xi32, #tpu.memory_space<hbm>>
      tpu.enqueue_dma source(%dma_start3A_120 : memref<40x128xi32, #tpu.memory_space<hbm>>) target(%arg9 : memref<40x128xi32, #tpu.memory_space<vmem>>) target_semaphore(%run_scoped3A : memref<!tpu.dma_semaphore, #tpu.memory_space<semaphore_mem>>)
      %dma_wait3A_121 = arith.constant 0 : i32
      %dma_wait3A_122 = tpu.memref_slice %arg4[%add3A_13, %dma_wait3A_121] : memref<2560x128xi32, #tpu.memory_space<hbm>> -> memref<40x128xi32, #tpu.memory_space<hbm>>
      %dma_wait3A_123 = arith.constant 0 : i32
      %dma_wait3A_124 = tpu.memref_slice %arg4[%add3A_13, %dma_wait3A_123] : memref<2560x128xi32, #tpu.memory_space<hbm>> -> memref<40x128xi32, #tpu.memory_space<hbm>>
      tpu.wait_dma2 semaphore(%run_scoped3A : memref<!tpu.dma_semaphore, #tpu.memory_space<semaphore_mem>>) src(%dma_wait3A_124 : memref<40x128xi32, #tpu.memory_space<hbm>>) dst(%arg9 : memref<40x128xi32, #tpu.memory_space<vmem>>)
      tpu.yield
    }) : () -> ()
    %dma_start3A_14 = arith.constant 0 : i32
    %dma_start3A_15 = arith.constant 0 : i32
    %dma_start3A_16 = arith.constant 0 : i32
    %dma_start3A_17 = tpu.memref_slice %arg10[%dma_start3A_15, %dma_start3A_16] : memref<128x128xf32, #tpu.memory_space<vmem>> -> memref<64x128xf32, #tpu.memory_space<vmem>>
    %dma_start3A_18 = arith.constant 0 : i32
    %dma_start3A_19 = tpu.memref_slice %arg8[%dma_start3A_14, %dma_start3A_18] : memref<40x128xi32, #tpu.memory_space<vmem>> -> memref<1x64xi32, #tpu.memory_space<vmem>>
    %dma_start3A_20 = tpu.memref_squeeze %dma_start3A_19 : memref<1x64xi32, #tpu.memory_space<vmem>> -> memref<64xi32, #tpu.memory_space<vmem>>
    %dma_start3A_21 = arith.constant 0 : i32
    %dma_start3A_22 = arith.constant 0 : i32
    %dma_start3A_23 = tpu.memref_slice %arg2[%dma_start3A_21, %dma_start3A_22] : memref<10000x128xf32, #tpu.memory_space<hbm>> -> memref<10000x128xf32, #tpu.memory_space<hbm>>
    tpu.enqueue_indirect_dma source(%dma_start3A_23 : memref<10000x128xf32, #tpu.memory_space<hbm>>) target(%dma_start3A_17 : memref<64x128xf32, #tpu.memory_space<vmem>>) offsets(%dma_start3A_20 : memref<64xi32, #tpu.memory_space<vmem>>) semaphore(%arg13 : memref<!tpu.dma_semaphore, #tpu.memory_space<semaphore_mem>>)
    %dma_start3A_24 = arith.constant 0 : i32
    %dma_start3A_25 = arith.constant 64 : i32
    %dma_start3A_26 = arith.constant 0 : i32
    %dma_start3A_27 = tpu.memref_slice %arg10[%dma_start3A_25, %dma_start3A_26] : memref<128x128xf32, #tpu.memory_space<vmem>> -> memref<64x128xf32, #tpu.memory_space<vmem>>
    %dma_start3A_28 = arith.constant 64 : i32
    %dma_start3A_29 = tpu.memref_slice %arg8[%dma_start3A_24, %dma_start3A_28] : memref<40x128xi32, #tpu.memory_space<vmem>> -> memref<1x64xi32, #tpu.memory_space<vmem>>
    %dma_start3A_30 = tpu.memref_squeeze %dma_start3A_29 : memref<1x64xi32, #tpu.memory_space<vmem>> -> memref<64xi32, #tpu.memory_space<vmem>>
    %dma_start3A_31 = arith.constant 0 : i32
    %dma_start3A_32 = arith.constant 0 : i32
    %dma_start3A_33 = tpu.memref_slice %arg2[%dma_start3A_31, %dma_start3A_32] : memref<10000x128xf32, #tpu.memory_space<hbm>> -> memref<10000x128xf32, #tpu.memory_space<hbm>>
    tpu.enqueue_indirect_dma source(%dma_start3A_33 : memref<10000x128xf32, #tpu.memory_space<hbm>>) target(%dma_start3A_27 : memref<64x128xf32, #tpu.memory_space<vmem>>) offsets(%dma_start3A_30 : memref<64xi32, #tpu.memory_space<vmem>>) semaphore(%arg13 : memref<!tpu.dma_semaphore, #tpu.memory_space<semaphore_mem>>)
    %dma_start3A_34 = arith.constant 1 : i32
    %dma_start3A_35 = arith.constant 0 : i32
    %dma_start3A_36 = arith.constant 0 : i32
    %dma_start3A_37 = tpu.memref_slice %arg11[%dma_start3A_35, %dma_start3A_36] : memref<128x128xf32, #tpu.memory_space<vmem>> -> memref<64x128xf32, #tpu.memory_space<vmem>>
    %dma_start3A_38 = arith.constant 0 : i32
    %dma_start3A_39 = tpu.memref_slice %arg8[%dma_start3A_34, %dma_start3A_38] : memref<40x128xi32, #tpu.memory_space<vmem>> -> memref<1x64xi32, #tpu.memory_space<vmem>>
    %dma_start3A_40 = tpu.memref_squeeze %dma_start3A_39 : memref<1x64xi32, #tpu.memory_space<vmem>> -> memref<64xi32, #tpu.memory_space<vmem>>
    %dma_start3A_41 = arith.constant 0 : i32
    %dma_start3A_42 = arith.constant 0 : i32
    %dma_start3A_43 = tpu.memref_slice %arg2[%dma_start3A_41, %dma_start3A_42] : memref<10000x128xf32, #tpu.memory_space<hbm>> -> memref<10000x128xf32, #tpu.memory_space<hbm>>
    tpu.enqueue_indirect_dma source(%dma_start3A_43 : memref<10000x128xf32, #tpu.memory_space<hbm>>) target(%dma_start3A_37 : memref<64x128xf32, #tpu.memory_space<vmem>>) offsets(%dma_start3A_40 : memref<64xi32, #tpu.memory_space<vmem>>) semaphore(%arg14 : memref<!tpu.dma_semaphore, #tpu.memory_space<semaphore_mem>>)
    %dma_start3A_44 = arith.constant 1 : i32
    %dma_start3A_45 = arith.constant 64 : i32
    %dma_start3A_46 = arith.constant 0 : i32
    %dma_start3A_47 = tpu.memref_slice %arg11[%dma_start3A_45, %dma_start3A_46] : memref<128x128xf32, #tpu.memory_space<vmem>> -> memref<64x128xf32, #tpu.memory_space<vmem>>
    %dma_start3A_48 = arith.constant 64 : i32
    %dma_start3A_49 = tpu.memref_slice %arg8[%dma_start3A_44, %dma_start3A_48] : memref<40x128xi32, #tpu.memory_space<vmem>> -> memref<1x64xi32, #tpu.memory_space<vmem>>
    %dma_start3A_50 = tpu.memref_squeeze %dma_start3A_49 : memref<1x64xi32, #tpu.memory_space<vmem>> -> memref<64xi32, #tpu.memory_space<vmem>>
    %dma_start3A_51 = arith.constant 0 : i32
    %dma_start3A_52 = arith.constant 0 : i32
    %dma_start3A_53 = tpu.memref_slice %arg2[%dma_start3A_51, %dma_start3A_52] : memref<10000x128xf32, #tpu.memory_space<hbm>> -> memref<10000x128xf32, #tpu.memory_space<hbm>>
    tpu.enqueue_indirect_dma source(%dma_start3A_53 : memref<10000x128xf32, #tpu.memory_space<hbm>>) target(%dma_start3A_47 : memref<64x128xf32, #tpu.memory_space<vmem>>) offsets(%dma_start3A_50 : memref<64xi32, #tpu.memory_space<vmem>>) semaphore(%arg14 : memref<!tpu.dma_semaphore, #tpu.memory_space<semaphore_mem>>)
    %dma_wait3A = arith.constant 0 : i32
    %dma_wait3A_54 = tpu.memref_slice %arg7[%mul3A_6, %dma_wait3A] : memref<10240x128xf32, #tpu.memory_space<vmem_shared>> -> memref<640x128xf32, #tpu.memory_space<vmem_shared>>
    %dma_wait3A_55 = arith.constant 0 : i32
    %dma_wait3A_56 = tpu.memref_slice %arg5[%mul3A_4, %dma_wait3A_55] : memref<10240x128xf32, #tpu.memory_space<hbm>> -> memref<640x128xf32, #tpu.memory_space<hbm>>
    tpu.wait_dma2 semaphore(%arg12 : memref<!tpu.dma_semaphore, #tpu.memory_space<semaphore_mem>>) src(%dma_wait3A_56 : memref<640x128xf32, #tpu.memory_space<hbm>>) dst(%dma_wait3A_54 : memref<640x128xf32, #tpu.memory_space<vmem_shared>>)
    %barrier3A = arith.constant 0 : index
    tpu.barrier barrier_id(%barrier3A)
    %scan3A = arith.constant 0 : i32
    %scan3A_57 = arith.constant 0 : i32
    %scan3A_58 = arith.constant 20 : i32
    %scan3A_59 = arith.addi %scan3A_57, %scan3A_58 : i32
    %scan3A_60 = arith.constant 1 : i32
    scf.for %scan3A_117 = %scan3A_57 to %scan3A_59 step %scan3A_60  : i32 {
      %mul3A_118 = arith.constant 2 : i32
      %mul3A_119 = arith.muli %scan3A_117, %mul3A_118 : i32
      %add3A_120 = arith.constant 0 : i32
      %add3A_121 = arith.addi %mul3A_119, %add3A_120 : i32
      %dma_wait3A_122 = arith.constant 0 : i32
      %dma_wait3A_123 = arith.constant 0 : i32
      %dma_wait3A_124 = tpu.memref_slice %arg10[%dma_wait3A_122, %dma_wait3A_123] : memref<128x128xf32, #tpu.memory_space<vmem>> -> memref<64x128xf32, #tpu.memory_space<vmem>>
      %dma_wait3A_125 = arith.constant 0 : i32
      %dma_wait3A_126 = tpu.memref_slice %arg8[%add3A_121, %dma_wait3A_125] : memref<40x128xi32, #tpu.memory_space<vmem>> -> memref<1x64xi32, #tpu.memory_space<vmem>>
      %dma_wait3A_127 = tpu.memref_squeeze %dma_wait3A_126 : memref<1x64xi32, #tpu.memory_space<vmem>> -> memref<64xi32, #tpu.memory_space<vmem>>
      %dma_wait3A_128 = arith.constant 0 : i32
      %dma_wait3A_129 = arith.constant 0 : i32
      %dma_wait3A_130 = tpu.memref_slice %arg2[%dma_wait3A_128, %dma_wait3A_129] : memref<10000x128xf32, #tpu.memory_space<hbm>> -> memref<10000x128xf32, #tpu.memory_space<hbm>>
      tpu.wait_indirect_dma semaphore(%arg13 : memref<!tpu.dma_semaphore, #tpu.memory_space<semaphore_mem>>) src(%dma_wait3A_130 : memref<10000x128xf32, #tpu.memory_space<hbm>>) dst(%dma_wait3A_124 : memref<64x128xf32, #tpu.memory_space<vmem>>)
      %dma_wait3A_131 = arith.constant 64 : i32
      %dma_wait3A_132 = arith.constant 0 : i32
      %dma_wait3A_133 = tpu.memref_slice %arg10[%dma_wait3A_131, %dma_wait3A_132] : memref<128x128xf32, #tpu.memory_space<vmem>> -> memref<64x128xf32, #tpu.memory_space<vmem>>
      %dma_wait3A_134 = arith.constant 64 : i32
      %dma_wait3A_135 = tpu.memref_slice %arg8[%add3A_121, %dma_wait3A_134] : memref<40x128xi32, #tpu.memory_space<vmem>> -> memref<1x64xi32, #tpu.memory_space<vmem>>
      %dma_wait3A_136 = tpu.memref_squeeze %dma_wait3A_135 : memref<1x64xi32, #tpu.memory_space<vmem>> -> memref<64xi32, #tpu.memory_space<vmem>>
      %dma_wait3A_137 = arith.constant 0 : i32
      %dma_wait3A_138 = arith.constant 0 : i32
      %dma_wait3A_139 = tpu.memref_slice %arg2[%dma_wait3A_137, %dma_wait3A_138] : memref<10000x128xf32, #tpu.memory_space<hbm>> -> memref<10000x128xf32, #tpu.memory_space<hbm>>
      tpu.wait_indirect_dma semaphore(%arg13 : memref<!tpu.dma_semaphore, #tpu.memory_space<semaphore_mem>>) src(%dma_wait3A_139 : memref<10000x128xf32, #tpu.memory_space<hbm>>) dst(%dma_wait3A_133 : memref<64x128xf32, #tpu.memory_space<vmem>>)
      "tpu.region"() ({
        %run_scoped3A = tpu.sem_alloc : memref<!tpu.dma_semaphore, #tpu.memory_space<semaphore_mem>>
        %dma_start3A_173 = arith.constant 0 : i32
        %dma_start3A_174 = tpu.memref_slice %arg9[%add3A_121, %dma_start3A_173] : memref<40x128xi32, #tpu.memory_space<vmem>> -> memref<1x128xi32, #tpu.memory_space<vmem>>
        %dma_start3A_175 = tpu.memref_squeeze %dma_start3A_174 : memref<1x128xi32, #tpu.memory_space<vmem>> -> memref<128xi32, #tpu.memory_space<vmem>>
        %dma_start3A_176 = arith.constant 0 : i32
        %dma_start3A_177 = arith.constant 0 : i32
        %dma_start3A_178 = tpu.memref_slice %arg7[%dma_start3A_176, %dma_start3A_177] : memref<10240x128xf32, #tpu.memory_space<vmem_shared>> -> memref<10240x128xf32, #tpu.memory_space<vmem_shared>>
        tpu.enqueue_indirect_dma source(%arg10 : memref<128x128xf32, #tpu.memory_space<vmem>>) target(%dma_start3A_178 : memref<10240x128xf32, #tpu.memory_space<vmem_shared>>) offsets(%dma_start3A_175 : memref<128xi32, #tpu.memory_space<vmem>>) semaphore(%run_scoped3A : memref<!tpu.dma_semaphore, #tpu.memory_space<semaphore_mem>>) {add = true}
        %dma_wait3A_179 = arith.constant 0 : i32
        %dma_wait3A_180 = tpu.memref_slice %arg9[%add3A_121, %dma_wait3A_179] : memref<40x128xi32, #tpu.memory_space<vmem>> -> memref<1x128xi32, #tpu.memory_space<vmem>>
        %dma_wait3A_181 = tpu.memref_squeeze %dma_wait3A_180 : memref<1x128xi32, #tpu.memory_space<vmem>> -> memref<128xi32, #tpu.memory_space<vmem>>
        %dma_wait3A_182 = arith.constant 0 : i32
        %dma_wait3A_183 = arith.constant 0 : i32
        %dma_wait3A_184 = tpu.memref_slice %arg7[%dma_wait3A_182, %dma_wait3A_183] : memref<10240x128xf32, #tpu.memory_space<vmem_shared>> -> memref<10240x128xf32, #tpu.memory_space<vmem_shared>>
        tpu.wait_indirect_dma semaphore(%run_scoped3A : memref<!tpu.dma_semaphore, #tpu.memory_space<semaphore_mem>>) src(%arg10 : memref<128x128xf32, #tpu.memory_space<vmem>>) dst(%dma_wait3A_184 : memref<10240x128xf32, #tpu.memory_space<vmem_shared>>)
        tpu.yield
      }) : () -> ()
      %add3A_140 = arith.constant 2 : i32
      %add3A_141 = arith.addi %add3A_121, %add3A_140 : i32
      %lt3A = arith.constant 40 : i32
      %lt3A_142 = arith.cmpi slt, %add3A_141, %lt3A : i32
      %convert_element_type3A = arith.extui %lt3A_142 : i1 to i32
      %cond3A = arith.constant 0 : i32
      %cond3A_143 = arith.cmpi ne, %convert_element_type3A, %cond3A : i32
      scf.if %cond3A_143 {
        %add3A_173 = arith.constant 2 : i32
        %add3A_174 = arith.addi %add3A_121, %add3A_173 : i32
        %dma_start3A_175 = arith.constant 0 : i32
        %dma_start3A_176 = arith.constant 0 : i32
        %dma_start3A_177 = tpu.memref_slice %arg10[%dma_start3A_175, %dma_start3A_176] : memref<128x128xf32, #tpu.memory_space<vmem>> -> memref<64x128xf32, #tpu.memory_space<vmem>>
        %dma_start3A_178 = arith.constant 0 : i32
        %dma_start3A_179 = tpu.memref_slice %arg8[%add3A_174, %dma_start3A_178] : memref<40x128xi32, #tpu.memory_space<vmem>> -> memref<1x64xi32, #tpu.memory_space<vmem>>
        %dma_start3A_180 = tpu.memref_squeeze %dma_start3A_179 : memref<1x64xi32, #tpu.memory_space<vmem>> -> memref<64xi32, #tpu.memory_space<vmem>>
        %dma_start3A_181 = arith.constant 0 : i32
        %dma_start3A_182 = arith.constant 0 : i32
        %dma_start3A_183 = tpu.memref_slice %arg2[%dma_start3A_181, %dma_start3A_182] : memref<10000x128xf32, #tpu.memory_space<hbm>> -> memref<10000x128xf32, #tpu.memory_space<hbm>>
        tpu.enqueue_indirect_dma source(%dma_start3A_183 : memref<10000x128xf32, #tpu.memory_space<hbm>>) target(%dma_start3A_177 : memref<64x128xf32, #tpu.memory_space<vmem>>) offsets(%dma_start3A_180 : memref<64xi32, #tpu.memory_space<vmem>>) semaphore(%arg13 : memref<!tpu.dma_semaphore, #tpu.memory_space<semaphore_mem>>)
        %dma_start3A_184 = arith.constant 64 : i32
        %dma_start3A_185 = arith.constant 0 : i32
        %dma_start3A_186 = tpu.memref_slice %arg10[%dma_start3A_184, %dma_start3A_185] : memref<128x128xf32, #tpu.memory_space<vmem>> -> memref<64x128xf32, #tpu.memory_space<vmem>>
        %dma_start3A_187 = arith.constant 64 : i32
        %dma_start3A_188 = tpu.memref_slice %arg8[%add3A_174, %dma_start3A_187] : memref<40x128xi32, #tpu.memory_space<vmem>> -> memref<1x64xi32, #tpu.memory_space<vmem>>
        %dma_start3A_189 = tpu.memref_squeeze %dma_start3A_188 : memref<1x64xi32, #tpu.memory_space<vmem>> -> memref<64xi32, #tpu.memory_space<vmem>>
        %dma_start3A_190 = arith.constant 0 : i32
        %dma_start3A_191 = arith.constant 0 : i32
        %dma_start3A_192 = tpu.memref_slice %arg2[%dma_start3A_190, %dma_start3A_191] : memref<10000x128xf32, #tpu.memory_space<hbm>> -> memref<10000x128xf32, #tpu.memory_space<hbm>>
        tpu.enqueue_indirect_dma source(%dma_start3A_192 : memref<10000x128xf32, #tpu.memory_space<hbm>>) target(%dma_start3A_186 : memref<64x128xf32, #tpu.memory_space<vmem>>) offsets(%dma_start3A_189 : memref<64xi32, #tpu.memory_space<vmem>>) semaphore(%arg13 : memref<!tpu.dma_semaphore, #tpu.memory_space<semaphore_mem>>)
      } else {
      }
      %mul3A_144 = arith.constant 2 : i32
      %mul3A_145 = arith.muli %scan3A_117, %mul3A_144 : i32
      %add3A_146 = arith.constant 1 : i32
      %add3A_147 = arith.addi %mul3A_145, %add3A_146 : i32
      %dma_wait3A_148 = arith.constant 0 : i32
      %dma_wait3A_149 = arith.constant 0 : i32
      %dma_wait3A_150 = tpu.memref_slice %arg11[%dma_wait3A_148, %dma_wait3A_149] : memref<128x128xf32, #tpu.memory_space<vmem>> -> memref<64x128xf32, #tpu.memory_space<vmem>>
      %dma_wait3A_151 = arith.constant 0 : i32
      %dma_wait3A_152 = tpu.memref_slice %arg8[%add3A_147, %dma_wait3A_151] : memref<40x128xi32, #tpu.memory_space<vmem>> -> memref<1x64xi32, #tpu.memory_space<vmem>>
      %dma_wait3A_153 = tpu.memref_squeeze %dma_wait3A_152 : memref<1x64xi32, #tpu.memory_space<vmem>> -> memref<64xi32, #tpu.memory_space<vmem>>
      %dma_wait3A_154 = arith.constant 0 : i32
      %dma_wait3A_155 = arith.constant 0 : i32
      %dma_wait3A_156 = tpu.memref_slice %arg2[%dma_wait3A_154, %dma_wait3A_155] : memref<10000x128xf32, #tpu.memory_space<hbm>> -> memref<10000x128xf32, #tpu.memory_space<hbm>>
      tpu.wait_indirect_dma semaphore(%arg14 : memref<!tpu.dma_semaphore, #tpu.memory_space<semaphore_mem>>) src(%dma_wait3A_156 : memref<10000x128xf32, #tpu.memory_space<hbm>>) dst(%dma_wait3A_150 : memref<64x128xf32, #tpu.memory_space<vmem>>)
      %dma_wait3A_157 = arith.constant 64 : i32
      %dma_wait3A_158 = arith.constant 0 : i32
      %dma_wait3A_159 = tpu.memref_slice %arg11[%dma_wait3A_157, %dma_wait3A_158] : memref<128x128xf32, #tpu.memory_space<vmem>> -> memref<64x128xf32, #tpu.memory_space<vmem>>
      %dma_wait3A_160 = arith.constant 64 : i32
      %dma_wait3A_161 = tpu.memref_slice %arg8[%add3A_147, %dma_wait3A_160] : memref<40x128xi32, #tpu.memory_space<vmem>> -> memref<1x64xi32, #tpu.memory_space<vmem>>
      %dma_wait3A_162 = tpu.memref_squeeze %dma_wait3A_161 : memref<1x64xi32, #tpu.memory_space<vmem>> -> memref<64xi32, #tpu.memory_space<vmem>>
      %dma_wait3A_163 = arith.constant 0 : i32
      %dma_wait3A_164 = arith.constant 0 : i32
      %dma_wait3A_165 = tpu.memref_slice %arg2[%dma_wait3A_163, %dma_wait3A_164] : memref<10000x128xf32, #tpu.memory_space<hbm>> -> memref<10000x128xf32, #tpu.memory_space<hbm>>
      tpu.wait_indirect_dma semaphore(%arg14 : memref<!tpu.dma_semaphore, #tpu.memory_space<semaphore_mem>>) src(%dma_wait3A_165 : memref<10000x128xf32, #tpu.memory_space<hbm>>) dst(%dma_wait3A_159 : memref<64x128xf32, #tpu.memory_space<vmem>>)
      "tpu.region"() ({
        %run_scoped3A = tpu.sem_alloc : memref<!tpu.dma_semaphore, #tpu.memory_space<semaphore_mem>>
        %dma_start3A_173 = arith.constant 0 : i32
        %dma_start3A_174 = tpu.memref_slice %arg9[%add3A_147, %dma_start3A_173] : memref<40x128xi32, #tpu.memory_space<vmem>> -> memref<1x128xi32, #tpu.memory_space<vmem>>
        %dma_start3A_175 = tpu.memref_squeeze %dma_start3A_174 : memref<1x128xi32, #tpu.memory_space<vmem>> -> memref<128xi32, #tpu.memory_space<vmem>>
        %dma_start3A_176 = arith.constant 0 : i32
        %dma_start3A_177 = arith.constant 0 : i32
        %dma_start3A_178 = tpu.memref_slice %arg7[%dma_start3A_176, %dma_start3A_177] : memref<10240x128xf32, #tpu.memory_space<vmem_shared>> -> memref<10240x128xf32, #tpu.memory_space<vmem_shared>>
        tpu.enqueue_indirect_dma source(%arg11 : memref<128x128xf32, #tpu.memory_space<vmem>>) target(%dma_start3A_178 : memref<10240x128xf32, #tpu.memory_space<vmem_shared>>) offsets(%dma_start3A_175 : memref<128xi32, #tpu.memory_space<vmem>>) semaphore(%run_scoped3A : memref<!tpu.dma_semaphore, #tpu.memory_space<semaphore_mem>>) {add = true}
        %dma_wait3A_179 = arith.constant 0 : i32
        %dma_wait3A_180 = tpu.memref_slice %arg9[%add3A_147, %dma_wait3A_179] : memref<40x128xi32, #tpu.memory_space<vmem>> -> memref<1x128xi32, #tpu.memory_space<vmem>>
        %dma_wait3A_181 = tpu.memref_squeeze %dma_wait3A_180 : memref<1x128xi32, #tpu.memory_space<vmem>> -> memref<128xi32, #tpu.memory_space<vmem>>
        %dma_wait3A_182 = arith.constant 0 : i32
        %dma_wait3A_183 = arith.constant 0 : i32
        %dma_wait3A_184 = tpu.memref_slice %arg7[%dma_wait3A_182, %dma_wait3A_183] : memref<10240x128xf32, #tpu.memory_space<vmem_shared>> -> memref<10240x128xf32, #tpu.memory_space<vmem_shared>>
        tpu.wait_indirect_dma semaphore(%run_scoped3A : memref<!tpu.dma_semaphore, #tpu.memory_space<semaphore_mem>>) src(%arg11 : memref<128x128xf32, #tpu.memory_space<vmem>>) dst(%dma_wait3A_184 : memref<10240x128xf32, #tpu.memory_space<vmem_shared>>)
        tpu.yield
      }) : () -> ()
      %add3A_166 = arith.constant 2 : i32
      %add3A_167 = arith.addi %add3A_147, %add3A_166 : i32
      %lt3A_168 = arith.constant 40 : i32
      %lt3A_169 = arith.cmpi slt, %add3A_167, %lt3A_168 : i32
      %convert_element_type3A_170 = arith.extui %lt3A_169 : i1 to i32
      %cond3A_171 = arith.constant 0 : i32
      %cond3A_172 = arith.cmpi ne, %convert_element_type3A_170, %cond3A_171 : i32
      scf.if %cond3A_172 {
        %add3A_173 = arith.constant 2 : i32
        %add3A_174 = arith.addi %add3A_147, %add3A_173 : i32
        %dma_start3A_175 = arith.constant 0 : i32
        %dma_start3A_176 = arith.constant 0 : i32
        %dma_start3A_177 = tpu.memref_slice %arg11[%dma_start3A_175, %dma_start3A_176] : memref<128x128xf32, #tpu.memory_space<vmem>> -> memref<64x128xf32, #tpu.memory_space<vmem>>
        %dma_start3A_178 = arith.constant 0 : i32
        %dma_start3A_179 = tpu.memref_slice %arg8[%add3A_174, %dma_start3A_178] : memref<40x128xi32, #tpu.memory_space<vmem>> -> memref<1x64xi32, #tpu.memory_space<vmem>>
        %dma_start3A_180 = tpu.memref_squeeze %dma_start3A_179 : memref<1x64xi32, #tpu.memory_space<vmem>> -> memref<64xi32, #tpu.memory_space<vmem>>
        %dma_start3A_181 = arith.constant 0 : i32
        %dma_start3A_182 = arith.constant 0 : i32
        %dma_start3A_183 = tpu.memref_slice %arg2[%dma_start3A_181, %dma_start3A_182] : memref<10000x128xf32, #tpu.memory_space<hbm>> -> memref<10000x128xf32, #tpu.memory_space<hbm>>
        tpu.enqueue_indirect_dma source(%dma_start3A_183 : memref<10000x128xf32, #tpu.memory_space<hbm>>) target(%dma_start3A_177 : memref<64x128xf32, #tpu.memory_space<vmem>>) offsets(%dma_start3A_180 : memref<64xi32, #tpu.memory_space<vmem>>) semaphore(%arg14 : memref<!tpu.dma_semaphore, #tpu.memory_space<semaphore_mem>>)
        %dma_start3A_184 = arith.constant 64 : i32
        %dma_start3A_185 = arith.constant 0 : i32
        %dma_start3A_186 = tpu.memref_slice %arg11[%dma_start3A_184, %dma_start3A_185] : memref<128x128xf32, #tpu.memory_space<vmem>> -> memref<64x128xf32, #tpu.memory_space<vmem>>
        %dma_start3A_187 = arith.constant 64 : i32
        %dma_start3A_188 = tpu.memref_slice %arg8[%add3A_174, %dma_start3A_187] : memref<40x128xi32, #tpu.memory_space<vmem>> -> memref<1x64xi32, #tpu.memory_space<vmem>>
        %dma_start3A_189 = tpu.memref_squeeze %dma_start3A_188 : memref<1x64xi32, #tpu.memory_space<vmem>> -> memref<64xi32, #tpu.memory_space<vmem>>
        %dma_start3A_190 = arith.constant 0 : i32
        %dma_start3A_191 = arith.constant 0 : i32
        %dma_start3A_192 = tpu.memref_slice %arg2[%dma_start3A_190, %dma_start3A_191] : memref<10000x128xf32, #tpu.memory_space<hbm>> -> memref<10000x128xf32, #tpu.memory_space<hbm>>
        tpu.enqueue_indirect_dma source(%dma_start3A_192 : memref<10000x128xf32, #tpu.memory_space<hbm>>) target(%dma_start3A_186 : memref<64x128xf32, #tpu.memory_space<vmem>>) offsets(%dma_start3A_189 : memref<64xi32, #tpu.memory_space<vmem>>) semaphore(%arg14 : memref<!tpu.dma_semaphore, #tpu.memory_space<semaphore_mem>>)
      } else {
      }
    }
    %scan3A_61 = arith.constant 20 : i32
    %add3A_62 = arith.constant 40 : i32
    %add3A_63 = arith.addi %mul3A_2, %add3A_62 : i32
    "tpu.region"() ({
      %run_scoped3A = tpu.sem_alloc : memref<!tpu.dma_semaphore, #tpu.memory_space<semaphore_mem>>
      %dma_start3A_117 = arith.constant 0 : i32
      %dma_start3A_118 = tpu.memref_slice %arg3[%add3A_63, %dma_start3A_117] : memref<2560x128xi32, #tpu.memory_space<hbm>> -> memref<40x128xi32, #tpu.memory_space<hbm>>
      %dma_start3A_119 = arith.constant 0 : i32
      %dma_start3A_120 = tpu.memref_slice %arg3[%add3A_63, %dma_start3A_119] : memref<2560x128xi32, #tpu.memory_space<hbm>> -> memref<40x128xi32, #tpu.memory_space<hbm>>
      tpu.enqueue_dma source(%dma_start3A_120 : memref<40x128xi32, #tpu.memory_space<hbm>>) target(%arg8 : memref<40x128xi32, #tpu.memory_space<vmem>>) target_semaphore(%run_scoped3A : memref<!tpu.dma_semaphore, #tpu.memory_space<semaphore_mem>>)
      %dma_wait3A_121 = arith.constant 0 : i32
      %dma_wait3A_122 = tpu.memref_slice %arg3[%add3A_63, %dma_wait3A_121] : memref<2560x128xi32, #tpu.memory_space<hbm>> -> memref<40x128xi32, #tpu.memory_space<hbm>>
      %dma_wait3A_123 = arith.constant 0 : i32
      %dma_wait3A_124 = tpu.memref_slice %arg3[%add3A_63, %dma_wait3A_123] : memref<2560x128xi32, #tpu.memory_space<hbm>> -> memref<40x128xi32, #tpu.memory_space<hbm>>
      tpu.wait_dma2 semaphore(%run_scoped3A : memref<!tpu.dma_semaphore, #tpu.memory_space<semaphore_mem>>) src(%dma_wait3A_124 : memref<40x128xi32, #tpu.memory_space<hbm>>) dst(%arg8 : memref<40x128xi32, #tpu.memory_space<vmem>>)
      tpu.yield
    }) : () -> ()
    %add3A_64 = arith.constant 40 : i32
    %add3A_65 = arith.addi %mul3A_2, %add3A_64 : i32
    "tpu.region"() ({
      %run_scoped3A = tpu.sem_alloc : memref<!tpu.dma_semaphore, #tpu.memory_space<semaphore_mem>>
      %dma_start3A_117 = arith.constant 0 : i32
      %dma_start3A_118 = tpu.memref_slice %arg4[%add3A_65, %dma_start3A_117] : memref<2560x128xi32, #tpu.memory_space<hbm>> -> memref<40x128xi32, #tpu.memory_space<hbm>>
      %dma_start3A_119 = arith.constant 0 : i32
      %dma_start3A_120 = tpu.memref_slice %arg4[%add3A_65, %dma_start3A_119] : memref<2560x128xi32, #tpu.memory_space<hbm>> -> memref<40x128xi32, #tpu.memory_space<hbm>>
      tpu.enqueue_dma source(%dma_start3A_120 : memref<40x128xi32, #tpu.memory_space<hbm>>) target(%arg9 : memref<40x128xi32, #tpu.memory_space<vmem>>) target_semaphore(%run_scoped3A : memref<!tpu.dma_semaphore, #tpu.memory_space<semaphore_mem>>)
      %dma_wait3A_121 = arith.constant 0 : i32
      %dma_wait3A_122 = tpu.memref_slice %arg4[%add3A_65, %dma_wait3A_121] : memref<2560x128xi32, #tpu.memory_space<hbm>> -> memref<40x128xi32, #tpu.memory_space<hbm>>
      %dma_wait3A_123 = arith.constant 0 : i32
      %dma_wait3A_124 = tpu.memref_slice %arg4[%add3A_65, %dma_wait3A_123] : memref<2560x128xi32, #tpu.memory_space<hbm>> -> memref<40x128xi32, #tpu.memory_space<hbm>>
      tpu.wait_dma2 semaphore(%run_scoped3A : memref<!tpu.dma_semaphore, #tpu.memory_space<semaphore_mem>>) src(%dma_wait3A_124 : memref<40x128xi32, #tpu.memory_space<hbm>>) dst(%arg9 : memref<40x128xi32, #tpu.memory_space<vmem>>)
      tpu.yield
    }) : () -> ()
    %dma_start3A_66 = arith.constant 0 : i32
    %dma_start3A_67 = arith.constant 0 : i32
    %dma_start3A_68 = arith.constant 0 : i32
    %dma_start3A_69 = tpu.memref_slice %arg10[%dma_start3A_67, %dma_start3A_68] : memref<128x128xf32, #tpu.memory_space<vmem>> -> memref<64x128xf32, #tpu.memory_space<vmem>>
    %dma_start3A_70 = arith.constant 0 : i32
    %dma_start3A_71 = tpu.memref_slice %arg8[%dma_start3A_66, %dma_start3A_70] : memref<40x128xi32, #tpu.memory_space<vmem>> -> memref<1x64xi32, #tpu.memory_space<vmem>>
    %dma_start3A_72 = tpu.memref_squeeze %dma_start3A_71 : memref<1x64xi32, #tpu.memory_space<vmem>> -> memref<64xi32, #tpu.memory_space<vmem>>
    %dma_start3A_73 = arith.constant 0 : i32
    %dma_start3A_74 = arith.constant 0 : i32
    %dma_start3A_75 = tpu.memref_slice %arg2[%dma_start3A_73, %dma_start3A_74] : memref<10000x128xf32, #tpu.memory_space<hbm>> -> memref<10000x128xf32, #tpu.memory_space<hbm>>
    tpu.enqueue_indirect_dma source(%dma_start3A_75 : memref<10000x128xf32, #tpu.memory_space<hbm>>) target(%dma_start3A_69 : memref<64x128xf32, #tpu.memory_space<vmem>>) offsets(%dma_start3A_72 : memref<64xi32, #tpu.memory_space<vmem>>) semaphore(%arg13 : memref<!tpu.dma_semaphore, #tpu.memory_space<semaphore_mem>>)
    %dma_start3A_76 = arith.constant 0 : i32
    %dma_start3A_77 = arith.constant 64 : i32
    %dma_start3A_78 = arith.constant 0 : i32
    %dma_start3A_79 = tpu.memref_slice %arg10[%dma_start3A_77, %dma_start3A_78] : memref<128x128xf32, #tpu.memory_space<vmem>> -> memref<64x128xf32, #tpu.memory_space<vmem>>
    %dma_start3A_80 = arith.constant 64 : i32
    %dma_start3A_81 = tpu.memref_slice %arg8[%dma_start3A_76, %dma_start3A_80] : memref<40x128xi32, #tpu.memory_space<vmem>> -> memref<1x64xi32, #tpu.memory_space<vmem>>
    %dma_start3A_82 = tpu.memref_squeeze %dma_start3A_81 : memref<1x64xi32, #tpu.memory_space<vmem>> -> memref<64xi32, #tpu.memory_space<vmem>>
    %dma_start3A_83 = arith.constant 0 : i32
    %dma_start3A_84 = arith.constant 0 : i32
    %dma_start3A_85 = tpu.memref_slice %arg2[%dma_start3A_83, %dma_start3A_84] : memref<10000x128xf32, #tpu.memory_space<hbm>> -> memref<10000x128xf32, #tpu.memory_space<hbm>>
    tpu.enqueue_indirect_dma source(%dma_start3A_85 : memref<10000x128xf32, #tpu.memory_space<hbm>>) target(%dma_start3A_79 : memref<64x128xf32, #tpu.memory_space<vmem>>) offsets(%dma_start3A_82 : memref<64xi32, #tpu.memory_space<vmem>>) semaphore(%arg13 : memref<!tpu.dma_semaphore, #tpu.memory_space<semaphore_mem>>)
    %dma_start3A_86 = arith.constant 1 : i32
    %dma_start3A_87 = arith.constant 0 : i32
    %dma_start3A_88 = arith.constant 0 : i32
    %dma_start3A_89 = tpu.memref_slice %arg11[%dma_start3A_87, %dma_start3A_88] : memref<128x128xf32, #tpu.memory_space<vmem>> -> memref<64x128xf32, #tpu.memory_space<vmem>>
    %dma_start3A_90 = arith.constant 0 : i32
    %dma_start3A_91 = tpu.memref_slice %arg8[%dma_start3A_86, %dma_start3A_90] : memref<40x128xi32, #tpu.memory_space<vmem>> -> memref<1x64xi32, #tpu.memory_space<vmem>>
    %dma_start3A_92 = tpu.memref_squeeze %dma_start3A_91 : memref<1x64xi32, #tpu.memory_space<vmem>> -> memref<64xi32, #tpu.memory_space<vmem>>
    %dma_start3A_93 = arith.constant 0 : i32
    %dma_start3A_94 = arith.constant 0 : i32
    %dma_start3A_95 = tpu.memref_slice %arg2[%dma_start3A_93, %dma_start3A_94] : memref<10000x128xf32, #tpu.memory_space<hbm>> -> memref<10000x128xf32, #tpu.memory_space<hbm>>
    tpu.enqueue_indirect_dma source(%dma_start3A_95 : memref<10000x128xf32, #tpu.memory_space<hbm>>) target(%dma_start3A_89 : memref<64x128xf32, #tpu.memory_space<vmem>>) offsets(%dma_start3A_92 : memref<64xi32, #tpu.memory_space<vmem>>) semaphore(%arg14 : memref<!tpu.dma_semaphore, #tpu.memory_space<semaphore_mem>>)
    %dma_start3A_96 = arith.constant 1 : i32
    %dma_start3A_97 = arith.constant 64 : i32
    %dma_start3A_98 = arith.constant 0 : i32
    %dma_start3A_99 = tpu.memref_slice %arg11[%dma_start3A_97, %dma_start3A_98] : memref<128x128xf32, #tpu.memory_space<vmem>> -> memref<64x128xf32, #tpu.memory_space<vmem>>
    %dma_start3A_100 = arith.constant 64 : i32
    %dma_start3A_101 = tpu.memref_slice %arg8[%dma_start3A_96, %dma_start3A_100] : memref<40x128xi32, #tpu.memory_space<vmem>> -> memref<1x64xi32, #tpu.memory_space<vmem>>
    %dma_start3A_102 = tpu.memref_squeeze %dma_start3A_101 : memref<1x64xi32, #tpu.memory_space<vmem>> -> memref<64xi32, #tpu.memory_space<vmem>>
    %dma_start3A_103 = arith.constant 0 : i32
    %dma_start3A_104 = arith.constant 0 : i32
    %dma_start3A_105 = tpu.memref_slice %arg2[%dma_start3A_103, %dma_start3A_104] : memref<10000x128xf32, #tpu.memory_space<hbm>> -> memref<10000x128xf32, #tpu.memory_space<hbm>>
    tpu.enqueue_indirect_dma source(%dma_start3A_105 : memref<10000x128xf32, #tpu.memory_space<hbm>>) target(%dma_start3A_99 : memref<64x128xf32, #tpu.memory_space<vmem>>) offsets(%dma_start3A_102 : memref<64xi32, #tpu.memory_space<vmem>>) semaphore(%arg14 : memref<!tpu.dma_semaphore, #tpu.memory_space<semaphore_mem>>)
    %scan3A_106 = arith.constant 0 : i32
    %scan3A_107 = arith.constant 0 : i32
    %scan3A_108 = arith.constant 20 : i32
    %scan3A_109 = arith.addi %scan3A_107, %scan3A_108 : i32
    %scan3A_110 = arith.constant 1 : i32
    scf.for %scan3A_117 = %scan3A_107 to %scan3A_109 step %scan3A_110  : i32 {
      %mul3A_118 = arith.constant 2 : i32
      %mul3A_119 = arith.muli %scan3A_117, %mul3A_118 : i32
      %add3A_120 = arith.constant 0 : i32
      %add3A_121 = arith.addi %mul3A_119, %add3A_120 : i32
      %dma_wait3A_122 = arith.constant 0 : i32
      %dma_wait3A_123 = arith.constant 0 : i32
      %dma_wait3A_124 = tpu.memref_slice %arg10[%dma_wait3A_122, %dma_wait3A_123] : memref<128x128xf32, #tpu.memory_space<vmem>> -> memref<64x128xf32, #tpu.memory_space<vmem>>
      %dma_wait3A_125 = arith.constant 0 : i32
      %dma_wait3A_126 = tpu.memref_slice %arg8[%add3A_121, %dma_wait3A_125] : memref<40x128xi32, #tpu.memory_space<vmem>> -> memref<1x64xi32, #tpu.memory_space<vmem>>
      %dma_wait3A_127 = tpu.memref_squeeze %dma_wait3A_126 : memref<1x64xi32, #tpu.memory_space<vmem>> -> memref<64xi32, #tpu.memory_space<vmem>>
      %dma_wait3A_128 = arith.constant 0 : i32
      %dma_wait3A_129 = arith.constant 0 : i32
      %dma_wait3A_130 = tpu.memref_slice %arg2[%dma_wait3A_128, %dma_wait3A_129] : memref<10000x128xf32, #tpu.memory_space<hbm>> -> memref<10000x128xf32, #tpu.memory_space<hbm>>
      tpu.wait_indirect_dma semaphore(%arg13 : memref<!tpu.dma_semaphore, #tpu.memory_space<semaphore_mem>>) src(%dma_wait3A_130 : memref<10000x128xf32, #tpu.memory_space<hbm>>) dst(%dma_wait3A_124 : memref<64x128xf32, #tpu.memory_space<vmem>>)
      %dma_wait3A_131 = arith.constant 64 : i32
      %dma_wait3A_132 = arith.constant 0 : i32
      %dma_wait3A_133 = tpu.memref_slice %arg10[%dma_wait3A_131, %dma_wait3A_132] : memref<128x128xf32, #tpu.memory_space<vmem>> -> memref<64x128xf32, #tpu.memory_space<vmem>>
      %dma_wait3A_134 = arith.constant 64 : i32
      %dma_wait3A_135 = tpu.memref_slice %arg8[%add3A_121, %dma_wait3A_134] : memref<40x128xi32, #tpu.memory_space<vmem>> -> memref<1x64xi32, #tpu.memory_space<vmem>>
      %dma_wait3A_136 = tpu.memref_squeeze %dma_wait3A_135 : memref<1x64xi32, #tpu.memory_space<vmem>> -> memref<64xi32, #tpu.memory_space<vmem>>
      %dma_wait3A_137 = arith.constant 0 : i32
      %dma_wait3A_138 = arith.constant 0 : i32
      %dma_wait3A_139 = tpu.memref_slice %arg2[%dma_wait3A_137, %dma_wait3A_138] : memref<10000x128xf32, #tpu.memory_space<hbm>> -> memref<10000x128xf32, #tpu.memory_space<hbm>>
      tpu.wait_indirect_dma semaphore(%arg13 : memref<!tpu.dma_semaphore, #tpu.memory_space<semaphore_mem>>) src(%dma_wait3A_139 : memref<10000x128xf32, #tpu.memory_space<hbm>>) dst(%dma_wait3A_133 : memref<64x128xf32, #tpu.memory_space<vmem>>)
      "tpu.region"() ({
        %run_scoped3A = tpu.sem_alloc : memref<!tpu.dma_semaphore, #tpu.memory_space<semaphore_mem>>
        %dma_start3A_173 = arith.constant 0 : i32
        %dma_start3A_174 = tpu.memref_slice %arg9[%add3A_121, %dma_start3A_173] : memref<40x128xi32, #tpu.memory_space<vmem>> -> memref<1x128xi32, #tpu.memory_space<vmem>>
        %dma_start3A_175 = tpu.memref_squeeze %dma_start3A_174 : memref<1x128xi32, #tpu.memory_space<vmem>> -> memref<128xi32, #tpu.memory_space<vmem>>
        %dma_start3A_176 = arith.constant 0 : i32
        %dma_start3A_177 = arith.constant 0 : i32
        %dma_start3A_178 = tpu.memref_slice %arg7[%dma_start3A_176, %dma_start3A_177] : memref<10240x128xf32, #tpu.memory_space<vmem_shared>> -> memref<10240x128xf32, #tpu.memory_space<vmem_shared>>
        tpu.enqueue_indirect_dma source(%arg10 : memref<128x128xf32, #tpu.memory_space<vmem>>) target(%dma_start3A_178 : memref<10240x128xf32, #tpu.memory_space<vmem_shared>>) offsets(%dma_start3A_175 : memref<128xi32, #tpu.memory_space<vmem>>) semaphore(%run_scoped3A : memref<!tpu.dma_semaphore, #tpu.memory_space<semaphore_mem>>) {add = true}
        %dma_wait3A_179 = arith.constant 0 : i32
        %dma_wait3A_180 = tpu.memref_slice %arg9[%add3A_121, %dma_wait3A_179] : memref<40x128xi32, #tpu.memory_space<vmem>> -> memref<1x128xi32, #tpu.memory_space<vmem>>
        %dma_wait3A_181 = tpu.memref_squeeze %dma_wait3A_180 : memref<1x128xi32, #tpu.memory_space<vmem>> -> memref<128xi32, #tpu.memory_space<vmem>>
        %dma_wait3A_182 = arith.constant 0 : i32
        %dma_wait3A_183 = arith.constant 0 : i32
        %dma_wait3A_184 = tpu.memref_slice %arg7[%dma_wait3A_182, %dma_wait3A_183] : memref<10240x128xf32, #tpu.memory_space<vmem_shared>> -> memref<10240x128xf32, #tpu.memory_space<vmem_shared>>
        tpu.wait_indirect_dma semaphore(%run_scoped3A : memref<!tpu.dma_semaphore, #tpu.memory_space<semaphore_mem>>) src(%arg10 : memref<128x128xf32, #tpu.memory_space<vmem>>) dst(%dma_wait3A_184 : memref<10240x128xf32, #tpu.memory_space<vmem_shared>>)
        tpu.yield
      }) : () -> ()
      %add3A_140 = arith.constant 2 : i32
      %add3A_141 = arith.addi %add3A_121, %add3A_140 : i32
      %lt3A = arith.constant 40 : i32
      %lt3A_142 = arith.cmpi slt, %add3A_141, %lt3A : i32
      %convert_element_type3A = arith.extui %lt3A_142 : i1 to i32
      %cond3A = arith.constant 0 : i32
      %cond3A_143 = arith.cmpi ne, %convert_element_type3A, %cond3A : i32
      scf.if %cond3A_143 {
        %add3A_173 = arith.constant 2 : i32
        %add3A_174 = arith.addi %add3A_121, %add3A_173 : i32
        %dma_start3A_175 = arith.constant 0 : i32
        %dma_start3A_176 = arith.constant 0 : i32
        %dma_start3A_177 = tpu.memref_slice %arg10[%dma_start3A_175, %dma_start3A_176] : memref<128x128xf32, #tpu.memory_space<vmem>> -> memref<64x128xf32, #tpu.memory_space<vmem>>
        %dma_start3A_178 = arith.constant 0 : i32
        %dma_start3A_179 = tpu.memref_slice %arg8[%add3A_174, %dma_start3A_178] : memref<40x128xi32, #tpu.memory_space<vmem>> -> memref<1x64xi32, #tpu.memory_space<vmem>>
        %dma_start3A_180 = tpu.memref_squeeze %dma_start3A_179 : memref<1x64xi32, #tpu.memory_space<vmem>> -> memref<64xi32, #tpu.memory_space<vmem>>
        %dma_start3A_181 = arith.constant 0 : i32
        %dma_start3A_182 = arith.constant 0 : i32
        %dma_start3A_183 = tpu.memref_slice %arg2[%dma_start3A_181, %dma_start3A_182] : memref<10000x128xf32, #tpu.memory_space<hbm>> -> memref<10000x128xf32, #tpu.memory_space<hbm>>
        tpu.enqueue_indirect_dma source(%dma_start3A_183 : memref<10000x128xf32, #tpu.memory_space<hbm>>) target(%dma_start3A_177 : memref<64x128xf32, #tpu.memory_space<vmem>>) offsets(%dma_start3A_180 : memref<64xi32, #tpu.memory_space<vmem>>) semaphore(%arg13 : memref<!tpu.dma_semaphore, #tpu.memory_space<semaphore_mem>>)
        %dma_start3A_184 = arith.constant 64 : i32
        %dma_start3A_185 = arith.constant 0 : i32
        %dma_start3A_186 = tpu.memref_slice %arg10[%dma_start3A_184, %dma_start3A_185] : memref<128x128xf32, #tpu.memory_space<vmem>> -> memref<64x128xf32, #tpu.memory_space<vmem>>
        %dma_start3A_187 = arith.constant 64 : i32
        %dma_start3A_188 = tpu.memref_slice %arg8[%add3A_174, %dma_start3A_187] : memref<40x128xi32, #tpu.memory_space<vmem>> -> memref<1x64xi32, #tpu.memory_space<vmem>>
        %dma_start3A_189 = tpu.memref_squeeze %dma_start3A_188 : memref<1x64xi32, #tpu.memory_space<vmem>> -> memref<64xi32, #tpu.memory_space<vmem>>
        %dma_start3A_190 = arith.constant 0 : i32
        %dma_start3A_191 = arith.constant 0 : i32
        %dma_start3A_192 = tpu.memref_slice %arg2[%dma_start3A_190, %dma_start3A_191] : memref<10000x128xf32, #tpu.memory_space<hbm>> -> memref<10000x128xf32, #tpu.memory_space<hbm>>
        tpu.enqueue_indirect_dma source(%dma_start3A_192 : memref<10000x128xf32, #tpu.memory_space<hbm>>) target(%dma_start3A_186 : memref<64x128xf32, #tpu.memory_space<vmem>>) offsets(%dma_start3A_189 : memref<64xi32, #tpu.memory_space<vmem>>) semaphore(%arg13 : memref<!tpu.dma_semaphore, #tpu.memory_space<semaphore_mem>>)
      } else {
      }
      %mul3A_144 = arith.constant 2 : i32
      %mul3A_145 = arith.muli %scan3A_117, %mul3A_144 : i32
      %add3A_146 = arith.constant 1 : i32
      %add3A_147 = arith.addi %mul3A_145, %add3A_146 : i32
      %dma_wait3A_148 = arith.constant 0 : i32
      %dma_wait3A_149 = arith.constant 0 : i32
      %dma_wait3A_150 = tpu.memref_slice %arg11[%dma_wait3A_148, %dma_wait3A_149] : memref<128x128xf32, #tpu.memory_space<vmem>> -> memref<64x128xf32, #tpu.memory_space<vmem>>
      %dma_wait3A_151 = arith.constant 0 : i32
      %dma_wait3A_152 = tpu.memref_slice %arg8[%add3A_147, %dma_wait3A_151] : memref<40x128xi32, #tpu.memory_space<vmem>> -> memref<1x64xi32, #tpu.memory_space<vmem>>
      %dma_wait3A_153 = tpu.memref_squeeze %dma_wait3A_152 : memref<1x64xi32, #tpu.memory_space<vmem>> -> memref<64xi32, #tpu.memory_space<vmem>>
      %dma_wait3A_154 = arith.constant 0 : i32
      %dma_wait3A_155 = arith.constant 0 : i32
      %dma_wait3A_156 = tpu.memref_slice %arg2[%dma_wait3A_154, %dma_wait3A_155] : memref<10000x128xf32, #tpu.memory_space<hbm>> -> memref<10000x128xf32, #tpu.memory_space<hbm>>
      tpu.wait_indirect_dma semaphore(%arg14 : memref<!tpu.dma_semaphore, #tpu.memory_space<semaphore_mem>>) src(%dma_wait3A_156 : memref<10000x128xf32, #tpu.memory_space<hbm>>) dst(%dma_wait3A_150 : memref<64x128xf32, #tpu.memory_space<vmem>>)
      %dma_wait3A_157 = arith.constant 64 : i32
      %dma_wait3A_158 = arith.constant 0 : i32
      %dma_wait3A_159 = tpu.memref_slice %arg11[%dma_wait3A_157, %dma_wait3A_158] : memref<128x128xf32, #tpu.memory_space<vmem>> -> memref<64x128xf32, #tpu.memory_space<vmem>>
      %dma_wait3A_160 = arith.constant 64 : i32
      %dma_wait3A_161 = tpu.memref_slice %arg8[%add3A_147, %dma_wait3A_160] : memref<40x128xi32, #tpu.memory_space<vmem>> -> memref<1x64xi32, #tpu.memory_space<vmem>>
      %dma_wait3A_162 = tpu.memref_squeeze %dma_wait3A_161 : memref<1x64xi32, #tpu.memory_space<vmem>> -> memref<64xi32, #tpu.memory_space<vmem>>
      %dma_wait3A_163 = arith.constant 0 : i32
      %dma_wait3A_164 = arith.constant 0 : i32
      %dma_wait3A_165 = tpu.memref_slice %arg2[%dma_wait3A_163, %dma_wait3A_164] : memref<10000x128xf32, #tpu.memory_space<hbm>> -> memref<10000x128xf32, #tpu.memory_space<hbm>>
      tpu.wait_indirect_dma semaphore(%arg14 : memref<!tpu.dma_semaphore, #tpu.memory_space<semaphore_mem>>) src(%dma_wait3A_165 : memref<10000x128xf32, #tpu.memory_space<hbm>>) dst(%dma_wait3A_159 : memref<64x128xf32, #tpu.memory_space<vmem>>)
      "tpu.region"() ({
        %run_scoped3A = tpu.sem_alloc : memref<!tpu.dma_semaphore, #tpu.memory_space<semaphore_mem>>
        %dma_start3A_173 = arith.constant 0 : i32
        %dma_start3A_174 = tpu.memref_slice %arg9[%add3A_147, %dma_start3A_173] : memref<40x128xi32, #tpu.memory_space<vmem>> -> memref<1x128xi32, #tpu.memory_space<vmem>>
        %dma_start3A_175 = tpu.memref_squeeze %dma_start3A_174 : memref<1x128xi32, #tpu.memory_space<vmem>> -> memref<128xi32, #tpu.memory_space<vmem>>
        %dma_start3A_176 = arith.constant 0 : i32
        %dma_start3A_177 = arith.constant 0 : i32
        %dma_start3A_178 = tpu.memref_slice %arg7[%dma_start3A_176, %dma_start3A_177] : memref<10240x128xf32, #tpu.memory_space<vmem_shared>> -> memref<10240x128xf32, #tpu.memory_space<vmem_shared>>
        tpu.enqueue_indirect_dma source(%arg11 : memref<128x128xf32, #tpu.memory_space<vmem>>) target(%dma_start3A_178 : memref<10240x128xf32, #tpu.memory_space<vmem_shared>>) offsets(%dma_start3A_175 : memref<128xi32, #tpu.memory_space<vmem>>) semaphore(%run_scoped3A : memref<!tpu.dma_semaphore, #tpu.memory_space<semaphore_mem>>) {add = true}
        %dma_wait3A_179 = arith.constant 0 : i32
        %dma_wait3A_180 = tpu.memref_slice %arg9[%add3A_147, %dma_wait3A_179] : memref<40x128xi32, #tpu.memory_space<vmem>> -> memref<1x128xi32, #tpu.memory_space<vmem>>
        %dma_wait3A_181 = tpu.memref_squeeze %dma_wait3A_180 : memref<1x128xi32, #tpu.memory_space<vmem>> -> memref<128xi32, #tpu.memory_space<vmem>>
        %dma_wait3A_182 = arith.constant 0 : i32
        %dma_wait3A_183 = arith.constant 0 : i32
        %dma_wait3A_184 = tpu.memref_slice %arg7[%dma_wait3A_182, %dma_wait3A_183] : memref<10240x128xf32, #tpu.memory_space<vmem_shared>> -> memref<10240x128xf32, #tpu.memory_space<vmem_shared>>
        tpu.wait_indirect_dma semaphore(%run_scoped3A : memref<!tpu.dma_semaphore, #tpu.memory_space<semaphore_mem>>) src(%arg11 : memref<128x128xf32, #tpu.memory_space<vmem>>) dst(%dma_wait3A_184 : memref<10240x128xf32, #tpu.memory_space<vmem_shared>>)
        tpu.yield
      }) : () -> ()
      %add3A_166 = arith.constant 2 : i32
      %add3A_167 = arith.addi %add3A_147, %add3A_166 : i32
      %lt3A_168 = arith.constant 40 : i32
      %lt3A_169 = arith.cmpi slt, %add3A_167, %lt3A_168 : i32
      %convert_element_type3A_170 = arith.extui %lt3A_169 : i1 to i32
      %cond3A_171 = arith.constant 0 : i32
      %cond3A_172 = arith.cmpi ne, %convert_element_type3A_170, %cond3A_171 : i32
      scf.if %cond3A_172 {
        %add3A_173 = arith.constant 2 : i32
        %add3A_174 = arith.addi %add3A_147, %add3A_173 : i32
        %dma_start3A_175 = arith.constant 0 : i32
        %dma_start3A_176 = arith.constant 0 : i32
        %dma_start3A_177 = tpu.memref_slice %arg11[%dma_start3A_175, %dma_start3A_176] : memref<128x128xf32, #tpu.memory_space<vmem>> -> memref<64x128xf32, #tpu.memory_space<vmem>>
        %dma_start3A_178 = arith.constant 0 : i32
        %dma_start3A_179 = tpu.memref_slice %arg8[%add3A_174, %dma_start3A_178] : memref<40x128xi32, #tpu.memory_space<vmem>> -> memref<1x64xi32, #tpu.memory_space<vmem>>
        %dma_start3A_180 = tpu.memref_squeeze %dma_start3A_179 : memref<1x64xi32, #tpu.memory_space<vmem>> -> memref<64xi32, #tpu.memory_space<vmem>>
        %dma_start3A_181 = arith.constant 0 : i32
        %dma_start3A_182 = arith.constant 0 : i32
        %dma_start3A_183 = tpu.memref_slice %arg2[%dma_start3A_181, %dma_start3A_182] : memref<10000x128xf32, #tpu.memory_space<hbm>> -> memref<10000x128xf32, #tpu.memory_space<hbm>>
        tpu.enqueue_indirect_dma source(%dma_start3A_183 : memref<10000x128xf32, #tpu.memory_space<hbm>>) target(%dma_start3A_177 : memref<64x128xf32, #tpu.memory_space<vmem>>) offsets(%dma_start3A_180 : memref<64xi32, #tpu.memory_space<vmem>>) semaphore(%arg14 : memref<!tpu.dma_semaphore, #tpu.memory_space<semaphore_mem>>)
        %dma_start3A_184 = arith.constant 64 : i32
        %dma_start3A_185 = arith.constant 0 : i32
        %dma_start3A_186 = tpu.memref_slice %arg11[%dma_start3A_184, %dma_start3A_185] : memref<128x128xf32, #tpu.memory_space<vmem>> -> memref<64x128xf32, #tpu.memory_space<vmem>>
        %dma_start3A_187 = arith.constant 64 : i32
        %dma_start3A_188 = tpu.memref_slice %arg8[%add3A_174, %dma_start3A_187] : memref<40x128xi32, #tpu.memory_space<vmem>> -> memref<1x64xi32, #tpu.memory_space<vmem>>
        %dma_start3A_189 = tpu.memref_squeeze %dma_start3A_188 : memref<1x64xi32, #tpu.memory_space<vmem>> -> memref<64xi32, #tpu.memory_space<vmem>>
        %dma_start3A_190 = arith.constant 0 : i32
        %dma_start3A_191 = arith.constant 0 : i32
        %dma_start3A_192 = tpu.memref_slice %arg2[%dma_start3A_190, %dma_start3A_191] : memref<10000x128xf32, #tpu.memory_space<hbm>> -> memref<10000x128xf32, #tpu.memory_space<hbm>>
        tpu.enqueue_indirect_dma source(%dma_start3A_192 : memref<10000x128xf32, #tpu.memory_space<hbm>>) target(%dma_start3A_186 : memref<64x128xf32, #tpu.memory_space<vmem>>) offsets(%dma_start3A_189 : memref<64xi32, #tpu.memory_space<vmem>>) semaphore(%arg14 : memref<!tpu.dma_semaphore, #tpu.memory_space<semaphore_mem>>)
      } else {
      }
    }
    %scan3A_111 = arith.constant 20 : i32
    %barrier3A_112 = arith.constant 0 : index
    tpu.barrier barrier_id(%barrier3A_112)
    %mul3A_113 = arith.constant 640 : i32
    %mul3A_114 = arith.muli %arg1, %mul3A_113 : i32
    %mul3A_115 = arith.constant 640 : i32
    %mul3A_116 = arith.muli %arg1, %mul3A_115 : i32
    "tpu.region"() ({
      %run_scoped3A = tpu.sem_alloc : memref<!tpu.dma_semaphore, #tpu.memory_space<semaphore_mem>>
      %dma_start3A_117 = arith.constant 0 : i32
      %dma_start3A_118 = tpu.memref_slice %arg6[%arg0, %mul3A_116, %dma_start3A_117] : memref<2x10240x128xf32, #tpu.memory_space<hbm>> -> memref<1x640x128xf32, #tpu.memory_space<hbm>>
      %dma_start3A_119 = tpu.memref_squeeze %dma_start3A_118 : memref<1x640x128xf32, #tpu.memory_space<hbm>> -> memref<640x128xf32, #tpu.memory_space<hbm>>
      %dma_start3A_120 = arith.constant 0 : i32
      %dma_start3A_121 = tpu.memref_slice %arg7[%mul3A_114, %dma_start3A_120] : memref<10240x128xf32, #tpu.memory_space<vmem_shared>> -> memref<640x128xf32, #tpu.memory_space<vmem_shared>>
      tpu.enqueue_dma source(%dma_start3A_121 : memref<640x128xf32, #tpu.memory_space<vmem_shared>>) target(%dma_start3A_119 : memref<640x128xf32, #tpu.memory_space<hbm>>) target_semaphore(%run_scoped3A : memref<!tpu.dma_semaphore, #tpu.memory_space<semaphore_mem>>)
      %dma_wait3A_122 = arith.constant 0 : i32
      %dma_wait3A_123 = tpu.memref_slice %arg6[%arg0, %mul3A_116, %dma_wait3A_122] : memref<2x10240x128xf32, #tpu.memory_space<hbm>> -> memref<1x640x128xf32, #tpu.memory_space<hbm>>
      %dma_wait3A_124 = tpu.memref_squeeze %dma_wait3A_123 : memref<1x640x128xf32, #tpu.memory_space<hbm>> -> memref<640x128xf32, #tpu.memory_space<hbm>>
      %dma_wait3A_125 = arith.constant 0 : i32
      %dma_wait3A_126 = tpu.memref_slice %arg7[%mul3A_114, %dma_wait3A_125] : memref<10240x128xf32, #tpu.memory_space<vmem_shared>> -> memref<640x128xf32, #tpu.memory_space<vmem_shared>>
      tpu.wait_dma2 semaphore(%run_scoped3A : memref<!tpu.dma_semaphore, #tpu.memory_space<semaphore_mem>>) src(%dma_wait3A_126 : memref<640x128xf32, #tpu.memory_space<vmem_shared>>) dst(%dma_wait3A_124 : memref<640x128xf32, #tpu.memory_space<hbm>>)
      tpu.yield
    }) : () -> ()
    return
  }
}

#map = affine_map<(d0, d1) -> (0, 0)>
#map1 = affine_map<(d0, d1) -> (0, 0, 0)>
module attributes {stable_mosaic.version = 14 : i64} {
  func.func @_agg_body(%arg0: i32, %arg1: i32, %arg2: memref<10000x128xf32, #tpu.memory_space<hbm>>, %arg3: memref<2560x128xi32, #tpu.memory_space<hbm>>, %arg4: memref<2560x128xi32, #tpu.memory_space<hbm>>, %arg5: memref<10240x128xf32, #tpu.memory_space<hbm>>, %arg6: memref<2x10240x128xf32, #tpu.memory_space<hbm>>, %arg7: memref<10240x128xf32, #tpu.memory_space<vmem_shared>>, %arg8: memref<40x128xi32, #tpu.memory_space<vmem>>, %arg9: memref<40x128xi32, #tpu.memory_space<vmem>>, %arg10: memref<128x128xf32, #tpu.memory_space<vmem>>, %arg11: memref<128x128xf32, #tpu.memory_space<vmem>>, %arg12: memref<!tpu.dma_semaphore, #tpu.memory_space<semaphore_mem>>, %arg13: memref<!tpu.dma_semaphore, #tpu.memory_space<semaphore_mem>>, %arg14: memref<!tpu.dma_semaphore, #tpu.memory_space<semaphore_mem>>) attributes {dimension_semantics = [#tpu.dimension_semantics<core_parallel>, #tpu.dimension_semantics<subcore_parallel>], iteration_bounds = array<i64: 2, 16>, scalar_prefetch = 0 : i64, scratch_operands = 8 : i64, tpu.core_type = #tpu.core_type<sc_vector_subcore>, window_params = [{transform_indices = #map}, {transform_indices = #map}, {transform_indices = #map}, {transform_indices = #map}, {transform_indices = #map1}]} {
    %mul3A = arith.constant 2 : i32
    %mul3A_0 = arith.muli %arg1, %mul3A : i32
    %add3A = arith.addi %mul3A_0, %arg0 : i32
    %mul3A_1 = arith.constant 80 : i32
    %mul3A_2 = arith.muli %add3A, %mul3A_1 : i32
    %mul3A_3 = arith.constant 640 : i32
    %mul3A_4 = arith.muli %arg1, %mul3A_3 : i32
    %mul3A_5 = arith.constant 640 : i32
    %mul3A_6 = arith.muli %arg1, %mul3A_5 : i32
    %dma_start3A = arith.constant 0 : i32
    %dma_start3A_7 = tpu.memref_slice %arg7[%mul3A_6, %dma_start3A] : memref<10240x128xf32, #tpu.memory_space<vmem_shared>> -> memref<640x128xf32, #tpu.memory_space<vmem_shared>>
    %dma_start3A_8 = arith.constant 0 : i32
    %dma_start3A_9 = tpu.memref_slice %arg5[%mul3A_4, %dma_start3A_8] : memref<10240x128xf32, #tpu.memory_space<hbm>> -> memref<640x128xf32, #tpu.memory_space<hbm>>
    tpu.enqueue_dma source(%dma_start3A_9 : memref<640x128xf32, #tpu.memory_space<hbm>>) target(%dma_start3A_7 : memref<640x128xf32, #tpu.memory_space<vmem_shared>>) target_semaphore(%arg12 : memref<!tpu.dma_semaphore, #tpu.memory_space<semaphore_mem>>)
    %add3A_10 = arith.constant 0 : i32
    %add3A_11 = arith.addi %mul3A_2, %add3A_10 : i32
    "tpu.region"() ({
      %run_scoped3A = tpu.sem_alloc : memref<!tpu.dma_semaphore, #tpu.memory_space<semaphore_mem>>
      %dma_start3A_117 = arith.constant 0 : i32
      %dma_start3A_118 = tpu.memref_slice %arg3[%add3A_11, %dma_start3A_117] : memref<2560x128xi32, #tpu.memory_space<hbm>> -> memref<40x128xi32, #tpu.memory_space<hbm>>
      %dma_start3A_119 = arith.constant 0 : i32
      %dma_start3A_120 = tpu.memref_slice %arg3[%add3A_11, %dma_start3A_119] : memref<2560x128xi32, #tpu.memory_space<hbm>> -> memref<40x128xi32, #tpu.memory_space<hbm>>
      tpu.enqueue_dma source(%dma_start3A_120 : memref<40x128xi32, #tpu.memory_space<hbm>>) target(%arg8 : memref<40x128xi32, #tpu.memory_space<vmem>>) target_semaphore(%run_scoped3A : memref<!tpu.dma_semaphore, #tpu.memory_space<semaphore_mem>>)
      %dma_wait3A_121 = arith.constant 0 : i32
      %dma_wait3A_122 = tpu.memref_slice %arg3[%add3A_11, %dma_wait3A_121] : memref<2560x128xi32, #tpu.memory_space<hbm>> -> memref<40x128xi32, #tpu.memory_space<hbm>>
      %dma_wait3A_123 = arith.constant 0 : i32
      %dma_wait3A_124 = tpu.memref_slice %arg3[%add3A_11, %dma_wait3A_123] : memref<2560x128xi32, #tpu.memory_space<hbm>> -> memref<40x128xi32, #tpu.memory_space<hbm>>
      tpu.wait_dma2 semaphore(%run_scoped3A : memref<!tpu.dma_semaphore, #tpu.memory_space<semaphore_mem>>) src(%dma_wait3A_124 : memref<40x128xi32, #tpu.memory_space<hbm>>) dst(%arg8 : memref<40x128xi32, #tpu.memory_space<vmem>>)
      tpu.yield
    }) : () -> ()
    %add3A_12 = arith.constant 0 : i32
    %add3A_13 = arith.addi %mul3A_2, %add3A_12 : i32
    "tpu.region"() ({
      %run_scoped3A = tpu.sem_alloc : memref<!tpu.dma_semaphore, #tpu.memory_space<semaphore_mem>>
      %dma_start3A_117 = arith.constant 0 : i32
      %dma_start3A_118 = tpu.memref_slice %arg4[%add3A_13, %dma_start3A_117] : memref<2560x128xi32, #tpu.memory_space<hbm>> -> memref<40x128xi32, #tpu.memory_space<hbm>>
      %dma_start3A_119 = arith.constant 0 : i32
      %dma_start3A_120 = tpu.memref_slice %arg4[%add3A_13, %dma_start3A_119] : memref<2560x128xi32, #tpu.memory_space<hbm>> -> memref<40x128xi32, #tpu.memory_space<hbm>>
      tpu.enqueue_dma source(%dma_start3A_120 : memref<40x128xi32, #tpu.memory_space<hbm>>) target(%arg9 : memref<40x128xi32, #tpu.memory_space<vmem>>) target_semaphore(%run_scoped3A : memref<!tpu.dma_semaphore, #tpu.memory_space<semaphore_mem>>)
      %dma_wait3A_121 = arith.constant 0 : i32
      %dma_wait3A_122 = tpu.memref_slice %arg4[%add3A_13, %dma_wait3A_121] : memref<2560x128xi32, #tpu.memory_space<hbm>> -> memref<40x128xi32, #tpu.memory_space<hbm>>
      %dma_wait3A_123 = arith.constant 0 : i32
      %dma_wait3A_124 = tpu.memref_slice %arg4[%add3A_13, %dma_wait3A_123] : memref<2560x128xi32, #tpu.memory_space<hbm>> -> memref<40x128xi32, #tpu.memory_space<hbm>>
      tpu.wait_dma2 semaphore(%run_scoped3A : memref<!tpu.dma_semaphore, #tpu.memory_space<semaphore_mem>>) src(%dma_wait3A_124 : memref<40x128xi32, #tpu.memory_space<hbm>>) dst(%arg9 : memref<40x128xi32, #tpu.memory_space<vmem>>)
      tpu.yield
    }) : () -> ()
    %dma_start3A_14 = arith.constant 0 : i32
    %dma_start3A_15 = arith.constant 0 : i32
    %dma_start3A_16 = arith.constant 0 : i32
    %dma_start3A_17 = tpu.memref_slice %arg10[%dma_start3A_15, %dma_start3A_16] : memref<128x128xf32, #tpu.memory_space<vmem>> -> memref<64x128xf32, #tpu.memory_space<vmem>>
    %dma_start3A_18 = arith.constant 0 : i32
    %dma_start3A_19 = tpu.memref_slice %arg8[%dma_start3A_14, %dma_start3A_18] : memref<40x128xi32, #tpu.memory_space<vmem>> -> memref<1x64xi32, #tpu.memory_space<vmem>>
    %dma_start3A_20 = tpu.memref_squeeze %dma_start3A_19 : memref<1x64xi32, #tpu.memory_space<vmem>> -> memref<64xi32, #tpu.memory_space<vmem>>
    %dma_start3A_21 = arith.constant 0 : i32
    %dma_start3A_22 = arith.constant 0 : i32
    %dma_start3A_23 = tpu.memref_slice %arg2[%dma_start3A_21, %dma_start3A_22] : memref<10000x128xf32, #tpu.memory_space<hbm>> -> memref<10000x128xf32, #tpu.memory_space<hbm>>
    tpu.enqueue_indirect_dma source(%dma_start3A_23 : memref<10000x128xf32, #tpu.memory_space<hbm>>) target(%dma_start3A_17 : memref<64x128xf32, #tpu.memory_space<vmem>>) offsets(%dma_start3A_20 : memref<64xi32, #tpu.memory_space<vmem>>) semaphore(%arg13 : memref<!tpu.dma_semaphore, #tpu.memory_space<semaphore_mem>>)
    %dma_start3A_24 = arith.constant 0 : i32
    %dma_start3A_25 = arith.constant 64 : i32
    %dma_start3A_26 = arith.constant 0 : i32
    %dma_start3A_27 = tpu.memref_slice %arg10[%dma_start3A_25, %dma_start3A_26] : memref<128x128xf32, #tpu.memory_space<vmem>> -> memref<64x128xf32, #tpu.memory_space<vmem>>
    %dma_start3A_28 = arith.constant 64 : i32
    %dma_start3A_29 = tpu.memref_slice %arg8[%dma_start3A_24, %dma_start3A_28] : memref<40x128xi32, #tpu.memory_space<vmem>> -> memref<1x64xi32, #tpu.memory_space<vmem>>
    %dma_start3A_30 = tpu.memref_squeeze %dma_start3A_29 : memref<1x64xi32, #tpu.memory_space<vmem>> -> memref<64xi32, #tpu.memory_space<vmem>>
    %dma_start3A_31 = arith.constant 0 : i32
    %dma_start3A_32 = arith.constant 0 : i32
    %dma_start3A_33 = tpu.memref_slice %arg2[%dma_start3A_31, %dma_start3A_32] : memref<10000x128xf32, #tpu.memory_space<hbm>> -> memref<10000x128xf32, #tpu.memory_space<hbm>>
    tpu.enqueue_indirect_dma source(%dma_start3A_33 : memref<10000x128xf32, #tpu.memory_space<hbm>>) target(%dma_start3A_27 : memref<64x128xf32, #tpu.memory_space<vmem>>) offsets(%dma_start3A_30 : memref<64xi32, #tpu.memory_space<vmem>>) semaphore(%arg13 : memref<!tpu.dma_semaphore, #tpu.memory_space<semaphore_mem>>)
    %dma_start3A_34 = arith.constant 1 : i32
    %dma_start3A_35 = arith.constant 0 : i32
    %dma_start3A_36 = arith.constant 0 : i32
    %dma_start3A_37 = tpu.memref_slice %arg11[%dma_start3A_35, %dma_start3A_36] : memref<128x128xf32, #tpu.memory_space<vmem>> -> memref<64x128xf32, #tpu.memory_space<vmem>>
    %dma_start3A_38 = arith.constant 0 : i32
    %dma_start3A_39 = tpu.memref_slice %arg8[%dma_start3A_34, %dma_start3A_38] : memref<40x128xi32, #tpu.memory_space<vmem>> -> memref<1x64xi32, #tpu.memory_space<vmem>>
    %dma_start3A_40 = tpu.memref_squeeze %dma_start3A_39 : memref<1x64xi32, #tpu.memory_space<vmem>> -> memref<64xi32, #tpu.memory_space<vmem>>
    %dma_start3A_41 = arith.constant 0 : i32
    %dma_start3A_42 = arith.constant 0 : i32
    %dma_start3A_43 = tpu.memref_slice %arg2[%dma_start3A_41, %dma_start3A_42] : memref<10000x128xf32, #tpu.memory_space<hbm>> -> memref<10000x128xf32, #tpu.memory_space<hbm>>
    tpu.enqueue_indirect_dma source(%dma_start3A_43 : memref<10000x128xf32, #tpu.memory_space<hbm>>) target(%dma_start3A_37 : memref<64x128xf32, #tpu.memory_space<vmem>>) offsets(%dma_start3A_40 : memref<64xi32, #tpu.memory_space<vmem>>) semaphore(%arg14 : memref<!tpu.dma_semaphore, #tpu.memory_space<semaphore_mem>>)
    %dma_start3A_44 = arith.constant 1 : i32
    %dma_start3A_45 = arith.constant 64 : i32
    %dma_start3A_46 = arith.constant 0 : i32
    %dma_start3A_47 = tpu.memref_slice %arg11[%dma_start3A_45, %dma_start3A_46] : memref<128x128xf32, #tpu.memory_space<vmem>> -> memref<64x128xf32, #tpu.memory_space<vmem>>
    %dma_start3A_48 = arith.constant 64 : i32
    %dma_start3A_49 = tpu.memref_slice %arg8[%dma_start3A_44, %dma_start3A_48] : memref<40x128xi32, #tpu.memory_space<vmem>> -> memref<1x64xi32, #tpu.memory_space<vmem>>
    %dma_start3A_50 = tpu.memref_squeeze %dma_start3A_49 : memref<1x64xi32, #tpu.memory_space<vmem>> -> memref<64xi32, #tpu.memory_space<vmem>>
    %dma_start3A_51 = arith.constant 0 : i32
    %dma_start3A_52 = arith.constant 0 : i32
    %dma_start3A_53 = tpu.memref_slice %arg2[%dma_start3A_51, %dma_start3A_52] : memref<10000x128xf32, #tpu.memory_space<hbm>> -> memref<10000x128xf32, #tpu.memory_space<hbm>>
    tpu.enqueue_indirect_dma source(%dma_start3A_53 : memref<10000x128xf32, #tpu.memory_space<hbm>>) target(%dma_start3A_47 : memref<64x128xf32, #tpu.memory_space<vmem>>) offsets(%dma_start3A_50 : memref<64xi32, #tpu.memory_space<vmem>>) semaphore(%arg14 : memref<!tpu.dma_semaphore, #tpu.memory_space<semaphore_mem>>)
    %dma_wait3A = arith.constant 0 : i32
    %dma_wait3A_54 = tpu.memref_slice %arg7[%mul3A_6, %dma_wait3A] : memref<10240x128xf32, #tpu.memory_space<vmem_shared>> -> memref<640x128xf32, #tpu.memory_space<vmem_shared>>
    %dma_wait3A_55 = arith.constant 0 : i32
    %dma_wait3A_56 = tpu.memref_slice %arg5[%mul3A_4, %dma_wait3A_55] : memref<10240x128xf32, #tpu.memory_space<hbm>> -> memref<640x128xf32, #tpu.memory_space<hbm>>
    tpu.wait_dma2 semaphore(%arg12 : memref<!tpu.dma_semaphore, #tpu.memory_space<semaphore_mem>>) src(%dma_wait3A_56 : memref<640x128xf32, #tpu.memory_space<hbm>>) dst(%dma_wait3A_54 : memref<640x128xf32, #tpu.memory_space<vmem_shared>>)
    %barrier3A = arith.constant 0 : index
    tpu.barrier barrier_id(%barrier3A)
    %scan3A = arith.constant 0 : i32
    %scan3A_57 = arith.constant 0 : i32
    %scan3A_58 = arith.constant 20 : i32
    %scan3A_59 = arith.addi %scan3A_57, %scan3A_58 : i32
    %scan3A_60 = arith.constant 1 : i32
    scf.for %scan3A_117 = %scan3A_57 to %scan3A_59 step %scan3A_60  : i32 {
      %mul3A_118 = arith.constant 2 : i32
      %mul3A_119 = arith.muli %scan3A_117, %mul3A_118 : i32
      %add3A_120 = arith.constant 0 : i32
      %add3A_121 = arith.addi %mul3A_119, %add3A_120 : i32
      %dma_wait3A_122 = arith.constant 0 : i32
      %dma_wait3A_123 = arith.constant 0 : i32
      %dma_wait3A_124 = tpu.memref_slice %arg10[%dma_wait3A_122, %dma_wait3A_123] : memref<128x128xf32, #tpu.memory_space<vmem>> -> memref<64x128xf32, #tpu.memory_space<vmem>>
      %dma_wait3A_125 = arith.constant 0 : i32
      %dma_wait3A_126 = tpu.memref_slice %arg8[%add3A_121, %dma_wait3A_125] : memref<40x128xi32, #tpu.memory_space<vmem>> -> memref<1x64xi32, #tpu.memory_space<vmem>>
      %dma_wait3A_127 = tpu.memref_squeeze %dma_wait3A_126 : memref<1x64xi32, #tpu.memory_space<vmem>> -> memref<64xi32, #tpu.memory_space<vmem>>
      %dma_wait3A_128 = arith.constant 0 : i32
      %dma_wait3A_129 = arith.constant 0 : i32
      %dma_wait3A_130 = tpu.memref_slice %arg2[%dma_wait3A_128, %dma_wait3A_129] : memref<10000x128xf32, #tpu.memory_space<hbm>> -> memref<10000x128xf32, #tpu.memory_space<hbm>>
      tpu.wait_indirect_dma semaphore(%arg13 : memref<!tpu.dma_semaphore, #tpu.memory_space<semaphore_mem>>) src(%dma_wait3A_130 : memref<10000x128xf32, #tpu.memory_space<hbm>>) dst(%dma_wait3A_124 : memref<64x128xf32, #tpu.memory_space<vmem>>)
      %dma_wait3A_131 = arith.constant 64 : i32
      %dma_wait3A_132 = arith.constant 0 : i32
      %dma_wait3A_133 = tpu.memref_slice %arg10[%dma_wait3A_131, %dma_wait3A_132] : memref<128x128xf32, #tpu.memory_space<vmem>> -> memref<64x128xf32, #tpu.memory_space<vmem>>
      %dma_wait3A_134 = arith.constant 64 : i32
      %dma_wait3A_135 = tpu.memref_slice %arg8[%add3A_121, %dma_wait3A_134] : memref<40x128xi32, #tpu.memory_space<vmem>> -> memref<1x64xi32, #tpu.memory_space<vmem>>
      %dma_wait3A_136 = tpu.memref_squeeze %dma_wait3A_135 : memref<1x64xi32, #tpu.memory_space<vmem>> -> memref<64xi32, #tpu.memory_space<vmem>>
      %dma_wait3A_137 = arith.constant 0 : i32
      %dma_wait3A_138 = arith.constant 0 : i32
      %dma_wait3A_139 = tpu.memref_slice %arg2[%dma_wait3A_137, %dma_wait3A_138] : memref<10000x128xf32, #tpu.memory_space<hbm>> -> memref<10000x128xf32, #tpu.memory_space<hbm>>
      tpu.wait_indirect_dma semaphore(%arg13 : memref<!tpu.dma_semaphore, #tpu.memory_space<semaphore_mem>>) src(%dma_wait3A_139 : memref<10000x128xf32, #tpu.memory_space<hbm>>) dst(%dma_wait3A_133 : memref<64x128xf32, #tpu.memory_space<vmem>>)
      "tpu.region"() ({
        %run_scoped3A = tpu.sem_alloc : memref<!tpu.dma_semaphore, #tpu.memory_space<semaphore_mem>>
        %dma_start3A_173 = arith.constant 0 : i32
        %dma_start3A_174 = tpu.memref_slice %arg9[%add3A_121, %dma_start3A_173] : memref<40x128xi32, #tpu.memory_space<vmem>> -> memref<1x128xi32, #tpu.memory_space<vmem>>
        %dma_start3A_175 = tpu.memref_squeeze %dma_start3A_174 : memref<1x128xi32, #tpu.memory_space<vmem>> -> memref<128xi32, #tpu.memory_space<vmem>>
        %dma_start3A_176 = arith.constant 0 : i32
        %dma_start3A_177 = arith.constant 0 : i32
        %dma_start3A_178 = tpu.memref_slice %arg7[%dma_start3A_176, %dma_start3A_177] : memref<10240x128xf32, #tpu.memory_space<vmem_shared>> -> memref<10240x128xf32, #tpu.memory_space<vmem_shared>>
        tpu.enqueue_indirect_dma source(%arg10 : memref<128x128xf32, #tpu.memory_space<vmem>>) target(%dma_start3A_178 : memref<10240x128xf32, #tpu.memory_space<vmem_shared>>) offsets(%dma_start3A_175 : memref<128xi32, #tpu.memory_space<vmem>>) semaphore(%run_scoped3A : memref<!tpu.dma_semaphore, #tpu.memory_space<semaphore_mem>>) {add = true}
        %dma_wait3A_179 = arith.constant 0 : i32
        %dma_wait3A_180 = tpu.memref_slice %arg9[%add3A_121, %dma_wait3A_179] : memref<40x128xi32, #tpu.memory_space<vmem>> -> memref<1x128xi32, #tpu.memory_space<vmem>>
        %dma_wait3A_181 = tpu.memref_squeeze %dma_wait3A_180 : memref<1x128xi32, #tpu.memory_space<vmem>> -> memref<128xi32, #tpu.memory_space<vmem>>
        %dma_wait3A_182 = arith.constant 0 : i32
        %dma_wait3A_183 = arith.constant 0 : i32
        %dma_wait3A_184 = tpu.memref_slice %arg7[%dma_wait3A_182, %dma_wait3A_183] : memref<10240x128xf32, #tpu.memory_space<vmem_shared>> -> memref<10240x128xf32, #tpu.memory_space<vmem_shared>>
        tpu.wait_indirect_dma semaphore(%run_scoped3A : memref<!tpu.dma_semaphore, #tpu.memory_space<semaphore_mem>>) src(%arg10 : memref<128x128xf32, #tpu.memory_space<vmem>>) dst(%dma_wait3A_184 : memref<10240x128xf32, #tpu.memory_space<vmem_shared>>)
        tpu.yield
      }) : () -> ()
      %add3A_140 = arith.constant 2 : i32
      %add3A_141 = arith.addi %add3A_121, %add3A_140 : i32
      %lt3A = arith.constant 40 : i32
      %lt3A_142 = arith.cmpi slt, %add3A_141, %lt3A : i32
      %convert_element_type3A = arith.extui %lt3A_142 : i1 to i32
      %cond3A = arith.constant 0 : i32
      %cond3A_143 = arith.cmpi ne, %convert_element_type3A, %cond3A : i32
      scf.if %cond3A_143 {
        %add3A_173 = arith.constant 2 : i32
        %add3A_174 = arith.addi %add3A_121, %add3A_173 : i32
        %dma_start3A_175 = arith.constant 0 : i32
        %dma_start3A_176 = arith.constant 0 : i32
        %dma_start3A_177 = tpu.memref_slice %arg10[%dma_start3A_175, %dma_start3A_176] : memref<128x128xf32, #tpu.memory_space<vmem>> -> memref<64x128xf32, #tpu.memory_space<vmem>>
        %dma_start3A_178 = arith.constant 0 : i32
        %dma_start3A_179 = tpu.memref_slice %arg8[%add3A_174, %dma_start3A_178] : memref<40x128xi32, #tpu.memory_space<vmem>> -> memref<1x64xi32, #tpu.memory_space<vmem>>
        %dma_start3A_180 = tpu.memref_squeeze %dma_start3A_179 : memref<1x64xi32, #tpu.memory_space<vmem>> -> memref<64xi32, #tpu.memory_space<vmem>>
        %dma_start3A_181 = arith.constant 0 : i32
        %dma_start3A_182 = arith.constant 0 : i32
        %dma_start3A_183 = tpu.memref_slice %arg2[%dma_start3A_181, %dma_start3A_182] : memref<10000x128xf32, #tpu.memory_space<hbm>> -> memref<10000x128xf32, #tpu.memory_space<hbm>>
        tpu.enqueue_indirect_dma source(%dma_start3A_183 : memref<10000x128xf32, #tpu.memory_space<hbm>>) target(%dma_start3A_177 : memref<64x128xf32, #tpu.memory_space<vmem>>) offsets(%dma_start3A_180 : memref<64xi32, #tpu.memory_space<vmem>>) semaphore(%arg13 : memref<!tpu.dma_semaphore, #tpu.memory_space<semaphore_mem>>)
        %dma_start3A_184 = arith.constant 64 : i32
        %dma_start3A_185 = arith.constant 0 : i32
        %dma_start3A_186 = tpu.memref_slice %arg10[%dma_start3A_184, %dma_start3A_185] : memref<128x128xf32, #tpu.memory_space<vmem>> -> memref<64x128xf32, #tpu.memory_space<vmem>>
        %dma_start3A_187 = arith.constant 64 : i32
        %dma_start3A_188 = tpu.memref_slice %arg8[%add3A_174, %dma_start3A_187] : memref<40x128xi32, #tpu.memory_space<vmem>> -> memref<1x64xi32, #tpu.memory_space<vmem>>
        %dma_start3A_189 = tpu.memref_squeeze %dma_start3A_188 : memref<1x64xi32, #tpu.memory_space<vmem>> -> memref<64xi32, #tpu.memory_space<vmem>>
        %dma_start3A_190 = arith.constant 0 : i32
        %dma_start3A_191 = arith.constant 0 : i32
        %dma_start3A_192 = tpu.memref_slice %arg2[%dma_start3A_190, %dma_start3A_191] : memref<10000x128xf32, #tpu.memory_space<hbm>> -> memref<10000x128xf32, #tpu.memory_space<hbm>>
        tpu.enqueue_indirect_dma source(%dma_start3A_192 : memref<10000x128xf32, #tpu.memory_space<hbm>>) target(%dma_start3A_186 : memref<64x128xf32, #tpu.memory_space<vmem>>) offsets(%dma_start3A_189 : memref<64xi32, #tpu.memory_space<vmem>>) semaphore(%arg13 : memref<!tpu.dma_semaphore, #tpu.memory_space<semaphore_mem>>)
      } else {
      }
      %mul3A_144 = arith.constant 2 : i32
      %mul3A_145 = arith.muli %scan3A_117, %mul3A_144 : i32
      %add3A_146 = arith.constant 1 : i32
      %add3A_147 = arith.addi %mul3A_145, %add3A_146 : i32
      %dma_wait3A_148 = arith.constant 0 : i32
      %dma_wait3A_149 = arith.constant 0 : i32
      %dma_wait3A_150 = tpu.memref_slice %arg11[%dma_wait3A_148, %dma_wait3A_149] : memref<128x128xf32, #tpu.memory_space<vmem>> -> memref<64x128xf32, #tpu.memory_space<vmem>>
      %dma_wait3A_151 = arith.constant 0 : i32
      %dma_wait3A_152 = tpu.memref_slice %arg8[%add3A_147, %dma_wait3A_151] : memref<40x128xi32, #tpu.memory_space<vmem>> -> memref<1x64xi32, #tpu.memory_space<vmem>>
      %dma_wait3A_153 = tpu.memref_squeeze %dma_wait3A_152 : memref<1x64xi32, #tpu.memory_space<vmem>> -> memref<64xi32, #tpu.memory_space<vmem>>
      %dma_wait3A_154 = arith.constant 0 : i32
      %dma_wait3A_155 = arith.constant 0 : i32
      %dma_wait3A_156 = tpu.memref_slice %arg2[%dma_wait3A_154, %dma_wait3A_155] : memref<10000x128xf32, #tpu.memory_space<hbm>> -> memref<10000x128xf32, #tpu.memory_space<hbm>>
      tpu.wait_indirect_dma semaphore(%arg14 : memref<!tpu.dma_semaphore, #tpu.memory_space<semaphore_mem>>) src(%dma_wait3A_156 : memref<10000x128xf32, #tpu.memory_space<hbm>>) dst(%dma_wait3A_150 : memref<64x128xf32, #tpu.memory_space<vmem>>)
      %dma_wait3A_157 = arith.constant 64 : i32
      %dma_wait3A_158 = arith.constant 0 : i32
      %dma_wait3A_159 = tpu.memref_slice %arg11[%dma_wait3A_157, %dma_wait3A_158] : memref<128x128xf32, #tpu.memory_space<vmem>> -> memref<64x128xf32, #tpu.memory_space<vmem>>
      %dma_wait3A_160 = arith.constant 64 : i32
      %dma_wait3A_161 = tpu.memref_slice %arg8[%add3A_147, %dma_wait3A_160] : memref<40x128xi32, #tpu.memory_space<vmem>> -> memref<1x64xi32, #tpu.memory_space<vmem>>
      %dma_wait3A_162 = tpu.memref_squeeze %dma_wait3A_161 : memref<1x64xi32, #tpu.memory_space<vmem>> -> memref<64xi32, #tpu.memory_space<vmem>>
      %dma_wait3A_163 = arith.constant 0 : i32
      %dma_wait3A_164 = arith.constant 0 : i32
      %dma_wait3A_165 = tpu.memref_slice %arg2[%dma_wait3A_163, %dma_wait3A_164] : memref<10000x128xf32, #tpu.memory_space<hbm>> -> memref<10000x128xf32, #tpu.memory_space<hbm>>
      tpu.wait_indirect_dma semaphore(%arg14 : memref<!tpu.dma_semaphore, #tpu.memory_space<semaphore_mem>>) src(%dma_wait3A_165 : memref<10000x128xf32, #tpu.memory_space<hbm>>) dst(%dma_wait3A_159 : memref<64x128xf32, #tpu.memory_space<vmem>>)
      "tpu.region"() ({
        %run_scoped3A = tpu.sem_alloc : memref<!tpu.dma_semaphore, #tpu.memory_space<semaphore_mem>>
        %dma_start3A_173 = arith.constant 0 : i32
        %dma_start3A_174 = tpu.memref_slice %arg9[%add3A_147, %dma_start3A_173] : memref<40x128xi32, #tpu.memory_space<vmem>> -> memref<1x128xi32, #tpu.memory_space<vmem>>
        %dma_start3A_175 = tpu.memref_squeeze %dma_start3A_174 : memref<1x128xi32, #tpu.memory_space<vmem>> -> memref<128xi32, #tpu.memory_space<vmem>>
        %dma_start3A_176 = arith.constant 0 : i32
        %dma_start3A_177 = arith.constant 0 : i32
        %dma_start3A_178 = tpu.memref_slice %arg7[%dma_start3A_176, %dma_start3A_177] : memref<10240x128xf32, #tpu.memory_space<vmem_shared>> -> memref<10240x128xf32, #tpu.memory_space<vmem_shared>>
        tpu.enqueue_indirect_dma source(%arg11 : memref<128x128xf32, #tpu.memory_space<vmem>>) target(%dma_start3A_178 : memref<10240x128xf32, #tpu.memory_space<vmem_shared>>) offsets(%dma_start3A_175 : memref<128xi32, #tpu.memory_space<vmem>>) semaphore(%run_scoped3A : memref<!tpu.dma_semaphore, #tpu.memory_space<semaphore_mem>>) {add = true}
        %dma_wait3A_179 = arith.constant 0 : i32
        %dma_wait3A_180 = tpu.memref_slice %arg9[%add3A_147, %dma_wait3A_179] : memref<40x128xi32, #tpu.memory_space<vmem>> -> memref<1x128xi32, #tpu.memory_space<vmem>>
        %dma_wait3A_181 = tpu.memref_squeeze %dma_wait3A_180 : memref<1x128xi32, #tpu.memory_space<vmem>> -> memref<128xi32, #tpu.memory_space<vmem>>
        %dma_wait3A_182 = arith.constant 0 : i32
        %dma_wait3A_183 = arith.constant 0 : i32
        %dma_wait3A_184 = tpu.memref_slice %arg7[%dma_wait3A_182, %dma_wait3A_183] : memref<10240x128xf32, #tpu.memory_space<vmem_shared>> -> memref<10240x128xf32, #tpu.memory_space<vmem_shared>>
        tpu.wait_indirect_dma semaphore(%run_scoped3A : memref<!tpu.dma_semaphore, #tpu.memory_space<semaphore_mem>>) src(%arg11 : memref<128x128xf32, #tpu.memory_space<vmem>>) dst(%dma_wait3A_184 : memref<10240x128xf32, #tpu.memory_space<vmem_shared>>)
        tpu.yield
      }) : () -> ()
      %add3A_166 = arith.constant 2 : i32
      %add3A_167 = arith.addi %add3A_147, %add3A_166 : i32
      %lt3A_168 = arith.constant 40 : i32
      %lt3A_169 = arith.cmpi slt, %add3A_167, %lt3A_168 : i32
      %convert_element_type3A_170 = arith.extui %lt3A_169 : i1 to i32
      %cond3A_171 = arith.constant 0 : i32
      %cond3A_172 = arith.cmpi ne, %convert_element_type3A_170, %cond3A_171 : i32
      scf.if %cond3A_172 {
        %add3A_173 = arith.constant 2 : i32
        %add3A_174 = arith.addi %add3A_147, %add3A_173 : i32
        %dma_start3A_175 = arith.constant 0 : i32
        %dma_start3A_176 = arith.constant 0 : i32
        %dma_start3A_177 = tpu.memref_slice %arg11[%dma_start3A_175, %dma_start3A_176] : memref<128x128xf32, #tpu.memory_space<vmem>> -> memref<64x128xf32, #tpu.memory_space<vmem>>
        %dma_start3A_178 = arith.constant 0 : i32
        %dma_start3A_179 = tpu.memref_slice %arg8[%add3A_174, %dma_start3A_178] : memref<40x128xi32, #tpu.memory_space<vmem>> -> memref<1x64xi32, #tpu.memory_space<vmem>>
        %dma_start3A_180 = tpu.memref_squeeze %dma_start3A_179 : memref<1x64xi32, #tpu.memory_space<vmem>> -> memref<64xi32, #tpu.memory_space<vmem>>
        %dma_start3A_181 = arith.constant 0 : i32
        %dma_start3A_182 = arith.constant 0 : i32
        %dma_start3A_183 = tpu.memref_slice %arg2[%dma_start3A_181, %dma_start3A_182] : memref<10000x128xf32, #tpu.memory_space<hbm>> -> memref<10000x128xf32, #tpu.memory_space<hbm>>
        tpu.enqueue_indirect_dma source(%dma_start3A_183 : memref<10000x128xf32, #tpu.memory_space<hbm>>) target(%dma_start3A_177 : memref<64x128xf32, #tpu.memory_space<vmem>>) offsets(%dma_start3A_180 : memref<64xi32, #tpu.memory_space<vmem>>) semaphore(%arg14 : memref<!tpu.dma_semaphore, #tpu.memory_space<semaphore_mem>>)
        %dma_start3A_184 = arith.constant 64 : i32
        %dma_start3A_185 = arith.constant 0 : i32
        %dma_start3A_186 = tpu.memref_slice %arg11[%dma_start3A_184, %dma_start3A_185] : memref<128x128xf32, #tpu.memory_space<vmem>> -> memref<64x128xf32, #tpu.memory_space<vmem>>
        %dma_start3A_187 = arith.constant 64 : i32
        %dma_start3A_188 = tpu.memref_slice %arg8[%add3A_174, %dma_start3A_187] : memref<40x128xi32, #tpu.memory_space<vmem>> -> memref<1x64xi32, #tpu.memory_space<vmem>>
        %dma_start3A_189 = tpu.memref_squeeze %dma_start3A_188 : memref<1x64xi32, #tpu.memory_space<vmem>> -> memref<64xi32, #tpu.memory_space<vmem>>
        %dma_start3A_190 = arith.constant 0 : i32
        %dma_start3A_191 = arith.constant 0 : i32
        %dma_start3A_192 = tpu.memref_slice %arg2[%dma_start3A_190, %dma_start3A_191] : memref<10000x128xf32, #tpu.memory_space<hbm>> -> memref<10000x128xf32, #tpu.memory_space<hbm>>
        tpu.enqueue_indirect_dma source(%dma_start3A_192 : memref<10000x128xf32, #tpu.memory_space<hbm>>) target(%dma_start3A_186 : memref<64x128xf32, #tpu.memory_space<vmem>>) offsets(%dma_start3A_189 : memref<64xi32, #tpu.memory_space<vmem>>) semaphore(%arg14 : memref<!tpu.dma_semaphore, #tpu.memory_space<semaphore_mem>>)
      } else {
      }
    }
    %scan3A_61 = arith.constant 20 : i32
    %add3A_62 = arith.constant 40 : i32
    %add3A_63 = arith.addi %mul3A_2, %add3A_62 : i32
    "tpu.region"() ({
      %run_scoped3A = tpu.sem_alloc : memref<!tpu.dma_semaphore, #tpu.memory_space<semaphore_mem>>
      %dma_start3A_117 = arith.constant 0 : i32
      %dma_start3A_118 = tpu.memref_slice %arg3[%add3A_63, %dma_start3A_117] : memref<2560x128xi32, #tpu.memory_space<hbm>> -> memref<40x128xi32, #tpu.memory_space<hbm>>
      %dma_start3A_119 = arith.constant 0 : i32
      %dma_start3A_120 = tpu.memref_slice %arg3[%add3A_63, %dma_start3A_119] : memref<2560x128xi32, #tpu.memory_space<hbm>> -> memref<40x128xi32, #tpu.memory_space<hbm>>
      tpu.enqueue_dma source(%dma_start3A_120 : memref<40x128xi32, #tpu.memory_space<hbm>>) target(%arg8 : memref<40x128xi32, #tpu.memory_space<vmem>>) target_semaphore(%run_scoped3A : memref<!tpu.dma_semaphore, #tpu.memory_space<semaphore_mem>>)
      %dma_wait3A_121 = arith.constant 0 : i32
      %dma_wait3A_122 = tpu.memref_slice %arg3[%add3A_63, %dma_wait3A_121] : memref<2560x128xi32, #tpu.memory_space<hbm>> -> memref<40x128xi32, #tpu.memory_space<hbm>>
      %dma_wait3A_123 = arith.constant 0 : i32
      %dma_wait3A_124 = tpu.memref_slice %arg3[%add3A_63, %dma_wait3A_123] : memref<2560x128xi32, #tpu.memory_space<hbm>> -> memref<40x128xi32, #tpu.memory_space<hbm>>
      tpu.wait_dma2 semaphore(%run_scoped3A : memref<!tpu.dma_semaphore, #tpu.memory_space<semaphore_mem>>) src(%dma_wait3A_124 : memref<40x128xi32, #tpu.memory_space<hbm>>) dst(%arg8 : memref<40x128xi32, #tpu.memory_space<vmem>>)
      tpu.yield
    }) : () -> ()
    %add3A_64 = arith.constant 40 : i32
    %add3A_65 = arith.addi %mul3A_2, %add3A_64 : i32
    "tpu.region"() ({
      %run_scoped3A = tpu.sem_alloc : memref<!tpu.dma_semaphore, #tpu.memory_space<semaphore_mem>>
      %dma_start3A_117 = arith.constant 0 : i32
      %dma_start3A_118 = tpu.memref_slice %arg4[%add3A_65, %dma_start3A_117] : memref<2560x128xi32, #tpu.memory_space<hbm>> -> memref<40x128xi32, #tpu.memory_space<hbm>>
      %dma_start3A_119 = arith.constant 0 : i32
      %dma_start3A_120 = tpu.memref_slice %arg4[%add3A_65, %dma_start3A_119] : memref<2560x128xi32, #tpu.memory_space<hbm>> -> memref<40x128xi32, #tpu.memory_space<hbm>>
      tpu.enqueue_dma source(%dma_start3A_120 : memref<40x128xi32, #tpu.memory_space<hbm>>) target(%arg9 : memref<40x128xi32, #tpu.memory_space<vmem>>) target_semaphore(%run_scoped3A : memref<!tpu.dma_semaphore, #tpu.memory_space<semaphore_mem>>)
      %dma_wait3A_121 = arith.constant 0 : i32
      %dma_wait3A_122 = tpu.memref_slice %arg4[%add3A_65, %dma_wait3A_121] : memref<2560x128xi32, #tpu.memory_space<hbm>> -> memref<40x128xi32, #tpu.memory_space<hbm>>
      %dma_wait3A_123 = arith.constant 0 : i32
      %dma_wait3A_124 = tpu.memref_slice %arg4[%add3A_65, %dma_wait3A_123] : memref<2560x128xi32, #tpu.memory_space<hbm>> -> memref<40x128xi32, #tpu.memory_space<hbm>>
      tpu.wait_dma2 semaphore(%run_scoped3A : memref<!tpu.dma_semaphore, #tpu.memory_space<semaphore_mem>>) src(%dma_wait3A_124 : memref<40x128xi32, #tpu.memory_space<hbm>>) dst(%arg9 : memref<40x128xi32, #tpu.memory_space<vmem>>)
      tpu.yield
    }) : () -> ()
    %dma_start3A_66 = arith.constant 0 : i32
    %dma_start3A_67 = arith.constant 0 : i32
    %dma_start3A_68 = arith.constant 0 : i32
    %dma_start3A_69 = tpu.memref_slice %arg10[%dma_start3A_67, %dma_start3A_68] : memref<128x128xf32, #tpu.memory_space<vmem>> -> memref<64x128xf32, #tpu.memory_space<vmem>>
    %dma_start3A_70 = arith.constant 0 : i32
    %dma_start3A_71 = tpu.memref_slice %arg8[%dma_start3A_66, %dma_start3A_70] : memref<40x128xi32, #tpu.memory_space<vmem>> -> memref<1x64xi32, #tpu.memory_space<vmem>>
    %dma_start3A_72 = tpu.memref_squeeze %dma_start3A_71 : memref<1x64xi32, #tpu.memory_space<vmem>> -> memref<64xi32, #tpu.memory_space<vmem>>
    %dma_start3A_73 = arith.constant 0 : i32
    %dma_start3A_74 = arith.constant 0 : i32
    %dma_start3A_75 = tpu.memref_slice %arg2[%dma_start3A_73, %dma_start3A_74] : memref<10000x128xf32, #tpu.memory_space<hbm>> -> memref<10000x128xf32, #tpu.memory_space<hbm>>
    tpu.enqueue_indirect_dma source(%dma_start3A_75 : memref<10000x128xf32, #tpu.memory_space<hbm>>) target(%dma_start3A_69 : memref<64x128xf32, #tpu.memory_space<vmem>>) offsets(%dma_start3A_72 : memref<64xi32, #tpu.memory_space<vmem>>) semaphore(%arg13 : memref<!tpu.dma_semaphore, #tpu.memory_space<semaphore_mem>>)
    %dma_start3A_76 = arith.constant 0 : i32
    %dma_start3A_77 = arith.constant 64 : i32
    %dma_start3A_78 = arith.constant 0 : i32
    %dma_start3A_79 = tpu.memref_slice %arg10[%dma_start3A_77, %dma_start3A_78] : memref<128x128xf32, #tpu.memory_space<vmem>> -> memref<64x128xf32, #tpu.memory_space<vmem>>
    %dma_start3A_80 = arith.constant 64 : i32
    %dma_start3A_81 = tpu.memref_slice %arg8[%dma_start3A_76, %dma_start3A_80] : memref<40x128xi32, #tpu.memory_space<vmem>> -> memref<1x64xi32, #tpu.memory_space<vmem>>
    %dma_start3A_82 = tpu.memref_squeeze %dma_start3A_81 : memref<1x64xi32, #tpu.memory_space<vmem>> -> memref<64xi32, #tpu.memory_space<vmem>>
    %dma_start3A_83 = arith.constant 0 : i32
    %dma_start3A_84 = arith.constant 0 : i32
    %dma_start3A_85 = tpu.memref_slice %arg2[%dma_start3A_83, %dma_start3A_84] : memref<10000x128xf32, #tpu.memory_space<hbm>> -> memref<10000x128xf32, #tpu.memory_space<hbm>>
    tpu.enqueue_indirect_dma source(%dma_start3A_85 : memref<10000x128xf32, #tpu.memory_space<hbm>>) target(%dma_start3A_79 : memref<64x128xf32, #tpu.memory_space<vmem>>) offsets(%dma_start3A_82 : memref<64xi32, #tpu.memory_space<vmem>>) semaphore(%arg13 : memref<!tpu.dma_semaphore, #tpu.memory_space<semaphore_mem>>)
    %dma_start3A_86 = arith.constant 1 : i32
    %dma_start3A_87 = arith.constant 0 : i32
    %dma_start3A_88 = arith.constant 0 : i32
    %dma_start3A_89 = tpu.memref_slice %arg11[%dma_start3A_87, %dma_start3A_88] : memref<128x128xf32, #tpu.memory_space<vmem>> -> memref<64x128xf32, #tpu.memory_space<vmem>>
    %dma_start3A_90 = arith.constant 0 : i32
    %dma_start3A_91 = tpu.memref_slice %arg8[%dma_start3A_86, %dma_start3A_90] : memref<40x128xi32, #tpu.memory_space<vmem>> -> memref<1x64xi32, #tpu.memory_space<vmem>>
    %dma_start3A_92 = tpu.memref_squeeze %dma_start3A_91 : memref<1x64xi32, #tpu.memory_space<vmem>> -> memref<64xi32, #tpu.memory_space<vmem>>
    %dma_start3A_93 = arith.constant 0 : i32
    %dma_start3A_94 = arith.constant 0 : i32
    %dma_start3A_95 = tpu.memref_slice %arg2[%dma_start3A_93, %dma_start3A_94] : memref<10000x128xf32, #tpu.memory_space<hbm>> -> memref<10000x128xf32, #tpu.memory_space<hbm>>
    tpu.enqueue_indirect_dma source(%dma_start3A_95 : memref<10000x128xf32, #tpu.memory_space<hbm>>) target(%dma_start3A_89 : memref<64x128xf32, #tpu.memory_space<vmem>>) offsets(%dma_start3A_92 : memref<64xi32, #tpu.memory_space<vmem>>) semaphore(%arg14 : memref<!tpu.dma_semaphore, #tpu.memory_space<semaphore_mem>>)
    %dma_start3A_96 = arith.constant 1 : i32
    %dma_start3A_97 = arith.constant 64 : i32
    %dma_start3A_98 = arith.constant 0 : i32
    %dma_start3A_99 = tpu.memref_slice %arg11[%dma_start3A_97, %dma_start3A_98] : memref<128x128xf32, #tpu.memory_space<vmem>> -> memref<64x128xf32, #tpu.memory_space<vmem>>
    %dma_start3A_100 = arith.constant 64 : i32
    %dma_start3A_101 = tpu.memref_slice %arg8[%dma_start3A_96, %dma_start3A_100] : memref<40x128xi32, #tpu.memory_space<vmem>> -> memref<1x64xi32, #tpu.memory_space<vmem>>
    %dma_start3A_102 = tpu.memref_squeeze %dma_start3A_101 : memref<1x64xi32, #tpu.memory_space<vmem>> -> memref<64xi32, #tpu.memory_space<vmem>>
    %dma_start3A_103 = arith.constant 0 : i32
    %dma_start3A_104 = arith.constant 0 : i32
    %dma_start3A_105 = tpu.memref_slice %arg2[%dma_start3A_103, %dma_start3A_104] : memref<10000x128xf32, #tpu.memory_space<hbm>> -> memref<10000x128xf32, #tpu.memory_space<hbm>>
    tpu.enqueue_indirect_dma source(%dma_start3A_105 : memref<10000x128xf32, #tpu.memory_space<hbm>>) target(%dma_start3A_99 : memref<64x128xf32, #tpu.memory_space<vmem>>) offsets(%dma_start3A_102 : memref<64xi32, #tpu.memory_space<vmem>>) semaphore(%arg14 : memref<!tpu.dma_semaphore, #tpu.memory_space<semaphore_mem>>)
    %scan3A_106 = arith.constant 0 : i32
    %scan3A_107 = arith.constant 0 : i32
    %scan3A_108 = arith.constant 20 : i32
    %scan3A_109 = arith.addi %scan3A_107, %scan3A_108 : i32
    %scan3A_110 = arith.constant 1 : i32
    scf.for %scan3A_117 = %scan3A_107 to %scan3A_109 step %scan3A_110  : i32 {
      %mul3A_118 = arith.constant 2 : i32
      %mul3A_119 = arith.muli %scan3A_117, %mul3A_118 : i32
      %add3A_120 = arith.constant 0 : i32
      %add3A_121 = arith.addi %mul3A_119, %add3A_120 : i32
      %dma_wait3A_122 = arith.constant 0 : i32
      %dma_wait3A_123 = arith.constant 0 : i32
      %dma_wait3A_124 = tpu.memref_slice %arg10[%dma_wait3A_122, %dma_wait3A_123] : memref<128x128xf32, #tpu.memory_space<vmem>> -> memref<64x128xf32, #tpu.memory_space<vmem>>
      %dma_wait3A_125 = arith.constant 0 : i32
      %dma_wait3A_126 = tpu.memref_slice %arg8[%add3A_121, %dma_wait3A_125] : memref<40x128xi32, #tpu.memory_space<vmem>> -> memref<1x64xi32, #tpu.memory_space<vmem>>
      %dma_wait3A_127 = tpu.memref_squeeze %dma_wait3A_126 : memref<1x64xi32, #tpu.memory_space<vmem>> -> memref<64xi32, #tpu.memory_space<vmem>>
      %dma_wait3A_128 = arith.constant 0 : i32
      %dma_wait3A_129 = arith.constant 0 : i32
      %dma_wait3A_130 = tpu.memref_slice %arg2[%dma_wait3A_128, %dma_wait3A_129] : memref<10000x128xf32, #tpu.memory_space<hbm>> -> memref<10000x128xf32, #tpu.memory_space<hbm>>
      tpu.wait_indirect_dma semaphore(%arg13 : memref<!tpu.dma_semaphore, #tpu.memory_space<semaphore_mem>>) src(%dma_wait3A_130 : memref<10000x128xf32, #tpu.memory_space<hbm>>) dst(%dma_wait3A_124 : memref<64x128xf32, #tpu.memory_space<vmem>>)
      %dma_wait3A_131 = arith.constant 64 : i32
      %dma_wait3A_132 = arith.constant 0 : i32
      %dma_wait3A_133 = tpu.memref_slice %arg10[%dma_wait3A_131, %dma_wait3A_132] : memref<128x128xf32, #tpu.memory_space<vmem>> -> memref<64x128xf32, #tpu.memory_space<vmem>>
      %dma_wait3A_134 = arith.constant 64 : i32
      %dma_wait3A_135 = tpu.memref_slice %arg8[%add3A_121, %dma_wait3A_134] : memref<40x128xi32, #tpu.memory_space<vmem>> -> memref<1x64xi32, #tpu.memory_space<vmem>>
      %dma_wait3A_136 = tpu.memref_squeeze %dma_wait3A_135 : memref<1x64xi32, #tpu.memory_space<vmem>> -> memref<64xi32, #tpu.memory_space<vmem>>
      %dma_wait3A_137 = arith.constant 0 : i32
      %dma_wait3A_138 = arith.constant 0 : i32
      %dma_wait3A_139 = tpu.memref_slice %arg2[%dma_wait3A_137, %dma_wait3A_138] : memref<10000x128xf32, #tpu.memory_space<hbm>> -> memref<10000x128xf32, #tpu.memory_space<hbm>>
      tpu.wait_indirect_dma semaphore(%arg13 : memref<!tpu.dma_semaphore, #tpu.memory_space<semaphore_mem>>) src(%dma_wait3A_139 : memref<10000x128xf32, #tpu.memory_space<hbm>>) dst(%dma_wait3A_133 : memref<64x128xf32, #tpu.memory_space<vmem>>)
      "tpu.region"() ({
        %run_scoped3A = tpu.sem_alloc : memref<!tpu.dma_semaphore, #tpu.memory_space<semaphore_mem>>
        %dma_start3A_173 = arith.constant 0 : i32
        %dma_start3A_174 = tpu.memref_slice %arg9[%add3A_121, %dma_start3A_173] : memref<40x128xi32, #tpu.memory_space<vmem>> -> memref<1x128xi32, #tpu.memory_space<vmem>>
        %dma_start3A_175 = tpu.memref_squeeze %dma_start3A_174 : memref<1x128xi32, #tpu.memory_space<vmem>> -> memref<128xi32, #tpu.memory_space<vmem>>
        %dma_start3A_176 = arith.constant 0 : i32
        %dma_start3A_177 = arith.constant 0 : i32
        %dma_start3A_178 = tpu.memref_slice %arg7[%dma_start3A_176, %dma_start3A_177] : memref<10240x128xf32, #tpu.memory_space<vmem_shared>> -> memref<10240x128xf32, #tpu.memory_space<vmem_shared>>
        tpu.enqueue_indirect_dma source(%arg10 : memref<128x128xf32, #tpu.memory_space<vmem>>) target(%dma_start3A_178 : memref<10240x128xf32, #tpu.memory_space<vmem_shared>>) offsets(%dma_start3A_175 : memref<128xi32, #tpu.memory_space<vmem>>) semaphore(%run_scoped3A : memref<!tpu.dma_semaphore, #tpu.memory_space<semaphore_mem>>) {add = true}
        %dma_wait3A_179 = arith.constant 0 : i32
        %dma_wait3A_180 = tpu.memref_slice %arg9[%add3A_121, %dma_wait3A_179] : memref<40x128xi32, #tpu.memory_space<vmem>> -> memref<1x128xi32, #tpu.memory_space<vmem>>
        %dma_wait3A_181 = tpu.memref_squeeze %dma_wait3A_180 : memref<1x128xi32, #tpu.memory_space<vmem>> -> memref<128xi32, #tpu.memory_space<vmem>>
        %dma_wait3A_182 = arith.constant 0 : i32
        %dma_wait3A_183 = arith.constant 0 : i32
        %dma_wait3A_184 = tpu.memref_slice %arg7[%dma_wait3A_182, %dma_wait3A_183] : memref<10240x128xf32, #tpu.memory_space<vmem_shared>> -> memref<10240x128xf32, #tpu.memory_space<vmem_shared>>
        tpu.wait_indirect_dma semaphore(%run_scoped3A : memref<!tpu.dma_semaphore, #tpu.memory_space<semaphore_mem>>) src(%arg10 : memref<128x128xf32, #tpu.memory_space<vmem>>) dst(%dma_wait3A_184 : memref<10240x128xf32, #tpu.memory_space<vmem_shared>>)
        tpu.yield
      }) : () -> ()
      %add3A_140 = arith.constant 2 : i32
      %add3A_141 = arith.addi %add3A_121, %add3A_140 : i32
      %lt3A = arith.constant 40 : i32
      %lt3A_142 = arith.cmpi slt, %add3A_141, %lt3A : i32
      %convert_element_type3A = arith.extui %lt3A_142 : i1 to i32
      %cond3A = arith.constant 0 : i32
      %cond3A_143 = arith.cmpi ne, %convert_element_type3A, %cond3A : i32
      scf.if %cond3A_143 {
        %add3A_173 = arith.constant 2 : i32
        %add3A_174 = arith.addi %add3A_121, %add3A_173 : i32
        %dma_start3A_175 = arith.constant 0 : i32
        %dma_start3A_176 = arith.constant 0 : i32
        %dma_start3A_177 = tpu.memref_slice %arg10[%dma_start3A_175, %dma_start3A_176] : memref<128x128xf32, #tpu.memory_space<vmem>> -> memref<64x128xf32, #tpu.memory_space<vmem>>
        %dma_start3A_178 = arith.constant 0 : i32
        %dma_start3A_179 = tpu.memref_slice %arg8[%add3A_174, %dma_start3A_178] : memref<40x128xi32, #tpu.memory_space<vmem>> -> memref<1x64xi32, #tpu.memory_space<vmem>>
        %dma_start3A_180 = tpu.memref_squeeze %dma_start3A_179 : memref<1x64xi32, #tpu.memory_space<vmem>> -> memref<64xi32, #tpu.memory_space<vmem>>
        %dma_start3A_181 = arith.constant 0 : i32
        %dma_start3A_182 = arith.constant 0 : i32
        %dma_start3A_183 = tpu.memref_slice %arg2[%dma_start3A_181, %dma_start3A_182] : memref<10000x128xf32, #tpu.memory_space<hbm>> -> memref<10000x128xf32, #tpu.memory_space<hbm>>
        tpu.enqueue_indirect_dma source(%dma_start3A_183 : memref<10000x128xf32, #tpu.memory_space<hbm>>) target(%dma_start3A_177 : memref<64x128xf32, #tpu.memory_space<vmem>>) offsets(%dma_start3A_180 : memref<64xi32, #tpu.memory_space<vmem>>) semaphore(%arg13 : memref<!tpu.dma_semaphore, #tpu.memory_space<semaphore_mem>>)
        %dma_start3A_184 = arith.constant 64 : i32
        %dma_start3A_185 = arith.constant 0 : i32
        %dma_start3A_186 = tpu.memref_slice %arg10[%dma_start3A_184, %dma_start3A_185] : memref<128x128xf32, #tpu.memory_space<vmem>> -> memref<64x128xf32, #tpu.memory_space<vmem>>
        %dma_start3A_187 = arith.constant 64 : i32
        %dma_start3A_188 = tpu.memref_slice %arg8[%add3A_174, %dma_start3A_187] : memref<40x128xi32, #tpu.memory_space<vmem>> -> memref<1x64xi32, #tpu.memory_space<vmem>>
        %dma_start3A_189 = tpu.memref_squeeze %dma_start3A_188 : memref<1x64xi32, #tpu.memory_space<vmem>> -> memref<64xi32, #tpu.memory_space<vmem>>
        %dma_start3A_190 = arith.constant 0 : i32
        %dma_start3A_191 = arith.constant 0 : i32
        %dma_start3A_192 = tpu.memref_slice %arg2[%dma_start3A_190, %dma_start3A_191] : memref<10000x128xf32, #tpu.memory_space<hbm>> -> memref<10000x128xf32, #tpu.memory_space<hbm>>
        tpu.enqueue_indirect_dma source(%dma_start3A_192 : memref<10000x128xf32, #tpu.memory_space<hbm>>) target(%dma_start3A_186 : memref<64x128xf32, #tpu.memory_space<vmem>>) offsets(%dma_start3A_189 : memref<64xi32, #tpu.memory_space<vmem>>) semaphore(%arg13 : memref<!tpu.dma_semaphore, #tpu.memory_space<semaphore_mem>>)
      } else {
      }
      %mul3A_144 = arith.constant 2 : i32
      %mul3A_145 = arith.muli %scan3A_117, %mul3A_144 : i32
      %add3A_146 = arith.constant 1 : i32
      %add3A_147 = arith.addi %mul3A_145, %add3A_146 : i32
      %dma_wait3A_148 = arith.constant 0 : i32
      %dma_wait3A_149 = arith.constant 0 : i32
      %dma_wait3A_150 = tpu.memref_slice %arg11[%dma_wait3A_148, %dma_wait3A_149] : memref<128x128xf32, #tpu.memory_space<vmem>> -> memref<64x128xf32, #tpu.memory_space<vmem>>
      %dma_wait3A_151 = arith.constant 0 : i32
      %dma_wait3A_152 = tpu.memref_slice %arg8[%add3A_147, %dma_wait3A_151] : memref<40x128xi32, #tpu.memory_space<vmem>> -> memref<1x64xi32, #tpu.memory_space<vmem>>
      %dma_wait3A_153 = tpu.memref_squeeze %dma_wait3A_152 : memref<1x64xi32, #tpu.memory_space<vmem>> -> memref<64xi32, #tpu.memory_space<vmem>>
      %dma_wait3A_154 = arith.constant 0 : i32
      %dma_wait3A_155 = arith.constant 0 : i32
      %dma_wait3A_156 = tpu.memref_slice %arg2[%dma_wait3A_154, %dma_wait3A_155] : memref<10000x128xf32, #tpu.memory_space<hbm>> -> memref<10000x128xf32, #tpu.memory_space<hbm>>
      tpu.wait_indirect_dma semaphore(%arg14 : memref<!tpu.dma_semaphore, #tpu.memory_space<semaphore_mem>>) src(%dma_wait3A_156 : memref<10000x128xf32, #tpu.memory_space<hbm>>) dst(%dma_wait3A_150 : memref<64x128xf32, #tpu.memory_space<vmem>>)
      %dma_wait3A_157 = arith.constant 64 : i32
      %dma_wait3A_158 = arith.constant 0 : i32
      %dma_wait3A_159 = tpu.memref_slice %arg11[%dma_wait3A_157, %dma_wait3A_158] : memref<128x128xf32, #tpu.memory_space<vmem>> -> memref<64x128xf32, #tpu.memory_space<vmem>>
      %dma_wait3A_160 = arith.constant 64 : i32
      %dma_wait3A_161 = tpu.memref_slice %arg8[%add3A_147, %dma_wait3A_160] : memref<40x128xi32, #tpu.memory_space<vmem>> -> memref<1x64xi32, #tpu.memory_space<vmem>>
      %dma_wait3A_162 = tpu.memref_squeeze %dma_wait3A_161 : memref<1x64xi32, #tpu.memory_space<vmem>> -> memref<64xi32, #tpu.memory_space<vmem>>
      %dma_wait3A_163 = arith.constant 0 : i32
      %dma_wait3A_164 = arith.constant 0 : i32
      %dma_wait3A_165 = tpu.memref_slice %arg2[%dma_wait3A_163, %dma_wait3A_164] : memref<10000x128xf32, #tpu.memory_space<hbm>> -> memref<10000x128xf32, #tpu.memory_space<hbm>>
      tpu.wait_indirect_dma semaphore(%arg14 : memref<!tpu.dma_semaphore, #tpu.memory_space<semaphore_mem>>) src(%dma_wait3A_165 : memref<10000x128xf32, #tpu.memory_space<hbm>>) dst(%dma_wait3A_159 : memref<64x128xf32, #tpu.memory_space<vmem>>)
      "tpu.region"() ({
        %run_scoped3A = tpu.sem_alloc : memref<!tpu.dma_semaphore, #tpu.memory_space<semaphore_mem>>
        %dma_start3A_173 = arith.constant 0 : i32
        %dma_start3A_174 = tpu.memref_slice %arg9[%add3A_147, %dma_start3A_173] : memref<40x128xi32, #tpu.memory_space<vmem>> -> memref<1x128xi32, #tpu.memory_space<vmem>>
        %dma_start3A_175 = tpu.memref_squeeze %dma_start3A_174 : memref<1x128xi32, #tpu.memory_space<vmem>> -> memref<128xi32, #tpu.memory_space<vmem>>
        %dma_start3A_176 = arith.constant 0 : i32
        %dma_start3A_177 = arith.constant 0 : i32
        %dma_start3A_178 = tpu.memref_slice %arg7[%dma_start3A_176, %dma_start3A_177] : memref<10240x128xf32, #tpu.memory_space<vmem_shared>> -> memref<10240x128xf32, #tpu.memory_space<vmem_shared>>
        tpu.enqueue_indirect_dma source(%arg11 : memref<128x128xf32, #tpu.memory_space<vmem>>) target(%dma_start3A_178 : memref<10240x128xf32, #tpu.memory_space<vmem_shared>>) offsets(%dma_start3A_175 : memref<128xi32, #tpu.memory_space<vmem>>) semaphore(%run_scoped3A : memref<!tpu.dma_semaphore, #tpu.memory_space<semaphore_mem>>) {add = true}
        %dma_wait3A_179 = arith.constant 0 : i32
        %dma_wait3A_180 = tpu.memref_slice %arg9[%add3A_147, %dma_wait3A_179] : memref<40x128xi32, #tpu.memory_space<vmem>> -> memref<1x128xi32, #tpu.memory_space<vmem>>
        %dma_wait3A_181 = tpu.memref_squeeze %dma_wait3A_180 : memref<1x128xi32, #tpu.memory_space<vmem>> -> memref<128xi32, #tpu.memory_space<vmem>>
        %dma_wait3A_182 = arith.constant 0 : i32
        %dma_wait3A_183 = arith.constant 0 : i32
        %dma_wait3A_184 = tpu.memref_slice %arg7[%dma_wait3A_182, %dma_wait3A_183] : memref<10240x128xf32, #tpu.memory_space<vmem_shared>> -> memref<10240x128xf32, #tpu.memory_space<vmem_shared>>
        tpu.wait_indirect_dma semaphore(%run_scoped3A : memref<!tpu.dma_semaphore, #tpu.memory_space<semaphore_mem>>) src(%arg11 : memref<128x128xf32, #tpu.memory_space<vmem>>) dst(%dma_wait3A_184 : memref<10240x128xf32, #tpu.memory_space<vmem_shared>>)
        tpu.yield
      }) : () -> ()
      %add3A_166 = arith.constant 2 : i32
      %add3A_167 = arith.addi %add3A_147, %add3A_166 : i32
      %lt3A_168 = arith.constant 40 : i32
      %lt3A_169 = arith.cmpi slt, %add3A_167, %lt3A_168 : i32
      %convert_element_type3A_170 = arith.extui %lt3A_169 : i1 to i32
      %cond3A_171 = arith.constant 0 : i32
      %cond3A_172 = arith.cmpi ne, %convert_element_type3A_170, %cond3A_171 : i32
      scf.if %cond3A_172 {
        %add3A_173 = arith.constant 2 : i32
        %add3A_174 = arith.addi %add3A_147, %add3A_173 : i32
        %dma_start3A_175 = arith.constant 0 : i32
        %dma_start3A_176 = arith.constant 0 : i32
        %dma_start3A_177 = tpu.memref_slice %arg11[%dma_start3A_175, %dma_start3A_176] : memref<128x128xf32, #tpu.memory_space<vmem>> -> memref<64x128xf32, #tpu.memory_space<vmem>>
        %dma_start3A_178 = arith.constant 0 : i32
        %dma_start3A_179 = tpu.memref_slice %arg8[%add3A_174, %dma_start3A_178] : memref<40x128xi32, #tpu.memory_space<vmem>> -> memref<1x64xi32, #tpu.memory_space<vmem>>
        %dma_start3A_180 = tpu.memref_squeeze %dma_start3A_179 : memref<1x64xi32, #tpu.memory_space<vmem>> -> memref<64xi32, #tpu.memory_space<vmem>>
        %dma_start3A_181 = arith.constant 0 : i32
        %dma_start3A_182 = arith.constant 0 : i32
        %dma_start3A_183 = tpu.memref_slice %arg2[%dma_start3A_181, %dma_start3A_182] : memref<10000x128xf32, #tpu.memory_space<hbm>> -> memref<10000x128xf32, #tpu.memory_space<hbm>>
        tpu.enqueue_indirect_dma source(%dma_start3A_183 : memref<10000x128xf32, #tpu.memory_space<hbm>>) target(%dma_start3A_177 : memref<64x128xf32, #tpu.memory_space<vmem>>) offsets(%dma_start3A_180 : memref<64xi32, #tpu.memory_space<vmem>>) semaphore(%arg14 : memref<!tpu.dma_semaphore, #tpu.memory_space<semaphore_mem>>)
        %dma_start3A_184 = arith.constant 64 : i32
        %dma_start3A_185 = arith.constant 0 : i32
        %dma_start3A_186 = tpu.memref_slice %arg11[%dma_start3A_184, %dma_start3A_185] : memref<128x128xf32, #tpu.memory_space<vmem>> -> memref<64x128xf32, #tpu.memory_space<vmem>>
        %dma_start3A_187 = arith.constant 64 : i32
        %dma_start3A_188 = tpu.memref_slice %arg8[%add3A_174, %dma_start3A_187] : memref<40x128xi32, #tpu.memory_space<vmem>> -> memref<1x64xi32, #tpu.memory_space<vmem>>
        %dma_start3A_189 = tpu.memref_squeeze %dma_start3A_188 : memref<1x64xi32, #tpu.memory_space<vmem>> -> memref<64xi32, #tpu.memory_space<vmem>>
        %dma_start3A_190 = arith.constant 0 : i32
        %dma_start3A_191 = arith.constant 0 : i32
        %dma_start3A_192 = tpu.memref_slice %arg2[%dma_start3A_190, %dma_start3A_191] : memref<10000x128xf32, #tpu.memory_space<hbm>> -> memref<10000x128xf32, #tpu.memory_space<hbm>>
        tpu.enqueue_indirect_dma source(%dma_start3A_192 : memref<10000x128xf32, #tpu.memory_space<hbm>>) target(%dma_start3A_186 : memref<64x128xf32, #tpu.memory_space<vmem>>) offsets(%dma_start3A_189 : memref<64xi32, #tpu.memory_space<vmem>>) semaphore(%arg14 : memref<!tpu.dma_semaphore, #tpu.memory_space<semaphore_mem>>)
      } else {
      }
    }
    %scan3A_111 = arith.constant 20 : i32
    %barrier3A_112 = arith.constant 0 : index
    tpu.barrier barrier_id(%barrier3A_112)
    %mul3A_113 = arith.constant 640 : i32
    %mul3A_114 = arith.muli %arg1, %mul3A_113 : i32
    %mul3A_115 = arith.constant 640 : i32
    %mul3A_116 = arith.muli %arg1, %mul3A_115 : i32
    "tpu.region"() ({
      %run_scoped3A = tpu.sem_alloc : memref<!tpu.dma_semaphore, #tpu.memory_space<semaphore_mem>>
      %dma_start3A_117 = arith.constant 0 : i32
      %dma_start3A_118 = tpu.memref_slice %arg6[%arg0, %mul3A_116, %dma_start3A_117] : memref<2x10240x128xf32, #tpu.memory_space<hbm>> -> memref<1x640x128xf32, #tpu.memory_space<hbm>>
      %dma_start3A_119 = tpu.memref_squeeze %dma_start3A_118 : memref<1x640x128xf32, #tpu.memory_space<hbm>> -> memref<640x128xf32, #tpu.memory_space<hbm>>
      %dma_start3A_120 = arith.constant 0 : i32
      %dma_start3A_121 = tpu.memref_slice %arg7[%mul3A_114, %dma_start3A_120] : memref<10240x128xf32, #tpu.memory_space<vmem_shared>> -> memref<640x128xf32, #tpu.memory_space<vmem_shared>>
      tpu.enqueue_dma source(%dma_start3A_121 : memref<640x128xf32, #tpu.memory_space<vmem_shared>>) target(%dma_start3A_119 : memref<640x128xf32, #tpu.memory_space<hbm>>) target_semaphore(%run_scoped3A : memref<!tpu.dma_semaphore, #tpu.memory_space<semaphore_mem>>)
      %dma_wait3A_122 = arith.constant 0 : i32
      %dma_wait3A_123 = tpu.memref_slice %arg6[%arg0, %mul3A_116, %dma_wait3A_122] : memref<2x10240x128xf32, #tpu.memory_space<hbm>> -> memref<1x640x128xf32, #tpu.memory_space<hbm>>
      %dma_wait3A_124 = tpu.memref_squeeze %dma_wait3A_123 : memref<1x640x128xf32, #tpu.memory_space<hbm>> -> memref<640x128xf32, #tpu.memory_space<hbm>>
      %dma_wait3A_125 = arith.constant 0 : i32
      %dma_wait3A_126 = tpu.memref_slice %arg7[%mul3A_114, %dma_wait3A_125] : memref<10240x128xf32, #tpu.memory_space<vmem_shared>> -> memref<640x128xf32, #tpu.memory_space<vmem_shared>>
      tpu.wait_dma2 semaphore(%run_scoped3A : memref<!tpu.dma_semaphore, #tpu.memory_space<semaphore_mem>>) src(%dma_wait3A_126 : memref<640x128xf32, #tpu.memory_space<vmem_shared>>) dst(%dma_wait3A_124 : memref<640x128xf32, #tpu.memory_space<hbm>>)
      tpu.yield
    }) : () -> ()
    return
  }
}

#map = affine_map<(d0, d1) -> (0, 0)>
#map1 = affine_map<(d0, d1) -> (0, 0, 0)>
module attributes {stable_mosaic.version = 14 : i64} {
  func.func @_agg_body(%arg0: i32, %arg1: i32, %arg2: memref<10000x128xf32, #tpu.memory_space<hbm>>, %arg3: memref<2560x128xi32, #tpu.memory_space<hbm>>, %arg4: memref<2560x128xi32, #tpu.memory_space<hbm>>, %arg5: memref<10240x128xf32, #tpu.memory_space<hbm>>, %arg6: memref<2x10240x128xf32, #tpu.memory_space<hbm>>, %arg7: memref<10240x128xf32, #tpu.memory_space<vmem_shared>>, %arg8: memref<40x128xi32, #tpu.memory_space<vmem>>, %arg9: memref<40x128xi32, #tpu.memory_space<vmem>>, %arg10: memref<128x128xf32, #tpu.memory_space<vmem>>, %arg11: memref<128x128xf32, #tpu.memory_space<vmem>>, %arg12: memref<!tpu.dma_semaphore, #tpu.memory_space<semaphore_mem>>, %arg13: memref<!tpu.dma_semaphore, #tpu.memory_space<semaphore_mem>>, %arg14: memref<!tpu.dma_semaphore, #tpu.memory_space<semaphore_mem>>) attributes {dimension_semantics = [#tpu.dimension_semantics<core_parallel>, #tpu.dimension_semantics<subcore_parallel>], iteration_bounds = array<i64: 2, 16>, scalar_prefetch = 0 : i64, scratch_operands = 8 : i64, tpu.core_type = #tpu.core_type<sc_vector_subcore>, window_params = [{transform_indices = #map}, {transform_indices = #map}, {transform_indices = #map}, {transform_indices = #map}, {transform_indices = #map1}]} {
    %mul3A = arith.constant 2 : i32
    %mul3A_0 = arith.muli %arg1, %mul3A : i32
    %add3A = arith.addi %mul3A_0, %arg0 : i32
    %mul3A_1 = arith.constant 80 : i32
    %mul3A_2 = arith.muli %add3A, %mul3A_1 : i32
    %mul3A_3 = arith.constant 640 : i32
    %mul3A_4 = arith.muli %arg1, %mul3A_3 : i32
    %mul3A_5 = arith.constant 640 : i32
    %mul3A_6 = arith.muli %arg1, %mul3A_5 : i32
    %dma_start3A = arith.constant 0 : i32
    %dma_start3A_7 = tpu.memref_slice %arg7[%mul3A_6, %dma_start3A] : memref<10240x128xf32, #tpu.memory_space<vmem_shared>> -> memref<640x128xf32, #tpu.memory_space<vmem_shared>>
    %dma_start3A_8 = arith.constant 0 : i32
    %dma_start3A_9 = tpu.memref_slice %arg5[%mul3A_4, %dma_start3A_8] : memref<10240x128xf32, #tpu.memory_space<hbm>> -> memref<640x128xf32, #tpu.memory_space<hbm>>
    tpu.enqueue_dma source(%dma_start3A_9 : memref<640x128xf32, #tpu.memory_space<hbm>>) target(%dma_start3A_7 : memref<640x128xf32, #tpu.memory_space<vmem_shared>>) target_semaphore(%arg12 : memref<!tpu.dma_semaphore, #tpu.memory_space<semaphore_mem>>)
    %add3A_10 = arith.constant 0 : i32
    %add3A_11 = arith.addi %mul3A_2, %add3A_10 : i32
    "tpu.region"() ({
      %run_scoped3A = tpu.sem_alloc : memref<!tpu.dma_semaphore, #tpu.memory_space<semaphore_mem>>
      %dma_start3A_117 = arith.constant 0 : i32
      %dma_start3A_118 = tpu.memref_slice %arg3[%add3A_11, %dma_start3A_117] : memref<2560x128xi32, #tpu.memory_space<hbm>> -> memref<40x128xi32, #tpu.memory_space<hbm>>
      %dma_start3A_119 = arith.constant 0 : i32
      %dma_start3A_120 = tpu.memref_slice %arg3[%add3A_11, %dma_start3A_119] : memref<2560x128xi32, #tpu.memory_space<hbm>> -> memref<40x128xi32, #tpu.memory_space<hbm>>
      tpu.enqueue_dma source(%dma_start3A_120 : memref<40x128xi32, #tpu.memory_space<hbm>>) target(%arg8 : memref<40x128xi32, #tpu.memory_space<vmem>>) target_semaphore(%run_scoped3A : memref<!tpu.dma_semaphore, #tpu.memory_space<semaphore_mem>>)
      %dma_wait3A_121 = arith.constant 0 : i32
      %dma_wait3A_122 = tpu.memref_slice %arg3[%add3A_11, %dma_wait3A_121] : memref<2560x128xi32, #tpu.memory_space<hbm>> -> memref<40x128xi32, #tpu.memory_space<hbm>>
      %dma_wait3A_123 = arith.constant 0 : i32
      %dma_wait3A_124 = tpu.memref_slice %arg3[%add3A_11, %dma_wait3A_123] : memref<2560x128xi32, #tpu.memory_space<hbm>> -> memref<40x128xi32, #tpu.memory_space<hbm>>
      tpu.wait_dma2 semaphore(%run_scoped3A : memref<!tpu.dma_semaphore, #tpu.memory_space<semaphore_mem>>) src(%dma_wait3A_124 : memref<40x128xi32, #tpu.memory_space<hbm>>) dst(%arg8 : memref<40x128xi32, #tpu.memory_space<vmem>>)
      tpu.yield
    }) : () -> ()
    %add3A_12 = arith.constant 0 : i32
    %add3A_13 = arith.addi %mul3A_2, %add3A_12 : i32
    "tpu.region"() ({
      %run_scoped3A = tpu.sem_alloc : memref<!tpu.dma_semaphore, #tpu.memory_space<semaphore_mem>>
      %dma_start3A_117 = arith.constant 0 : i32
      %dma_start3A_118 = tpu.memref_slice %arg4[%add3A_13, %dma_start3A_117] : memref<2560x128xi32, #tpu.memory_space<hbm>> -> memref<40x128xi32, #tpu.memory_space<hbm>>
      %dma_start3A_119 = arith.constant 0 : i32
      %dma_start3A_120 = tpu.memref_slice %arg4[%add3A_13, %dma_start3A_119] : memref<2560x128xi32, #tpu.memory_space<hbm>> -> memref<40x128xi32, #tpu.memory_space<hbm>>
      tpu.enqueue_dma source(%dma_start3A_120 : memref<40x128xi32, #tpu.memory_space<hbm>>) target(%arg9 : memref<40x128xi32, #tpu.memory_space<vmem>>) target_semaphore(%run_scoped3A : memref<!tpu.dma_semaphore, #tpu.memory_space<semaphore_mem>>)
      %dma_wait3A_121 = arith.constant 0 : i32
      %dma_wait3A_122 = tpu.memref_slice %arg4[%add3A_13, %dma_wait3A_121] : memref<2560x128xi32, #tpu.memory_space<hbm>> -> memref<40x128xi32, #tpu.memory_space<hbm>>
      %dma_wait3A_123 = arith.constant 0 : i32
      %dma_wait3A_124 = tpu.memref_slice %arg4[%add3A_13, %dma_wait3A_123] : memref<2560x128xi32, #tpu.memory_space<hbm>> -> memref<40x128xi32, #tpu.memory_space<hbm>>
      tpu.wait_dma2 semaphore(%run_scoped3A : memref<!tpu.dma_semaphore, #tpu.memory_space<semaphore_mem>>) src(%dma_wait3A_124 : memref<40x128xi32, #tpu.memory_space<hbm>>) dst(%arg9 : memref<40x128xi32, #tpu.memory_space<vmem>>)
      tpu.yield
    }) : () -> ()
    %dma_start3A_14 = arith.constant 0 : i32
    %dma_start3A_15 = arith.constant 0 : i32
    %dma_start3A_16 = arith.constant 0 : i32
    %dma_start3A_17 = tpu.memref_slice %arg10[%dma_start3A_15, %dma_start3A_16] : memref<128x128xf32, #tpu.memory_space<vmem>> -> memref<64x128xf32, #tpu.memory_space<vmem>>
    %dma_start3A_18 = arith.constant 0 : i32
    %dma_start3A_19 = tpu.memref_slice %arg8[%dma_start3A_14, %dma_start3A_18] : memref<40x128xi32, #tpu.memory_space<vmem>> -> memref<1x64xi32, #tpu.memory_space<vmem>>
    %dma_start3A_20 = tpu.memref_squeeze %dma_start3A_19 : memref<1x64xi32, #tpu.memory_space<vmem>> -> memref<64xi32, #tpu.memory_space<vmem>>
    %dma_start3A_21 = arith.constant 0 : i32
    %dma_start3A_22 = arith.constant 0 : i32
    %dma_start3A_23 = tpu.memref_slice %arg2[%dma_start3A_21, %dma_start3A_22] : memref<10000x128xf32, #tpu.memory_space<hbm>> -> memref<10000x128xf32, #tpu.memory_space<hbm>>
    tpu.enqueue_indirect_dma source(%dma_start3A_23 : memref<10000x128xf32, #tpu.memory_space<hbm>>) target(%dma_start3A_17 : memref<64x128xf32, #tpu.memory_space<vmem>>) offsets(%dma_start3A_20 : memref<64xi32, #tpu.memory_space<vmem>>) semaphore(%arg13 : memref<!tpu.dma_semaphore, #tpu.memory_space<semaphore_mem>>)
    %dma_start3A_24 = arith.constant 0 : i32
    %dma_start3A_25 = arith.constant 64 : i32
    %dma_start3A_26 = arith.constant 0 : i32
    %dma_start3A_27 = tpu.memref_slice %arg10[%dma_start3A_25, %dma_start3A_26] : memref<128x128xf32, #tpu.memory_space<vmem>> -> memref<64x128xf32, #tpu.memory_space<vmem>>
    %dma_start3A_28 = arith.constant 64 : i32
    %dma_start3A_29 = tpu.memref_slice %arg8[%dma_start3A_24, %dma_start3A_28] : memref<40x128xi32, #tpu.memory_space<vmem>> -> memref<1x64xi32, #tpu.memory_space<vmem>>
    %dma_start3A_30 = tpu.memref_squeeze %dma_start3A_29 : memref<1x64xi32, #tpu.memory_space<vmem>> -> memref<64xi32, #tpu.memory_space<vmem>>
    %dma_start3A_31 = arith.constant 0 : i32
    %dma_start3A_32 = arith.constant 0 : i32
    %dma_start3A_33 = tpu.memref_slice %arg2[%dma_start3A_31, %dma_start3A_32] : memref<10000x128xf32, #tpu.memory_space<hbm>> -> memref<10000x128xf32, #tpu.memory_space<hbm>>
    tpu.enqueue_indirect_dma source(%dma_start3A_33 : memref<10000x128xf32, #tpu.memory_space<hbm>>) target(%dma_start3A_27 : memref<64x128xf32, #tpu.memory_space<vmem>>) offsets(%dma_start3A_30 : memref<64xi32, #tpu.memory_space<vmem>>) semaphore(%arg13 : memref<!tpu.dma_semaphore, #tpu.memory_space<semaphore_mem>>)
    %dma_start3A_34 = arith.constant 1 : i32
    %dma_start3A_35 = arith.constant 0 : i32
    %dma_start3A_36 = arith.constant 0 : i32
    %dma_start3A_37 = tpu.memref_slice %arg11[%dma_start3A_35, %dma_start3A_36] : memref<128x128xf32, #tpu.memory_space<vmem>> -> memref<64x128xf32, #tpu.memory_space<vmem>>
    %dma_start3A_38 = arith.constant 0 : i32
    %dma_start3A_39 = tpu.memref_slice %arg8[%dma_start3A_34, %dma_start3A_38] : memref<40x128xi32, #tpu.memory_space<vmem>> -> memref<1x64xi32, #tpu.memory_space<vmem>>
    %dma_start3A_40 = tpu.memref_squeeze %dma_start3A_39 : memref<1x64xi32, #tpu.memory_space<vmem>> -> memref<64xi32, #tpu.memory_space<vmem>>
    %dma_start3A_41 = arith.constant 0 : i32
    %dma_start3A_42 = arith.constant 0 : i32
    %dma_start3A_43 = tpu.memref_slice %arg2[%dma_start3A_41, %dma_start3A_42] : memref<10000x128xf32, #tpu.memory_space<hbm>> -> memref<10000x128xf32, #tpu.memory_space<hbm>>
    tpu.enqueue_indirect_dma source(%dma_start3A_43 : memref<10000x128xf32, #tpu.memory_space<hbm>>) target(%dma_start3A_37 : memref<64x128xf32, #tpu.memory_space<vmem>>) offsets(%dma_start3A_40 : memref<64xi32, #tpu.memory_space<vmem>>) semaphore(%arg14 : memref<!tpu.dma_semaphore, #tpu.memory_space<semaphore_mem>>)
    %dma_start3A_44 = arith.constant 1 : i32
    %dma_start3A_45 = arith.constant 64 : i32
    %dma_start3A_46 = arith.constant 0 : i32
    %dma_start3A_47 = tpu.memref_slice %arg11[%dma_start3A_45, %dma_start3A_46] : memref<128x128xf32, #tpu.memory_space<vmem>> -> memref<64x128xf32, #tpu.memory_space<vmem>>
    %dma_start3A_48 = arith.constant 64 : i32
    %dma_start3A_49 = tpu.memref_slice %arg8[%dma_start3A_44, %dma_start3A_48] : memref<40x128xi32, #tpu.memory_space<vmem>> -> memref<1x64xi32, #tpu.memory_space<vmem>>
    %dma_start3A_50 = tpu.memref_squeeze %dma_start3A_49 : memref<1x64xi32, #tpu.memory_space<vmem>> -> memref<64xi32, #tpu.memory_space<vmem>>
    %dma_start3A_51 = arith.constant 0 : i32
    %dma_start3A_52 = arith.constant 0 : i32
    %dma_start3A_53 = tpu.memref_slice %arg2[%dma_start3A_51, %dma_start3A_52] : memref<10000x128xf32, #tpu.memory_space<hbm>> -> memref<10000x128xf32, #tpu.memory_space<hbm>>
    tpu.enqueue_indirect_dma source(%dma_start3A_53 : memref<10000x128xf32, #tpu.memory_space<hbm>>) target(%dma_start3A_47 : memref<64x128xf32, #tpu.memory_space<vmem>>) offsets(%dma_start3A_50 : memref<64xi32, #tpu.memory_space<vmem>>) semaphore(%arg14 : memref<!tpu.dma_semaphore, #tpu.memory_space<semaphore_mem>>)
    %dma_wait3A = arith.constant 0 : i32
    %dma_wait3A_54 = tpu.memref_slice %arg7[%mul3A_6, %dma_wait3A] : memref<10240x128xf32, #tpu.memory_space<vmem_shared>> -> memref<640x128xf32, #tpu.memory_space<vmem_shared>>
    %dma_wait3A_55 = arith.constant 0 : i32
    %dma_wait3A_56 = tpu.memref_slice %arg5[%mul3A_4, %dma_wait3A_55] : memref<10240x128xf32, #tpu.memory_space<hbm>> -> memref<640x128xf32, #tpu.memory_space<hbm>>
    tpu.wait_dma2 semaphore(%arg12 : memref<!tpu.dma_semaphore, #tpu.memory_space<semaphore_mem>>) src(%dma_wait3A_56 : memref<640x128xf32, #tpu.memory_space<hbm>>) dst(%dma_wait3A_54 : memref<640x128xf32, #tpu.memory_space<vmem_shared>>)
    %barrier3A = arith.constant 0 : index
    tpu.barrier barrier_id(%barrier3A)
    %scan3A = arith.constant 0 : i32
    %scan3A_57 = arith.constant 0 : i32
    %scan3A_58 = arith.constant 20 : i32
    %scan3A_59 = arith.addi %scan3A_57, %scan3A_58 : i32
    %scan3A_60 = arith.constant 1 : i32
    scf.for %scan3A_117 = %scan3A_57 to %scan3A_59 step %scan3A_60  : i32 {
      %mul3A_118 = arith.constant 2 : i32
      %mul3A_119 = arith.muli %scan3A_117, %mul3A_118 : i32
      %add3A_120 = arith.constant 0 : i32
      %add3A_121 = arith.addi %mul3A_119, %add3A_120 : i32
      %dma_wait3A_122 = arith.constant 0 : i32
      %dma_wait3A_123 = arith.constant 0 : i32
      %dma_wait3A_124 = tpu.memref_slice %arg10[%dma_wait3A_122, %dma_wait3A_123] : memref<128x128xf32, #tpu.memory_space<vmem>> -> memref<64x128xf32, #tpu.memory_space<vmem>>
      %dma_wait3A_125 = arith.constant 0 : i32
      %dma_wait3A_126 = tpu.memref_slice %arg8[%add3A_121, %dma_wait3A_125] : memref<40x128xi32, #tpu.memory_space<vmem>> -> memref<1x64xi32, #tpu.memory_space<vmem>>
      %dma_wait3A_127 = tpu.memref_squeeze %dma_wait3A_126 : memref<1x64xi32, #tpu.memory_space<vmem>> -> memref<64xi32, #tpu.memory_space<vmem>>
      %dma_wait3A_128 = arith.constant 0 : i32
      %dma_wait3A_129 = arith.constant 0 : i32
      %dma_wait3A_130 = tpu.memref_slice %arg2[%dma_wait3A_128, %dma_wait3A_129] : memref<10000x128xf32, #tpu.memory_space<hbm>> -> memref<10000x128xf32, #tpu.memory_space<hbm>>
      tpu.wait_indirect_dma semaphore(%arg13 : memref<!tpu.dma_semaphore, #tpu.memory_space<semaphore_mem>>) src(%dma_wait3A_130 : memref<10000x128xf32, #tpu.memory_space<hbm>>) dst(%dma_wait3A_124 : memref<64x128xf32, #tpu.memory_space<vmem>>)
      %dma_wait3A_131 = arith.constant 64 : i32
      %dma_wait3A_132 = arith.constant 0 : i32
      %dma_wait3A_133 = tpu.memref_slice %arg10[%dma_wait3A_131, %dma_wait3A_132] : memref<128x128xf32, #tpu.memory_space<vmem>> -> memref<64x128xf32, #tpu.memory_space<vmem>>
      %dma_wait3A_134 = arith.constant 64 : i32
      %dma_wait3A_135 = tpu.memref_slice %arg8[%add3A_121, %dma_wait3A_134] : memref<40x128xi32, #tpu.memory_space<vmem>> -> memref<1x64xi32, #tpu.memory_space<vmem>>
      %dma_wait3A_136 = tpu.memref_squeeze %dma_wait3A_135 : memref<1x64xi32, #tpu.memory_space<vmem>> -> memref<64xi32, #tpu.memory_space<vmem>>
      %dma_wait3A_137 = arith.constant 0 : i32
      %dma_wait3A_138 = arith.constant 0 : i32
      %dma_wait3A_139 = tpu.memref_slice %arg2[%dma_wait3A_137, %dma_wait3A_138] : memref<10000x128xf32, #tpu.memory_space<hbm>> -> memref<10000x128xf32, #tpu.memory_space<hbm>>
      tpu.wait_indirect_dma semaphore(%arg13 : memref<!tpu.dma_semaphore, #tpu.memory_space<semaphore_mem>>) src(%dma_wait3A_139 : memref<10000x128xf32, #tpu.memory_space<hbm>>) dst(%dma_wait3A_133 : memref<64x128xf32, #tpu.memory_space<vmem>>)
      "tpu.region"() ({
        %run_scoped3A = tpu.sem_alloc : memref<!tpu.dma_semaphore, #tpu.memory_space<semaphore_mem>>
        %dma_start3A_173 = arith.constant 0 : i32
        %dma_start3A_174 = tpu.memref_slice %arg9[%add3A_121, %dma_start3A_173] : memref<40x128xi32, #tpu.memory_space<vmem>> -> memref<1x128xi32, #tpu.memory_space<vmem>>
        %dma_start3A_175 = tpu.memref_squeeze %dma_start3A_174 : memref<1x128xi32, #tpu.memory_space<vmem>> -> memref<128xi32, #tpu.memory_space<vmem>>
        %dma_start3A_176 = arith.constant 0 : i32
        %dma_start3A_177 = arith.constant 0 : i32
        %dma_start3A_178 = tpu.memref_slice %arg7[%dma_start3A_176, %dma_start3A_177] : memref<10240x128xf32, #tpu.memory_space<vmem_shared>> -> memref<10240x128xf32, #tpu.memory_space<vmem_shared>>
        tpu.enqueue_indirect_dma source(%arg10 : memref<128x128xf32, #tpu.memory_space<vmem>>) target(%dma_start3A_178 : memref<10240x128xf32, #tpu.memory_space<vmem_shared>>) offsets(%dma_start3A_175 : memref<128xi32, #tpu.memory_space<vmem>>) semaphore(%run_scoped3A : memref<!tpu.dma_semaphore, #tpu.memory_space<semaphore_mem>>) {add = true}
        %dma_wait3A_179 = arith.constant 0 : i32
        %dma_wait3A_180 = tpu.memref_slice %arg9[%add3A_121, %dma_wait3A_179] : memref<40x128xi32, #tpu.memory_space<vmem>> -> memref<1x128xi32, #tpu.memory_space<vmem>>
        %dma_wait3A_181 = tpu.memref_squeeze %dma_wait3A_180 : memref<1x128xi32, #tpu.memory_space<vmem>> -> memref<128xi32, #tpu.memory_space<vmem>>
        %dma_wait3A_182 = arith.constant 0 : i32
        %dma_wait3A_183 = arith.constant 0 : i32
        %dma_wait3A_184 = tpu.memref_slice %arg7[%dma_wait3A_182, %dma_wait3A_183] : memref<10240x128xf32, #tpu.memory_space<vmem_shared>> -> memref<10240x128xf32, #tpu.memory_space<vmem_shared>>
        tpu.wait_indirect_dma semaphore(%run_scoped3A : memref<!tpu.dma_semaphore, #tpu.memory_space<semaphore_mem>>) src(%arg10 : memref<128x128xf32, #tpu.memory_space<vmem>>) dst(%dma_wait3A_184 : memref<10240x128xf32, #tpu.memory_space<vmem_shared>>)
        tpu.yield
      }) : () -> ()
      %add3A_140 = arith.constant 2 : i32
      %add3A_141 = arith.addi %add3A_121, %add3A_140 : i32
      %lt3A = arith.constant 40 : i32
      %lt3A_142 = arith.cmpi slt, %add3A_141, %lt3A : i32
      %convert_element_type3A = arith.extui %lt3A_142 : i1 to i32
      %cond3A = arith.constant 0 : i32
      %cond3A_143 = arith.cmpi ne, %convert_element_type3A, %cond3A : i32
      scf.if %cond3A_143 {
        %add3A_173 = arith.constant 2 : i32
        %add3A_174 = arith.addi %add3A_121, %add3A_173 : i32
        %dma_start3A_175 = arith.constant 0 : i32
        %dma_start3A_176 = arith.constant 0 : i32
        %dma_start3A_177 = tpu.memref_slice %arg10[%dma_start3A_175, %dma_start3A_176] : memref<128x128xf32, #tpu.memory_space<vmem>> -> memref<64x128xf32, #tpu.memory_space<vmem>>
        %dma_start3A_178 = arith.constant 0 : i32
        %dma_start3A_179 = tpu.memref_slice %arg8[%add3A_174, %dma_start3A_178] : memref<40x128xi32, #tpu.memory_space<vmem>> -> memref<1x64xi32, #tpu.memory_space<vmem>>
        %dma_start3A_180 = tpu.memref_squeeze %dma_start3A_179 : memref<1x64xi32, #tpu.memory_space<vmem>> -> memref<64xi32, #tpu.memory_space<vmem>>
        %dma_start3A_181 = arith.constant 0 : i32
        %dma_start3A_182 = arith.constant 0 : i32
        %dma_start3A_183 = tpu.memref_slice %arg2[%dma_start3A_181, %dma_start3A_182] : memref<10000x128xf32, #tpu.memory_space<hbm>> -> memref<10000x128xf32, #tpu.memory_space<hbm>>
        tpu.enqueue_indirect_dma source(%dma_start3A_183 : memref<10000x128xf32, #tpu.memory_space<hbm>>) target(%dma_start3A_177 : memref<64x128xf32, #tpu.memory_space<vmem>>) offsets(%dma_start3A_180 : memref<64xi32, #tpu.memory_space<vmem>>) semaphore(%arg13 : memref<!tpu.dma_semaphore, #tpu.memory_space<semaphore_mem>>)
        %dma_start3A_184 = arith.constant 64 : i32
        %dma_start3A_185 = arith.constant 0 : i32
        %dma_start3A_186 = tpu.memref_slice %arg10[%dma_start3A_184, %dma_start3A_185] : memref<128x128xf32, #tpu.memory_space<vmem>> -> memref<64x128xf32, #tpu.memory_space<vmem>>
        %dma_start3A_187 = arith.constant 64 : i32
        %dma_start3A_188 = tpu.memref_slice %arg8[%add3A_174, %dma_start3A_187] : memref<40x128xi32, #tpu.memory_space<vmem>> -> memref<1x64xi32, #tpu.memory_space<vmem>>
        %dma_start3A_189 = tpu.memref_squeeze %dma_start3A_188 : memref<1x64xi32, #tpu.memory_space<vmem>> -> memref<64xi32, #tpu.memory_space<vmem>>
        %dma_start3A_190 = arith.constant 0 : i32
        %dma_start3A_191 = arith.constant 0 : i32
        %dma_start3A_192 = tpu.memref_slice %arg2[%dma_start3A_190, %dma_start3A_191] : memref<10000x128xf32, #tpu.memory_space<hbm>> -> memref<10000x128xf32, #tpu.memory_space<hbm>>
        tpu.enqueue_indirect_dma source(%dma_start3A_192 : memref<10000x128xf32, #tpu.memory_space<hbm>>) target(%dma_start3A_186 : memref<64x128xf32, #tpu.memory_space<vmem>>) offsets(%dma_start3A_189 : memref<64xi32, #tpu.memory_space<vmem>>) semaphore(%arg13 : memref<!tpu.dma_semaphore, #tpu.memory_space<semaphore_mem>>)
      } else {
      }
      %mul3A_144 = arith.constant 2 : i32
      %mul3A_145 = arith.muli %scan3A_117, %mul3A_144 : i32
      %add3A_146 = arith.constant 1 : i32
      %add3A_147 = arith.addi %mul3A_145, %add3A_146 : i32
      %dma_wait3A_148 = arith.constant 0 : i32
      %dma_wait3A_149 = arith.constant 0 : i32
      %dma_wait3A_150 = tpu.memref_slice %arg11[%dma_wait3A_148, %dma_wait3A_149] : memref<128x128xf32, #tpu.memory_space<vmem>> -> memref<64x128xf32, #tpu.memory_space<vmem>>
      %dma_wait3A_151 = arith.constant 0 : i32
      %dma_wait3A_152 = tpu.memref_slice %arg8[%add3A_147, %dma_wait3A_151] : memref<40x128xi32, #tpu.memory_space<vmem>> -> memref<1x64xi32, #tpu.memory_space<vmem>>
      %dma_wait3A_153 = tpu.memref_squeeze %dma_wait3A_152 : memref<1x64xi32, #tpu.memory_space<vmem>> -> memref<64xi32, #tpu.memory_space<vmem>>
      %dma_wait3A_154 = arith.constant 0 : i32
      %dma_wait3A_155 = arith.constant 0 : i32
      %dma_wait3A_156 = tpu.memref_slice %arg2[%dma_wait3A_154, %dma_wait3A_155] : memref<10000x128xf32, #tpu.memory_space<hbm>> -> memref<10000x128xf32, #tpu.memory_space<hbm>>
      tpu.wait_indirect_dma semaphore(%arg14 : memref<!tpu.dma_semaphore, #tpu.memory_space<semaphore_mem>>) src(%dma_wait3A_156 : memref<10000x128xf32, #tpu.memory_space<hbm>>) dst(%dma_wait3A_150 : memref<64x128xf32, #tpu.memory_space<vmem>>)
      %dma_wait3A_157 = arith.constant 64 : i32
      %dma_wait3A_158 = arith.constant 0 : i32
      %dma_wait3A_159 = tpu.memref_slice %arg11[%dma_wait3A_157, %dma_wait3A_158] : memref<128x128xf32, #tpu.memory_space<vmem>> -> memref<64x128xf32, #tpu.memory_space<vmem>>
      %dma_wait3A_160 = arith.constant 64 : i32
      %dma_wait3A_161 = tpu.memref_slice %arg8[%add3A_147, %dma_wait3A_160] : memref<40x128xi32, #tpu.memory_space<vmem>> -> memref<1x64xi32, #tpu.memory_space<vmem>>
      %dma_wait3A_162 = tpu.memref_squeeze %dma_wait3A_161 : memref<1x64xi32, #tpu.memory_space<vmem>> -> memref<64xi32, #tpu.memory_space<vmem>>
      %dma_wait3A_163 = arith.constant 0 : i32
      %dma_wait3A_164 = arith.constant 0 : i32
      %dma_wait3A_165 = tpu.memref_slice %arg2[%dma_wait3A_163, %dma_wait3A_164] : memref<10000x128xf32, #tpu.memory_space<hbm>> -> memref<10000x128xf32, #tpu.memory_space<hbm>>
      tpu.wait_indirect_dma semaphore(%arg14 : memref<!tpu.dma_semaphore, #tpu.memory_space<semaphore_mem>>) src(%dma_wait3A_165 : memref<10000x128xf32, #tpu.memory_space<hbm>>) dst(%dma_wait3A_159 : memref<64x128xf32, #tpu.memory_space<vmem>>)
      "tpu.region"() ({
        %run_scoped3A = tpu.sem_alloc : memref<!tpu.dma_semaphore, #tpu.memory_space<semaphore_mem>>
        %dma_start3A_173 = arith.constant 0 : i32
        %dma_start3A_174 = tpu.memref_slice %arg9[%add3A_147, %dma_start3A_173] : memref<40x128xi32, #tpu.memory_space<vmem>> -> memref<1x128xi32, #tpu.memory_space<vmem>>
        %dma_start3A_175 = tpu.memref_squeeze %dma_start3A_174 : memref<1x128xi32, #tpu.memory_space<vmem>> -> memref<128xi32, #tpu.memory_space<vmem>>
        %dma_start3A_176 = arith.constant 0 : i32
        %dma_start3A_177 = arith.constant 0 : i32
        %dma_start3A_178 = tpu.memref_slice %arg7[%dma_start3A_176, %dma_start3A_177] : memref<10240x128xf32, #tpu.memory_space<vmem_shared>> -> memref<10240x128xf32, #tpu.memory_space<vmem_shared>>
        tpu.enqueue_indirect_dma source(%arg11 : memref<128x128xf32, #tpu.memory_space<vmem>>) target(%dma_start3A_178 : memref<10240x128xf32, #tpu.memory_space<vmem_shared>>) offsets(%dma_start3A_175 : memref<128xi32, #tpu.memory_space<vmem>>) semaphore(%run_scoped3A : memref<!tpu.dma_semaphore, #tpu.memory_space<semaphore_mem>>) {add = true}
        %dma_wait3A_179 = arith.constant 0 : i32
        %dma_wait3A_180 = tpu.memref_slice %arg9[%add3A_147, %dma_wait3A_179] : memref<40x128xi32, #tpu.memory_space<vmem>> -> memref<1x128xi32, #tpu.memory_space<vmem>>
        %dma_wait3A_181 = tpu.memref_squeeze %dma_wait3A_180 : memref<1x128xi32, #tpu.memory_space<vmem>> -> memref<128xi32, #tpu.memory_space<vmem>>
        %dma_wait3A_182 = arith.constant 0 : i32
        %dma_wait3A_183 = arith.constant 0 : i32
        %dma_wait3A_184 = tpu.memref_slice %arg7[%dma_wait3A_182, %dma_wait3A_183] : memref<10240x128xf32, #tpu.memory_space<vmem_shared>> -> memref<10240x128xf32, #tpu.memory_space<vmem_shared>>
        tpu.wait_indirect_dma semaphore(%run_scoped3A : memref<!tpu.dma_semaphore, #tpu.memory_space<semaphore_mem>>) src(%arg11 : memref<128x128xf32, #tpu.memory_space<vmem>>) dst(%dma_wait3A_184 : memref<10240x128xf32, #tpu.memory_space<vmem_shared>>)
        tpu.yield
      }) : () -> ()
      %add3A_166 = arith.constant 2 : i32
      %add3A_167 = arith.addi %add3A_147, %add3A_166 : i32
      %lt3A_168 = arith.constant 40 : i32
      %lt3A_169 = arith.cmpi slt, %add3A_167, %lt3A_168 : i32
      %convert_element_type3A_170 = arith.extui %lt3A_169 : i1 to i32
      %cond3A_171 = arith.constant 0 : i32
      %cond3A_172 = arith.cmpi ne, %convert_element_type3A_170, %cond3A_171 : i32
      scf.if %cond3A_172 {
        %add3A_173 = arith.constant 2 : i32
        %add3A_174 = arith.addi %add3A_147, %add3A_173 : i32
        %dma_start3A_175 = arith.constant 0 : i32
        %dma_start3A_176 = arith.constant 0 : i32
        %dma_start3A_177 = tpu.memref_slice %arg11[%dma_start3A_175, %dma_start3A_176] : memref<128x128xf32, #tpu.memory_space<vmem>> -> memref<64x128xf32, #tpu.memory_space<vmem>>
        %dma_start3A_178 = arith.constant 0 : i32
        %dma_start3A_179 = tpu.memref_slice %arg8[%add3A_174, %dma_start3A_178] : memref<40x128xi32, #tpu.memory_space<vmem>> -> memref<1x64xi32, #tpu.memory_space<vmem>>
        %dma_start3A_180 = tpu.memref_squeeze %dma_start3A_179 : memref<1x64xi32, #tpu.memory_space<vmem>> -> memref<64xi32, #tpu.memory_space<vmem>>
        %dma_start3A_181 = arith.constant 0 : i32
        %dma_start3A_182 = arith.constant 0 : i32
        %dma_start3A_183 = tpu.memref_slice %arg2[%dma_start3A_181, %dma_start3A_182] : memref<10000x128xf32, #tpu.memory_space<hbm>> -> memref<10000x128xf32, #tpu.memory_space<hbm>>
        tpu.enqueue_indirect_dma source(%dma_start3A_183 : memref<10000x128xf32, #tpu.memory_space<hbm>>) target(%dma_start3A_177 : memref<64x128xf32, #tpu.memory_space<vmem>>) offsets(%dma_start3A_180 : memref<64xi32, #tpu.memory_space<vmem>>) semaphore(%arg14 : memref<!tpu.dma_semaphore, #tpu.memory_space<semaphore_mem>>)
        %dma_start3A_184 = arith.constant 64 : i32
        %dma_start3A_185 = arith.constant 0 : i32
        %dma_start3A_186 = tpu.memref_slice %arg11[%dma_start3A_184, %dma_start3A_185] : memref<128x128xf32, #tpu.memory_space<vmem>> -> memref<64x128xf32, #tpu.memory_space<vmem>>
        %dma_start3A_187 = arith.constant 64 : i32
        %dma_start3A_188 = tpu.memref_slice %arg8[%add3A_174, %dma_start3A_187] : memref<40x128xi32, #tpu.memory_space<vmem>> -> memref<1x64xi32, #tpu.memory_space<vmem>>
        %dma_start3A_189 = tpu.memref_squeeze %dma_start3A_188 : memref<1x64xi32, #tpu.memory_space<vmem>> -> memref<64xi32, #tpu.memory_space<vmem>>
        %dma_start3A_190 = arith.constant 0 : i32
        %dma_start3A_191 = arith.constant 0 : i32
        %dma_start3A_192 = tpu.memref_slice %arg2[%dma_start3A_190, %dma_start3A_191] : memref<10000x128xf32, #tpu.memory_space<hbm>> -> memref<10000x128xf32, #tpu.memory_space<hbm>>
        tpu.enqueue_indirect_dma source(%dma_start3A_192 : memref<10000x128xf32, #tpu.memory_space<hbm>>) target(%dma_start3A_186 : memref<64x128xf32, #tpu.memory_space<vmem>>) offsets(%dma_start3A_189 : memref<64xi32, #tpu.memory_space<vmem>>) semaphore(%arg14 : memref<!tpu.dma_semaphore, #tpu.memory_space<semaphore_mem>>)
      } else {
      }
    }
    %scan3A_61 = arith.constant 20 : i32
    %add3A_62 = arith.constant 40 : i32
    %add3A_63 = arith.addi %mul3A_2, %add3A_62 : i32
    "tpu.region"() ({
      %run_scoped3A = tpu.sem_alloc : memref<!tpu.dma_semaphore, #tpu.memory_space<semaphore_mem>>
      %dma_start3A_117 = arith.constant 0 : i32
      %dma_start3A_118 = tpu.memref_slice %arg3[%add3A_63, %dma_start3A_117] : memref<2560x128xi32, #tpu.memory_space<hbm>> -> memref<40x128xi32, #tpu.memory_space<hbm>>
      %dma_start3A_119 = arith.constant 0 : i32
      %dma_start3A_120 = tpu.memref_slice %arg3[%add3A_63, %dma_start3A_119] : memref<2560x128xi32, #tpu.memory_space<hbm>> -> memref<40x128xi32, #tpu.memory_space<hbm>>
      tpu.enqueue_dma source(%dma_start3A_120 : memref<40x128xi32, #tpu.memory_space<hbm>>) target(%arg8 : memref<40x128xi32, #tpu.memory_space<vmem>>) target_semaphore(%run_scoped3A : memref<!tpu.dma_semaphore, #tpu.memory_space<semaphore_mem>>)
      %dma_wait3A_121 = arith.constant 0 : i32
      %dma_wait3A_122 = tpu.memref_slice %arg3[%add3A_63, %dma_wait3A_121] : memref<2560x128xi32, #tpu.memory_space<hbm>> -> memref<40x128xi32, #tpu.memory_space<hbm>>
      %dma_wait3A_123 = arith.constant 0 : i32
      %dma_wait3A_124 = tpu.memref_slice %arg3[%add3A_63, %dma_wait3A_123] : memref<2560x128xi32, #tpu.memory_space<hbm>> -> memref<40x128xi32, #tpu.memory_space<hbm>>
      tpu.wait_dma2 semaphore(%run_scoped3A : memref<!tpu.dma_semaphore, #tpu.memory_space<semaphore_mem>>) src(%dma_wait3A_124 : memref<40x128xi32, #tpu.memory_space<hbm>>) dst(%arg8 : memref<40x128xi32, #tpu.memory_space<vmem>>)
      tpu.yield
    }) : () -> ()
    %add3A_64 = arith.constant 40 : i32
    %add3A_65 = arith.addi %mul3A_2, %add3A_64 : i32
    "tpu.region"() ({
      %run_scoped3A = tpu.sem_alloc : memref<!tpu.dma_semaphore, #tpu.memory_space<semaphore_mem>>
      %dma_start3A_117 = arith.constant 0 : i32
      %dma_start3A_118 = tpu.memref_slice %arg4[%add3A_65, %dma_start3A_117] : memref<2560x128xi32, #tpu.memory_space<hbm>> -> memref<40x128xi32, #tpu.memory_space<hbm>>
      %dma_start3A_119 = arith.constant 0 : i32
      %dma_start3A_120 = tpu.memref_slice %arg4[%add3A_65, %dma_start3A_119] : memref<2560x128xi32, #tpu.memory_space<hbm>> -> memref<40x128xi32, #tpu.memory_space<hbm>>
      tpu.enqueue_dma source(%dma_start3A_120 : memref<40x128xi32, #tpu.memory_space<hbm>>) target(%arg9 : memref<40x128xi32, #tpu.memory_space<vmem>>) target_semaphore(%run_scoped3A : memref<!tpu.dma_semaphore, #tpu.memory_space<semaphore_mem>>)
      %dma_wait3A_121 = arith.constant 0 : i32
      %dma_wait3A_122 = tpu.memref_slice %arg4[%add3A_65, %dma_wait3A_121] : memref<2560x128xi32, #tpu.memory_space<hbm>> -> memref<40x128xi32, #tpu.memory_space<hbm>>
      %dma_wait3A_123 = arith.constant 0 : i32
      %dma_wait3A_124 = tpu.memref_slice %arg4[%add3A_65, %dma_wait3A_123] : memref<2560x128xi32, #tpu.memory_space<hbm>> -> memref<40x128xi32, #tpu.memory_space<hbm>>
      tpu.wait_dma2 semaphore(%run_scoped3A : memref<!tpu.dma_semaphore, #tpu.memory_space<semaphore_mem>>) src(%dma_wait3A_124 : memref<40x128xi32, #tpu.memory_space<hbm>>) dst(%arg9 : memref<40x128xi32, #tpu.memory_space<vmem>>)
      tpu.yield
    }) : () -> ()
    %dma_start3A_66 = arith.constant 0 : i32
    %dma_start3A_67 = arith.constant 0 : i32
    %dma_start3A_68 = arith.constant 0 : i32
    %dma_start3A_69 = tpu.memref_slice %arg10[%dma_start3A_67, %dma_start3A_68] : memref<128x128xf32, #tpu.memory_space<vmem>> -> memref<64x128xf32, #tpu.memory_space<vmem>>
    %dma_start3A_70 = arith.constant 0 : i32
    %dma_start3A_71 = tpu.memref_slice %arg8[%dma_start3A_66, %dma_start3A_70] : memref<40x128xi32, #tpu.memory_space<vmem>> -> memref<1x64xi32, #tpu.memory_space<vmem>>
    %dma_start3A_72 = tpu.memref_squeeze %dma_start3A_71 : memref<1x64xi32, #tpu.memory_space<vmem>> -> memref<64xi32, #tpu.memory_space<vmem>>
    %dma_start3A_73 = arith.constant 0 : i32
    %dma_start3A_74 = arith.constant 0 : i32
    %dma_start3A_75 = tpu.memref_slice %arg2[%dma_start3A_73, %dma_start3A_74] : memref<10000x128xf32, #tpu.memory_space<hbm>> -> memref<10000x128xf32, #tpu.memory_space<hbm>>
    tpu.enqueue_indirect_dma source(%dma_start3A_75 : memref<10000x128xf32, #tpu.memory_space<hbm>>) target(%dma_start3A_69 : memref<64x128xf32, #tpu.memory_space<vmem>>) offsets(%dma_start3A_72 : memref<64xi32, #tpu.memory_space<vmem>>) semaphore(%arg13 : memref<!tpu.dma_semaphore, #tpu.memory_space<semaphore_mem>>)
    %dma_start3A_76 = arith.constant 0 : i32
    %dma_start3A_77 = arith.constant 64 : i32
    %dma_start3A_78 = arith.constant 0 : i32
    %dma_start3A_79 = tpu.memref_slice %arg10[%dma_start3A_77, %dma_start3A_78] : memref<128x128xf32, #tpu.memory_space<vmem>> -> memref<64x128xf32, #tpu.memory_space<vmem>>
    %dma_start3A_80 = arith.constant 64 : i32
    %dma_start3A_81 = tpu.memref_slice %arg8[%dma_start3A_76, %dma_start3A_80] : memref<40x128xi32, #tpu.memory_space<vmem>> -> memref<1x64xi32, #tpu.memory_space<vmem>>
    %dma_start3A_82 = tpu.memref_squeeze %dma_start3A_81 : memref<1x64xi32, #tpu.memory_space<vmem>> -> memref<64xi32, #tpu.memory_space<vmem>>
    %dma_start3A_83 = arith.constant 0 : i32
    %dma_start3A_84 = arith.constant 0 : i32
    %dma_start3A_85 = tpu.memref_slice %arg2[%dma_start3A_83, %dma_start3A_84] : memref<10000x128xf32, #tpu.memory_space<hbm>> -> memref<10000x128xf32, #tpu.memory_space<hbm>>
    tpu.enqueue_indirect_dma source(%dma_start3A_85 : memref<10000x128xf32, #tpu.memory_space<hbm>>) target(%dma_start3A_79 : memref<64x128xf32, #tpu.memory_space<vmem>>) offsets(%dma_start3A_82 : memref<64xi32, #tpu.memory_space<vmem>>) semaphore(%arg13 : memref<!tpu.dma_semaphore, #tpu.memory_space<semaphore_mem>>)
    %dma_start3A_86 = arith.constant 1 : i32
    %dma_start3A_87 = arith.constant 0 : i32
    %dma_start3A_88 = arith.constant 0 : i32
    %dma_start3A_89 = tpu.memref_slice %arg11[%dma_start3A_87, %dma_start3A_88] : memref<128x128xf32, #tpu.memory_space<vmem>> -> memref<64x128xf32, #tpu.memory_space<vmem>>
    %dma_start3A_90 = arith.constant 0 : i32
    %dma_start3A_91 = tpu.memref_slice %arg8[%dma_start3A_86, %dma_start3A_90] : memref<40x128xi32, #tpu.memory_space<vmem>> -> memref<1x64xi32, #tpu.memory_space<vmem>>
    %dma_start3A_92 = tpu.memref_squeeze %dma_start3A_91 : memref<1x64xi32, #tpu.memory_space<vmem>> -> memref<64xi32, #tpu.memory_space<vmem>>
    %dma_start3A_93 = arith.constant 0 : i32
    %dma_start3A_94 = arith.constant 0 : i32
    %dma_start3A_95 = tpu.memref_slice %arg2[%dma_start3A_93, %dma_start3A_94] : memref<10000x128xf32, #tpu.memory_space<hbm>> -> memref<10000x128xf32, #tpu.memory_space<hbm>>
    tpu.enqueue_indirect_dma source(%dma_start3A_95 : memref<10000x128xf32, #tpu.memory_space<hbm>>) target(%dma_start3A_89 : memref<64x128xf32, #tpu.memory_space<vmem>>) offsets(%dma_start3A_92 : memref<64xi32, #tpu.memory_space<vmem>>) semaphore(%arg14 : memref<!tpu.dma_semaphore, #tpu.memory_space<semaphore_mem>>)
    %dma_start3A_96 = arith.constant 1 : i32
    %dma_start3A_97 = arith.constant 64 : i32
    %dma_start3A_98 = arith.constant 0 : i32
    %dma_start3A_99 = tpu.memref_slice %arg11[%dma_start3A_97, %dma_start3A_98] : memref<128x128xf32, #tpu.memory_space<vmem>> -> memref<64x128xf32, #tpu.memory_space<vmem>>
    %dma_start3A_100 = arith.constant 64 : i32
    %dma_start3A_101 = tpu.memref_slice %arg8[%dma_start3A_96, %dma_start3A_100] : memref<40x128xi32, #tpu.memory_space<vmem>> -> memref<1x64xi32, #tpu.memory_space<vmem>>
    %dma_start3A_102 = tpu.memref_squeeze %dma_start3A_101 : memref<1x64xi32, #tpu.memory_space<vmem>> -> memref<64xi32, #tpu.memory_space<vmem>>
    %dma_start3A_103 = arith.constant 0 : i32
    %dma_start3A_104 = arith.constant 0 : i32
    %dma_start3A_105 = tpu.memref_slice %arg2[%dma_start3A_103, %dma_start3A_104] : memref<10000x128xf32, #tpu.memory_space<hbm>> -> memref<10000x128xf32, #tpu.memory_space<hbm>>
    tpu.enqueue_indirect_dma source(%dma_start3A_105 : memref<10000x128xf32, #tpu.memory_space<hbm>>) target(%dma_start3A_99 : memref<64x128xf32, #tpu.memory_space<vmem>>) offsets(%dma_start3A_102 : memref<64xi32, #tpu.memory_space<vmem>>) semaphore(%arg14 : memref<!tpu.dma_semaphore, #tpu.memory_space<semaphore_mem>>)
    %scan3A_106 = arith.constant 0 : i32
    %scan3A_107 = arith.constant 0 : i32
    %scan3A_108 = arith.constant 20 : i32
    %scan3A_109 = arith.addi %scan3A_107, %scan3A_108 : i32
    %scan3A_110 = arith.constant 1 : i32
    scf.for %scan3A_117 = %scan3A_107 to %scan3A_109 step %scan3A_110  : i32 {
      %mul3A_118 = arith.constant 2 : i32
      %mul3A_119 = arith.muli %scan3A_117, %mul3A_118 : i32
      %add3A_120 = arith.constant 0 : i32
      %add3A_121 = arith.addi %mul3A_119, %add3A_120 : i32
      %dma_wait3A_122 = arith.constant 0 : i32
      %dma_wait3A_123 = arith.constant 0 : i32
      %dma_wait3A_124 = tpu.memref_slice %arg10[%dma_wait3A_122, %dma_wait3A_123] : memref<128x128xf32, #tpu.memory_space<vmem>> -> memref<64x128xf32, #tpu.memory_space<vmem>>
      %dma_wait3A_125 = arith.constant 0 : i32
      %dma_wait3A_126 = tpu.memref_slice %arg8[%add3A_121, %dma_wait3A_125] : memref<40x128xi32, #tpu.memory_space<vmem>> -> memref<1x64xi32, #tpu.memory_space<vmem>>
      %dma_wait3A_127 = tpu.memref_squeeze %dma_wait3A_126 : memref<1x64xi32, #tpu.memory_space<vmem>> -> memref<64xi32, #tpu.memory_space<vmem>>
      %dma_wait3A_128 = arith.constant 0 : i32
      %dma_wait3A_129 = arith.constant 0 : i32
      %dma_wait3A_130 = tpu.memref_slice %arg2[%dma_wait3A_128, %dma_wait3A_129] : memref<10000x128xf32, #tpu.memory_space<hbm>> -> memref<10000x128xf32, #tpu.memory_space<hbm>>
      tpu.wait_indirect_dma semaphore(%arg13 : memref<!tpu.dma_semaphore, #tpu.memory_space<semaphore_mem>>) src(%dma_wait3A_130 : memref<10000x128xf32, #tpu.memory_space<hbm>>) dst(%dma_wait3A_124 : memref<64x128xf32, #tpu.memory_space<vmem>>)
      %dma_wait3A_131 = arith.constant 64 : i32
      %dma_wait3A_132 = arith.constant 0 : i32
      %dma_wait3A_133 = tpu.memref_slice %arg10[%dma_wait3A_131, %dma_wait3A_132] : memref<128x128xf32, #tpu.memory_space<vmem>> -> memref<64x128xf32, #tpu.memory_space<vmem>>
      %dma_wait3A_134 = arith.constant 64 : i32
      %dma_wait3A_135 = tpu.memref_slice %arg8[%add3A_121, %dma_wait3A_134] : memref<40x128xi32, #tpu.memory_space<vmem>> -> memref<1x64xi32, #tpu.memory_space<vmem>>
      %dma_wait3A_136 = tpu.memref_squeeze %dma_wait3A_135 : memref<1x64xi32, #tpu.memory_space<vmem>> -> memref<64xi32, #tpu.memory_space<vmem>>
      %dma_wait3A_137 = arith.constant 0 : i32
      %dma_wait3A_138 = arith.constant 0 : i32
      %dma_wait3A_139 = tpu.memref_slice %arg2[%dma_wait3A_137, %dma_wait3A_138] : memref<10000x128xf32, #tpu.memory_space<hbm>> -> memref<10000x128xf32, #tpu.memory_space<hbm>>
      tpu.wait_indirect_dma semaphore(%arg13 : memref<!tpu.dma_semaphore, #tpu.memory_space<semaphore_mem>>) src(%dma_wait3A_139 : memref<10000x128xf32, #tpu.memory_space<hbm>>) dst(%dma_wait3A_133 : memref<64x128xf32, #tpu.memory_space<vmem>>)
      "tpu.region"() ({
        %run_scoped3A = tpu.sem_alloc : memref<!tpu.dma_semaphore, #tpu.memory_space<semaphore_mem>>
        %dma_start3A_173 = arith.constant 0 : i32
        %dma_start3A_174 = tpu.memref_slice %arg9[%add3A_121, %dma_start3A_173] : memref<40x128xi32, #tpu.memory_space<vmem>> -> memref<1x128xi32, #tpu.memory_space<vmem>>
        %dma_start3A_175 = tpu.memref_squeeze %dma_start3A_174 : memref<1x128xi32, #tpu.memory_space<vmem>> -> memref<128xi32, #tpu.memory_space<vmem>>
        %dma_start3A_176 = arith.constant 0 : i32
        %dma_start3A_177 = arith.constant 0 : i32
        %dma_start3A_178 = tpu.memref_slice %arg7[%dma_start3A_176, %dma_start3A_177] : memref<10240x128xf32, #tpu.memory_space<vmem_shared>> -> memref<10240x128xf32, #tpu.memory_space<vmem_shared>>
        tpu.enqueue_indirect_dma source(%arg10 : memref<128x128xf32, #tpu.memory_space<vmem>>) target(%dma_start3A_178 : memref<10240x128xf32, #tpu.memory_space<vmem_shared>>) offsets(%dma_start3A_175 : memref<128xi32, #tpu.memory_space<vmem>>) semaphore(%run_scoped3A : memref<!tpu.dma_semaphore, #tpu.memory_space<semaphore_mem>>) {add = true}
        %dma_wait3A_179 = arith.constant 0 : i32
        %dma_wait3A_180 = tpu.memref_slice %arg9[%add3A_121, %dma_wait3A_179] : memref<40x128xi32, #tpu.memory_space<vmem>> -> memref<1x128xi32, #tpu.memory_space<vmem>>
        %dma_wait3A_181 = tpu.memref_squeeze %dma_wait3A_180 : memref<1x128xi32, #tpu.memory_space<vmem>> -> memref<128xi32, #tpu.memory_space<vmem>>
        %dma_wait3A_182 = arith.constant 0 : i32
        %dma_wait3A_183 = arith.constant 0 : i32
        %dma_wait3A_184 = tpu.memref_slice %arg7[%dma_wait3A_182, %dma_wait3A_183] : memref<10240x128xf32, #tpu.memory_space<vmem_shared>> -> memref<10240x128xf32, #tpu.memory_space<vmem_shared>>
        tpu.wait_indirect_dma semaphore(%run_scoped3A : memref<!tpu.dma_semaphore, #tpu.memory_space<semaphore_mem>>) src(%arg10 : memref<128x128xf32, #tpu.memory_space<vmem>>) dst(%dma_wait3A_184 : memref<10240x128xf32, #tpu.memory_space<vmem_shared>>)
        tpu.yield
      }) : () -> ()
      %add3A_140 = arith.constant 2 : i32
      %add3A_141 = arith.addi %add3A_121, %add3A_140 : i32
      %lt3A = arith.constant 40 : i32
      %lt3A_142 = arith.cmpi slt, %add3A_141, %lt3A : i32
      %convert_element_type3A = arith.extui %lt3A_142 : i1 to i32
      %cond3A = arith.constant 0 : i32
      %cond3A_143 = arith.cmpi ne, %convert_element_type3A, %cond3A : i32
      scf.if %cond3A_143 {
        %add3A_173 = arith.constant 2 : i32
        %add3A_174 = arith.addi %add3A_121, %add3A_173 : i32
        %dma_start3A_175 = arith.constant 0 : i32
        %dma_start3A_176 = arith.constant 0 : i32
        %dma_start3A_177 = tpu.memref_slice %arg10[%dma_start3A_175, %dma_start3A_176] : memref<128x128xf32, #tpu.memory_space<vmem>> -> memref<64x128xf32, #tpu.memory_space<vmem>>
        %dma_start3A_178 = arith.constant 0 : i32
        %dma_start3A_179 = tpu.memref_slice %arg8[%add3A_174, %dma_start3A_178] : memref<40x128xi32, #tpu.memory_space<vmem>> -> memref<1x64xi32, #tpu.memory_space<vmem>>
        %dma_start3A_180 = tpu.memref_squeeze %dma_start3A_179 : memref<1x64xi32, #tpu.memory_space<vmem>> -> memref<64xi32, #tpu.memory_space<vmem>>
        %dma_start3A_181 = arith.constant 0 : i32
        %dma_start3A_182 = arith.constant 0 : i32
        %dma_start3A_183 = tpu.memref_slice %arg2[%dma_start3A_181, %dma_start3A_182] : memref<10000x128xf32, #tpu.memory_space<hbm>> -> memref<10000x128xf32, #tpu.memory_space<hbm>>
        tpu.enqueue_indirect_dma source(%dma_start3A_183 : memref<10000x128xf32, #tpu.memory_space<hbm>>) target(%dma_start3A_177 : memref<64x128xf32, #tpu.memory_space<vmem>>) offsets(%dma_start3A_180 : memref<64xi32, #tpu.memory_space<vmem>>) semaphore(%arg13 : memref<!tpu.dma_semaphore, #tpu.memory_space<semaphore_mem>>)
        %dma_start3A_184 = arith.constant 64 : i32
        %dma_start3A_185 = arith.constant 0 : i32
        %dma_start3A_186 = tpu.memref_slice %arg10[%dma_start3A_184, %dma_start3A_185] : memref<128x128xf32, #tpu.memory_space<vmem>> -> memref<64x128xf32, #tpu.memory_space<vmem>>
        %dma_start3A_187 = arith.constant 64 : i32
        %dma_start3A_188 = tpu.memref_slice %arg8[%add3A_174, %dma_start3A_187] : memref<40x128xi32, #tpu.memory_space<vmem>> -> memref<1x64xi32, #tpu.memory_space<vmem>>
        %dma_start3A_189 = tpu.memref_squeeze %dma_start3A_188 : memref<1x64xi32, #tpu.memory_space<vmem>> -> memref<64xi32, #tpu.memory_space<vmem>>
        %dma_start3A_190 = arith.constant 0 : i32
        %dma_start3A_191 = arith.constant 0 : i32
        %dma_start3A_192 = tpu.memref_slice %arg2[%dma_start3A_190, %dma_start3A_191] : memref<10000x128xf32, #tpu.memory_space<hbm>> -> memref<10000x128xf32, #tpu.memory_space<hbm>>
        tpu.enqueue_indirect_dma source(%dma_start3A_192 : memref<10000x128xf32, #tpu.memory_space<hbm>>) target(%dma_start3A_186 : memref<64x128xf32, #tpu.memory_space<vmem>>) offsets(%dma_start3A_189 : memref<64xi32, #tpu.memory_space<vmem>>) semaphore(%arg13 : memref<!tpu.dma_semaphore, #tpu.memory_space<semaphore_mem>>)
      } else {
      }
      %mul3A_144 = arith.constant 2 : i32
      %mul3A_145 = arith.muli %scan3A_117, %mul3A_144 : i32
      %add3A_146 = arith.constant 1 : i32
      %add3A_147 = arith.addi %mul3A_145, %add3A_146 : i32
      %dma_wait3A_148 = arith.constant 0 : i32
      %dma_wait3A_149 = arith.constant 0 : i32
      %dma_wait3A_150 = tpu.memref_slice %arg11[%dma_wait3A_148, %dma_wait3A_149] : memref<128x128xf32, #tpu.memory_space<vmem>> -> memref<64x128xf32, #tpu.memory_space<vmem>>
      %dma_wait3A_151 = arith.constant 0 : i32
      %dma_wait3A_152 = tpu.memref_slice %arg8[%add3A_147, %dma_wait3A_151] : memref<40x128xi32, #tpu.memory_space<vmem>> -> memref<1x64xi32, #tpu.memory_space<vmem>>
      %dma_wait3A_153 = tpu.memref_squeeze %dma_wait3A_152 : memref<1x64xi32, #tpu.memory_space<vmem>> -> memref<64xi32, #tpu.memory_space<vmem>>
      %dma_wait3A_154 = arith.constant 0 : i32
      %dma_wait3A_155 = arith.constant 0 : i32
      %dma_wait3A_156 = tpu.memref_slice %arg2[%dma_wait3A_154, %dma_wait3A_155] : memref<10000x128xf32, #tpu.memory_space<hbm>> -> memref<10000x128xf32, #tpu.memory_space<hbm>>
      tpu.wait_indirect_dma semaphore(%arg14 : memref<!tpu.dma_semaphore, #tpu.memory_space<semaphore_mem>>) src(%dma_wait3A_156 : memref<10000x128xf32, #tpu.memory_space<hbm>>) dst(%dma_wait3A_150 : memref<64x128xf32, #tpu.memory_space<vmem>>)
      %dma_wait3A_157 = arith.constant 64 : i32
      %dma_wait3A_158 = arith.constant 0 : i32
      %dma_wait3A_159 = tpu.memref_slice %arg11[%dma_wait3A_157, %dma_wait3A_158] : memref<128x128xf32, #tpu.memory_space<vmem>> -> memref<64x128xf32, #tpu.memory_space<vmem>>
      %dma_wait3A_160 = arith.constant 64 : i32
      %dma_wait3A_161 = tpu.memref_slice %arg8[%add3A_147, %dma_wait3A_160] : memref<40x128xi32, #tpu.memory_space<vmem>> -> memref<1x64xi32, #tpu.memory_space<vmem>>
      %dma_wait3A_162 = tpu.memref_squeeze %dma_wait3A_161 : memref<1x64xi32, #tpu.memory_space<vmem>> -> memref<64xi32, #tpu.memory_space<vmem>>
      %dma_wait3A_163 = arith.constant 0 : i32
      %dma_wait3A_164 = arith.constant 0 : i32
      %dma_wait3A_165 = tpu.memref_slice %arg2[%dma_wait3A_163, %dma_wait3A_164] : memref<10000x128xf32, #tpu.memory_space<hbm>> -> memref<10000x128xf32, #tpu.memory_space<hbm>>
      tpu.wait_indirect_dma semaphore(%arg14 : memref<!tpu.dma_semaphore, #tpu.memory_space<semaphore_mem>>) src(%dma_wait3A_165 : memref<10000x128xf32, #tpu.memory_space<hbm>>) dst(%dma_wait3A_159 : memref<64x128xf32, #tpu.memory_space<vmem>>)
      "tpu.region"() ({
        %run_scoped3A = tpu.sem_alloc : memref<!tpu.dma_semaphore, #tpu.memory_space<semaphore_mem>>
        %dma_start3A_173 = arith.constant 0 : i32
        %dma_start3A_174 = tpu.memref_slice %arg9[%add3A_147, %dma_start3A_173] : memref<40x128xi32, #tpu.memory_space<vmem>> -> memref<1x128xi32, #tpu.memory_space<vmem>>
        %dma_start3A_175 = tpu.memref_squeeze %dma_start3A_174 : memref<1x128xi32, #tpu.memory_space<vmem>> -> memref<128xi32, #tpu.memory_space<vmem>>
        %dma_start3A_176 = arith.constant 0 : i32
        %dma_start3A_177 = arith.constant 0 : i32
        %dma_start3A_178 = tpu.memref_slice %arg7[%dma_start3A_176, %dma_start3A_177] : memref<10240x128xf32, #tpu.memory_space<vmem_shared>> -> memref<10240x128xf32, #tpu.memory_space<vmem_shared>>
        tpu.enqueue_indirect_dma source(%arg11 : memref<128x128xf32, #tpu.memory_space<vmem>>) target(%dma_start3A_178 : memref<10240x128xf32, #tpu.memory_space<vmem_shared>>) offsets(%dma_start3A_175 : memref<128xi32, #tpu.memory_space<vmem>>) semaphore(%run_scoped3A : memref<!tpu.dma_semaphore, #tpu.memory_space<semaphore_mem>>) {add = true}
        %dma_wait3A_179 = arith.constant 0 : i32
        %dma_wait3A_180 = tpu.memref_slice %arg9[%add3A_147, %dma_wait3A_179] : memref<40x128xi32, #tpu.memory_space<vmem>> -> memref<1x128xi32, #tpu.memory_space<vmem>>
        %dma_wait3A_181 = tpu.memref_squeeze %dma_wait3A_180 : memref<1x128xi32, #tpu.memory_space<vmem>> -> memref<128xi32, #tpu.memory_space<vmem>>
        %dma_wait3A_182 = arith.constant 0 : i32
        %dma_wait3A_183 = arith.constant 0 : i32
        %dma_wait3A_184 = tpu.memref_slice %arg7[%dma_wait3A_182, %dma_wait3A_183] : memref<10240x128xf32, #tpu.memory_space<vmem_shared>> -> memref<10240x128xf32, #tpu.memory_space<vmem_shared>>
        tpu.wait_indirect_dma semaphore(%run_scoped3A : memref<!tpu.dma_semaphore, #tpu.memory_space<semaphore_mem>>) src(%arg11 : memref<128x128xf32, #tpu.memory_space<vmem>>) dst(%dma_wait3A_184 : memref<10240x128xf32, #tpu.memory_space<vmem_shared>>)
        tpu.yield
      }) : () -> ()
      %add3A_166 = arith.constant 2 : i32
      %add3A_167 = arith.addi %add3A_147, %add3A_166 : i32
      %lt3A_168 = arith.constant 40 : i32
      %lt3A_169 = arith.cmpi slt, %add3A_167, %lt3A_168 : i32
      %convert_element_type3A_170 = arith.extui %lt3A_169 : i1 to i32
      %cond3A_171 = arith.constant 0 : i32
      %cond3A_172 = arith.cmpi ne, %convert_element_type3A_170, %cond3A_171 : i32
      scf.if %cond3A_172 {
        %add3A_173 = arith.constant 2 : i32
        %add3A_174 = arith.addi %add3A_147, %add3A_173 : i32
        %dma_start3A_175 = arith.constant 0 : i32
        %dma_start3A_176 = arith.constant 0 : i32
        %dma_start3A_177 = tpu.memref_slice %arg11[%dma_start3A_175, %dma_start3A_176] : memref<128x128xf32, #tpu.memory_space<vmem>> -> memref<64x128xf32, #tpu.memory_space<vmem>>
        %dma_start3A_178 = arith.constant 0 : i32
        %dma_start3A_179 = tpu.memref_slice %arg8[%add3A_174, %dma_start3A_178] : memref<40x128xi32, #tpu.memory_space<vmem>> -> memref<1x64xi32, #tpu.memory_space<vmem>>
        %dma_start3A_180 = tpu.memref_squeeze %dma_start3A_179 : memref<1x64xi32, #tpu.memory_space<vmem>> -> memref<64xi32, #tpu.memory_space<vmem>>
        %dma_start3A_181 = arith.constant 0 : i32
        %dma_start3A_182 = arith.constant 0 : i32
        %dma_start3A_183 = tpu.memref_slice %arg2[%dma_start3A_181, %dma_start3A_182] : memref<10000x128xf32, #tpu.memory_space<hbm>> -> memref<10000x128xf32, #tpu.memory_space<hbm>>
        tpu.enqueue_indirect_dma source(%dma_start3A_183 : memref<10000x128xf32, #tpu.memory_space<hbm>>) target(%dma_start3A_177 : memref<64x128xf32, #tpu.memory_space<vmem>>) offsets(%dma_start3A_180 : memref<64xi32, #tpu.memory_space<vmem>>) semaphore(%arg14 : memref<!tpu.dma_semaphore, #tpu.memory_space<semaphore_mem>>)
        %dma_start3A_184 = arith.constant 64 : i32
        %dma_start3A_185 = arith.constant 0 : i32
        %dma_start3A_186 = tpu.memref_slice %arg11[%dma_start3A_184, %dma_start3A_185] : memref<128x128xf32, #tpu.memory_space<vmem>> -> memref<64x128xf32, #tpu.memory_space<vmem>>
        %dma_start3A_187 = arith.constant 64 : i32
        %dma_start3A_188 = tpu.memref_slice %arg8[%add3A_174, %dma_start3A_187] : memref<40x128xi32, #tpu.memory_space<vmem>> -> memref<1x64xi32, #tpu.memory_space<vmem>>
        %dma_start3A_189 = tpu.memref_squeeze %dma_start3A_188 : memref<1x64xi32, #tpu.memory_space<vmem>> -> memref<64xi32, #tpu.memory_space<vmem>>
        %dma_start3A_190 = arith.constant 0 : i32
        %dma_start3A_191 = arith.constant 0 : i32
        %dma_start3A_192 = tpu.memref_slice %arg2[%dma_start3A_190, %dma_start3A_191] : memref<10000x128xf32, #tpu.memory_space<hbm>> -> memref<10000x128xf32, #tpu.memory_space<hbm>>
        tpu.enqueue_indirect_dma source(%dma_start3A_192 : memref<10000x128xf32, #tpu.memory_space<hbm>>) target(%dma_start3A_186 : memref<64x128xf32, #tpu.memory_space<vmem>>) offsets(%dma_start3A_189 : memref<64xi32, #tpu.memory_space<vmem>>) semaphore(%arg14 : memref<!tpu.dma_semaphore, #tpu.memory_space<semaphore_mem>>)
      } else {
      }
    }
    %scan3A_111 = arith.constant 20 : i32
    %barrier3A_112 = arith.constant 0 : index
    tpu.barrier barrier_id(%barrier3A_112)
    %mul3A_113 = arith.constant 640 : i32
    %mul3A_114 = arith.muli %arg1, %mul3A_113 : i32
    %mul3A_115 = arith.constant 640 : i32
    %mul3A_116 = arith.muli %arg1, %mul3A_115 : i32
    "tpu.region"() ({
      %run_scoped3A = tpu.sem_alloc : memref<!tpu.dma_semaphore, #tpu.memory_space<semaphore_mem>>
      %dma_start3A_117 = arith.constant 0 : i32
      %dma_start3A_118 = tpu.memref_slice %arg6[%arg0, %mul3A_116, %dma_start3A_117] : memref<2x10240x128xf32, #tpu.memory_space<hbm>> -> memref<1x640x128xf32, #tpu.memory_space<hbm>>
      %dma_start3A_119 = tpu.memref_squeeze %dma_start3A_118 : memref<1x640x128xf32, #tpu.memory_space<hbm>> -> memref<640x128xf32, #tpu.memory_space<hbm>>
      %dma_start3A_120 = arith.constant 0 : i32
      %dma_start3A_121 = tpu.memref_slice %arg7[%mul3A_114, %dma_start3A_120] : memref<10240x128xf32, #tpu.memory_space<vmem_shared>> -> memref<640x128xf32, #tpu.memory_space<vmem_shared>>
      tpu.enqueue_dma source(%dma_start3A_121 : memref<640x128xf32, #tpu.memory_space<vmem_shared>>) target(%dma_start3A_119 : memref<640x128xf32, #tpu.memory_space<hbm>>) target_semaphore(%run_scoped3A : memref<!tpu.dma_semaphore, #tpu.memory_space<semaphore_mem>>)
      %dma_wait3A_122 = arith.constant 0 : i32
      %dma_wait3A_123 = tpu.memref_slice %arg6[%arg0, %mul3A_116, %dma_wait3A_122] : memref<2x10240x128xf32, #tpu.memory_space<hbm>> -> memref<1x640x128xf32, #tpu.memory_space<hbm>>
      %dma_wait3A_124 = tpu.memref_squeeze %dma_wait3A_123 : memref<1x640x128xf32, #tpu.memory_space<hbm>> -> memref<640x128xf32, #tpu.memory_space<hbm>>
      %dma_wait3A_125 = arith.constant 0 : i32
      %dma_wait3A_126 = tpu.memref_slice %arg7[%mul3A_114, %dma_wait3A_125] : memref<10240x128xf32, #tpu.memory_space<vmem_shared>> -> memref<640x128xf32, #tpu.memory_space<vmem_shared>>
      tpu.wait_dma2 semaphore(%run_scoped3A : memref<!tpu.dma_semaphore, #tpu.memory_space<semaphore_mem>>) src(%dma_wait3A_126 : memref<640x128xf32, #tpu.memory_space<vmem_shared>>) dst(%dma_wait3A_124 : memref<640x128xf32, #tpu.memory_space<hbm>>)
      tpu.yield
    }) : () -> ()
    return
  }
}

module attributes {stable_mosaic.version = 14 : i64} {
  func.func @_layer_body(%arg0: i32, %arg1: memref<2000x128xf32, #tpu.memory_space<vmem>>, %arg2: memref<2x2000x128xf32, #tpu.memory_space<vmem>>, %arg3: memref<128x128xf32, #tpu.memory_space<vmem>>, %arg4: memref<1x128xf32, #tpu.memory_space<vmem>>, %arg5: memref<128x128xf32, #tpu.memory_space<vmem>>, %arg6: memref<1x128xf32, #tpu.memory_space<vmem>>, %arg7: memref<2000x128xf32, #tpu.memory_space<vmem>>) attributes {dimension_semantics = [#tpu.dimension_semantics<arbitrary>], iteration_bounds = array<i64: 5>, scalar_prefetch = 0 : i64, scratch_operands = 0 : i64, tpu.core_type = #tpu.core_type<tc>, window_params = [{transform_indices = @transform_0, window_bounds = array<i64: 2000, 128>}, {transform_indices = @transform_1, window_bounds = array<i64: 2, 2000, 128>}, {pipeline_mode = #tpu.pipeline_mode<synchronous>, transform_indices = @transform_2, window_bounds = array<i64: 128, 128>}, {pipeline_mode = #tpu.pipeline_mode<synchronous>, transform_indices = @transform_3, window_bounds = array<i64: 1, 128>}, {pipeline_mode = #tpu.pipeline_mode<synchronous>, transform_indices = @transform_4, window_bounds = array<i64: 128, 128>}, {pipeline_mode = #tpu.pipeline_mode<synchronous>, transform_indices = @transform_5, window_bounds = array<i64: 1, 128>}, {transform_indices = @transform_6, window_bounds = array<i64: 2000, 128>}]} {
    %get3A = arith.constant 0 : index
    %get3A_0 = arith.constant 0 : index
    %get3A_1 = vector.load %arg1[%get3A, %get3A_0] : memref<2000x128xf32, #tpu.memory_space<vmem>>, vector<2000x128xf32>
    %get3A_2 = arith.constant 0 : index
    %get3A_3 = arith.constant 0 : index
    %get3A_4 = arith.constant 0 : index
    %get3A_5 = vector.load %arg2[%get3A_2, %get3A_3, %get3A_4] : memref<2x2000x128xf32, #tpu.memory_space<vmem>>, vector<2x2000x128xf32>
    %get3A_6 = arith.constant 0 : index
    %get3A_7 = arith.constant 0 : index
    %get3A_8 = vector.load %arg3[%get3A_6, %get3A_7] : memref<128x128xf32, #tpu.memory_space<vmem>>, vector<128x128xf32>
    %get3A_9 = arith.constant 0 : index
    %get3A_10 = arith.constant 0 : index
    %get3A_11 = vector.load %arg4[%get3A_9, %get3A_10] : memref<1x128xf32, #tpu.memory_space<vmem>>, vector<1x128xf32>
    %get3A_12 = arith.constant 0 : index
    %get3A_13 = arith.constant 0 : index
    %get3A_14 = vector.load %arg5[%get3A_12, %get3A_13] : memref<128x128xf32, #tpu.memory_space<vmem>>, vector<128x128xf32>
    %get3A_15 = arith.constant 0 : index
    %get3A_16 = arith.constant 0 : index
    %get3A_17 = vector.load %arg6[%get3A_15, %get3A_16] : memref<1x128xf32, #tpu.memory_space<vmem>>, vector<1x128xf32>
    %slice3A = vector.extract_strided_slice %get3A_5 {offsets = [0, 0, 0], sizes = [1, 2000, 128], strides = [1, 1, 1]} : vector<2x2000x128xf32> to vector<1x2000x128xf32>
    %squeeze3A = vector.shape_cast %slice3A : vector<1x2000x128xf32> to vector<2000x128xf32>
    %add3A = arith.addf %get3A_1, %squeeze3A : vector<2000x128xf32>
    %slice3A_18 = vector.extract_strided_slice %get3A_5 {offsets = [1, 0, 0], sizes = [1, 2000, 128], strides = [1, 1, 1]} : vector<2x2000x128xf32> to vector<1x2000x128xf32>
    %squeeze3A_19 = vector.shape_cast %slice3A_18 : vector<1x2000x128xf32> to vector<2000x128xf32>
    %add3A_20 = arith.addf %add3A, %squeeze3A_19 : vector<2000x128xf32>
    %dot_general3A = arith.constant dense<0.000000e+00> : vector<2000x128xf32>
    %dot_general3A_21 = tpu.matmul %add3A_20, %get3A_8, %dot_general3A {dimension_numbers = #tpu.dot_dimension_numbers<[1], [0], [0], [1], [0, 0, 1, 1], [], []>, transpose_lhs_hint = false} : vector<2000x128xf32>, vector<128x128xf32>, vector<2000x128xf32> -> vector<2000x128xf32>
    %add3A_22 = vector.broadcast %get3A_11 : vector<1x128xf32> to vector<2000x128xf32>
    %add3A_23 = arith.addf %dot_general3A_21, %add3A_22 : vector<2000x128xf32>
    %max3A = arith.constant 0.000000e+00 : f32
    %max3A_24 = vector.broadcast %max3A : f32 to vector<2000x128xf32>
    %max3A_25 = arith.maximumf %add3A_23, %max3A_24 : vector<2000x128xf32>
    %dot_general3A_26 = arith.constant dense<0.000000e+00> : vector<2000x128xf32>
    %dot_general3A_27 = tpu.matmul %max3A_25, %get3A_14, %dot_general3A_26 {dimension_numbers = #tpu.dot_dimension_numbers<[1], [0], [0], [1], [0, 0, 1, 1], [], []>, transpose_lhs_hint = false} : vector<2000x128xf32>, vector<128x128xf32>, vector<2000x128xf32> -> vector<2000x128xf32>
    %add3A_28 = vector.broadcast %get3A_17 : vector<1x128xf32> to vector<2000x128xf32>
    %add3A_29 = arith.addf %dot_general3A_27, %add3A_28 : vector<2000x128xf32>
    %max3A_30 = arith.constant 0.000000e+00 : f32
    %max3A_31 = vector.broadcast %max3A_30 : f32 to vector<2000x128xf32>
    %max3A_32 = arith.maximumf %add3A_29, %max3A_31 : vector<2000x128xf32>
    %swap3A = arith.constant 0 : index
    %swap3A_33 = arith.constant 0 : index
    %swap3A_34 = vector.load %arg7[%swap3A, %swap3A_33] : memref<2000x128xf32, #tpu.memory_space<vmem>>, vector<2000x128xf32>
    tpu.vector_store %arg7[%swap3A, %swap3A_33], %max3A_32 {strides = array<i32>} : memref<2000x128xf32, #tpu.memory_space<vmem>>, vector<2000x128xf32>,
    return
  }
  func.func @transform_0(%arg0: i32) -> (i32, i32) {
    %c0_i32 = arith.constant 0 : i32
    %c0_i32_0 = arith.constant 0 : i32
    return %arg0, %c0_i32 : i32, i32
  }
  func.func @transform_1(%arg0: i32) -> (i32, i32, i32) {
    %c0_i32 = arith.constant 0 : i32
    %c0_i32_0 = arith.constant 0 : i32
    %c0_i32_1 = arith.constant 0 : i32
    return %c0_i32, %arg0, %c0_i32_0 : i32, i32, i32
  }
  func.func @transform_2(%arg0: i32) -> (i32, i32) {
    %c0_i32 = arith.constant 0 : i32
    %c0_i32_0 = arith.constant 0 : i32
    %c0_i32_1 = arith.constant 0 : i32
    return %c0_i32, %c0_i32_0 : i32, i32
  }
  func.func @transform_3(%arg0: i32) -> (i32, i32) {
    %c0_i32 = arith.constant 0 : i32
    %c0_i32_0 = arith.constant 0 : i32
    %c0_i32_1 = arith.constant 0 : i32
    return %c0_i32, %c0_i32_0 : i32, i32
  }
  func.func @transform_4(%arg0: i32) -> (i32, i32) {
    %c0_i32 = arith.constant 0 : i32
    %c0_i32_0 = arith.constant 0 : i32
    %c0_i32_1 = arith.constant 0 : i32
    return %c0_i32, %c0_i32_0 : i32, i32
  }
  func.func @transform_5(%arg0: i32) -> (i32, i32) {
    %c0_i32 = arith.constant 0 : i32
    %c0_i32_0 = arith.constant 0 : i32
    %c0_i32_1 = arith.constant 0 : i32
    return %c0_i32, %c0_i32_0 : i32, i32
  }
  func.func @transform_6(%arg0: i32) -> (i32, i32) {
    %c0_i32 = arith.constant 0 : i32
    %c0_i32_0 = arith.constant 0 : i32
    return %arg0, %c0_i32 : i32, i32
  }
}

module attributes {stable_mosaic.version = 14 : i64} {
  func.func @_final_body(%arg0: i32, %arg1: memref<2000x128xf32, #tpu.memory_space<vmem>>, %arg2: memref<2000x128xf32, #tpu.memory_space<vmem>>, %arg3: memref<2x2000x128xf32, #tpu.memory_space<vmem>>, %arg4: memref<128x128xf32, #tpu.memory_space<vmem>>, %arg5: memref<1x128xf32, #tpu.memory_space<vmem>>, %arg6: memref<128x128xf32, #tpu.memory_space<vmem>>, %arg7: memref<1x128xf32, #tpu.memory_space<vmem>>, %arg8: memref<128x128xf32, #tpu.memory_space<vmem>>, %arg9: memref<128x128xf32, #tpu.memory_space<vmem>>, %arg10: memref<128x128xf32, #tpu.memory_space<vmem>>, %arg11: memref<1x128xf32, #tpu.memory_space<vmem>>, %arg12: memref<128x128xf32, #tpu.memory_space<vmem>>, %arg13: memref<1x128xf32, #tpu.memory_space<vmem>>, %arg14: memref<1x128xf32, #tpu.memory_space<vmem>>, %arg15: memref<1x128xf32, #tpu.memory_space<vmem>>, %arg16: memref<1x128xf32, #tpu.memory_space<vmem>>, %arg17: memref<1x128xf32, #tpu.memory_space<vmem>>, %arg18: memref<128x128xf32, #tpu.memory_space<vmem>>, %arg19: memref<1x128xf32, #tpu.memory_space<vmem>>, %arg20: memref<2000x128xf32, #tpu.memory_space<vmem>>) attributes {dimension_semantics = [#tpu.dimension_semantics<arbitrary>], iteration_bounds = array<i64: 5>, scalar_prefetch = 0 : i64, scratch_operands = 0 : i64, tpu.core_type = #tpu.core_type<tc>, window_params = [{transform_indices = @transform_0, window_bounds = array<i64: 2000, 128>}, {transform_indices = @transform_1, window_bounds = array<i64: 2000, 128>}, {transform_indices = @transform_2, window_bounds = array<i64: 2, 2000, 128>}, {pipeline_mode = #tpu.pipeline_mode<synchronous>, transform_indices = @transform_3, window_bounds = array<i64: 128, 128>}, {pipeline_mode = #tpu.pipeline_mode<synchronous>, transform_indices = @transform_4, window_bounds = array<i64: 1, 128>}, {pipeline_mode = #tpu.pipeline_mode<synchronous>, transform_indices = @transform_5, window_bounds = array<i64: 128, 128>}, {pipeline_mode = #tpu.pipeline_mode<synchronous>, transform_indices = @transform_6, window_bounds = array<i64: 1, 128>}, {pipeline_mode = #tpu.pipeline_mode<synchronous>, transform_indices = @transform_7, window_bounds = array<i64: 128, 128>}, {pipeline_mode = #tpu.pipeline_mode<synchronous>, transform_indices = @transform_8, window_bounds = array<i64: 128, 128>}, {pipeline_mode = #tpu.pipeline_mode<synchronous>, transform_indices = @transform_9, window_bounds = array<i64: 128, 128>}, {pipeline_mode = #tpu.pipeline_mode<synchronous>, transform_indices = @transform_10, window_bounds = array<i64: 1, 128>}, {pipeline_mode = #tpu.pipeline_mode<synchronous>, transform_indices = @transform_11, window_bounds = array<i64: 128, 128>}, {pipeline_mode = #tpu.pipeline_mode<synchronous>, transform_indices = @transform_12, window_bounds = array<i64: 1, 128>}, {pipeline_mode = #tpu.pipeline_mode<synchronous>, transform_indices = @transform_13, window_bounds = array<i64: 1, 128>}, {pipeline_mode = #tpu.pipeline_mode<synchronous>, transform_indices = @transform_14, window_bounds = array<i64: 1, 128>}, {pipeline_mode = #tpu.pipeline_mode<synchronous>, transform_indices = @transform_15, window_bounds = array<i64: 1, 128>}, {pipeline_mode = #tpu.pipeline_mode<synchronous>, transform_indices = @transform_16, window_bounds = array<i64: 1, 128>}, {pipeline_mode = #tpu.pipeline_mode<synchronous>, transform_indices = @transform_17, window_bounds = array<i64: 128, 128>}, {pipeline_mode = #tpu.pipeline_mode<synchronous>, transform_indices = @transform_18, window_bounds = array<i64: 1, 128>}, {transform_indices = @transform_19, window_bounds = array<i64: 2000, 128>}]} {
    %get3A = arith.constant 0 : index
    %get3A_0 = arith.constant 0 : index
    %get3A_1 = vector.load %arg2[%get3A, %get3A_0] : memref<2000x128xf32, #tpu.memory_space<vmem>>, vector<2000x128xf32>
    %get3A_2 = arith.constant 0 : index
    %get3A_3 = arith.constant 0 : index
    %get3A_4 = arith.constant 0 : index
    %get3A_5 = vector.load %arg3[%get3A_2, %get3A_3, %get3A_4] : memref<2x2000x128xf32, #tpu.memory_space<vmem>>, vector<2x2000x128xf32>
    %get3A_6 = arith.constant 0 : index
    %get3A_7 = arith.constant 0 : index
    %get3A_8 = vector.load %arg4[%get3A_6, %get3A_7] : memref<128x128xf32, #tpu.memory_space<vmem>>, vector<128x128xf32>
    %get3A_9 = arith.constant 0 : index
    %get3A_10 = arith.constant 0 : index
    %get3A_11 = vector.load %arg5[%get3A_9, %get3A_10] : memref<1x128xf32, #tpu.memory_space<vmem>>, vector<1x128xf32>
    %get3A_12 = arith.constant 0 : index
    %get3A_13 = arith.constant 0 : index
    %get3A_14 = vector.load %arg6[%get3A_12, %get3A_13] : memref<128x128xf32, #tpu.memory_space<vmem>>, vector<128x128xf32>
    %get3A_15 = arith.constant 0 : index
    %get3A_16 = arith.constant 0 : index
    %get3A_17 = vector.load %arg7[%get3A_15, %get3A_16] : memref<1x128xf32, #tpu.memory_space<vmem>>, vector<1x128xf32>
    %slice3A = vector.extract_strided_slice %get3A_5 {offsets = [0, 0, 0], sizes = [1, 2000, 128], strides = [1, 1, 1]} : vector<2x2000x128xf32> to vector<1x2000x128xf32>
    %squeeze3A = vector.shape_cast %slice3A : vector<1x2000x128xf32> to vector<2000x128xf32>
    %add3A = arith.addf %get3A_1, %squeeze3A : vector<2000x128xf32>
    %slice3A_18 = vector.extract_strided_slice %get3A_5 {offsets = [1, 0, 0], sizes = [1, 2000, 128], strides = [1, 1, 1]} : vector<2x2000x128xf32> to vector<1x2000x128xf32>
    %squeeze3A_19 = vector.shape_cast %slice3A_18 : vector<1x2000x128xf32> to vector<2000x128xf32>
    %add3A_20 = arith.addf %add3A, %squeeze3A_19 : vector<2000x128xf32>
    %dot_general3A = arith.constant dense<0.000000e+00> : vector<2000x128xf32>
    %dot_general3A_21 = tpu.matmul %add3A_20, %get3A_8, %dot_general3A {dimension_numbers = #tpu.dot_dimension_numbers<[1], [0], [0], [1], [0, 0, 1, 1], [], []>, transpose_lhs_hint = false} : vector<2000x128xf32>, vector<128x128xf32>, vector<2000x128xf32> -> vector<2000x128xf32>
    %add3A_22 = vector.broadcast %get3A_11 : vector<1x128xf32> to vector<2000x128xf32>
    %add3A_23 = arith.addf %dot_general3A_21, %add3A_22 : vector<2000x128xf32>
    %max3A = arith.constant 0.000000e+00 : f32
    %max3A_24 = vector.broadcast %max3A : f32 to vector<2000x128xf32>
    %max3A_25 = arith.maximumf %add3A_23, %max3A_24 : vector<2000x128xf32>
    %dot_general3A_26 = arith.constant dense<0.000000e+00> : vector<2000x128xf32>
    %dot_general3A_27 = tpu.matmul %max3A_25, %get3A_14, %dot_general3A_26 {dimension_numbers = #tpu.dot_dimension_numbers<[1], [0], [0], [1], [0, 0, 1, 1], [], []>, transpose_lhs_hint = false} : vector<2000x128xf32>, vector<128x128xf32>, vector<2000x128xf32> -> vector<2000x128xf32>
    %add3A_28 = vector.broadcast %get3A_17 : vector<1x128xf32> to vector<2000x128xf32>
    %add3A_29 = arith.addf %dot_general3A_27, %add3A_28 : vector<2000x128xf32>
    %max3A_30 = arith.constant 0.000000e+00 : f32
    %max3A_31 = vector.broadcast %max3A_30 : f32 to vector<2000x128xf32>
    %max3A_32 = arith.maximumf %add3A_29, %max3A_31 : vector<2000x128xf32>
    %get3A_33 = arith.constant 0 : index
    %get3A_34 = arith.constant 0 : index
    %get3A_35 = vector.load %arg1[%get3A_33, %get3A_34] : memref<2000x128xf32, #tpu.memory_space<vmem>>, vector<2000x128xf32>
    %get3A_36 = arith.constant 0 : index
    %get3A_37 = arith.constant 0 : index
    %get3A_38 = vector.load %arg8[%get3A_36, %get3A_37] : memref<128x128xf32, #tpu.memory_space<vmem>>, vector<128x128xf32>
    %dot_general3A_39 = arith.constant dense<0.000000e+00> : vector<2000x128xf32>
    %dot_general3A_40 = tpu.matmul %get3A_35, %get3A_38, %dot_general3A_39 {dimension_numbers = #tpu.dot_dimension_numbers<[1], [0], [0], [1], [0, 0, 1, 1], [], []>, transpose_lhs_hint = false} : vector<2000x128xf32>, vector<128x128xf32>, vector<2000x128xf32> -> vector<2000x128xf32>
    %get3A_41 = arith.constant 0 : index
    %get3A_42 = arith.constant 0 : index
    %get3A_43 = vector.load %arg2[%get3A_41, %get3A_42] : memref<2000x128xf32, #tpu.memory_space<vmem>>, vector<2000x128xf32>
    %get3A_44 = arith.constant 0 : index
    %get3A_45 = arith.constant 0 : index
    %get3A_46 = vector.load %arg9[%get3A_44, %get3A_45] : memref<128x128xf32, #tpu.memory_space<vmem>>, vector<128x128xf32>
    %dot_general3A_47 = arith.constant dense<0.000000e+00> : vector<2000x128xf32>
    %dot_general3A_48 = tpu.matmul %get3A_43, %get3A_46, %dot_general3A_47 {dimension_numbers = #tpu.dot_dimension_numbers<[1], [0], [0], [1], [0, 0, 1, 1], [], []>, transpose_lhs_hint = false} : vector<2000x128xf32>, vector<128x128xf32>, vector<2000x128xf32> -> vector<2000x128xf32>
    %add3A_49 = arith.addf %dot_general3A_40, %dot_general3A_48 : vector<2000x128xf32>
    %get3A_50 = arith.constant 0 : index
    %get3A_51 = arith.constant 0 : index
    %get3A_52 = vector.load %arg10[%get3A_50, %get3A_51] : memref<128x128xf32, #tpu.memory_space<vmem>>, vector<128x128xf32>
    %dot_general3A_53 = arith.constant dense<0.000000e+00> : vector<2000x128xf32>
    %dot_general3A_54 = tpu.matmul %max3A_32, %get3A_52, %dot_general3A_53 {dimension_numbers = #tpu.dot_dimension_numbers<[1], [0], [0], [1], [0, 0, 1, 1], [], []>, transpose_lhs_hint = false} : vector<2000x128xf32>, vector<128x128xf32>, vector<2000x128xf32> -> vector<2000x128xf32>
    %add3A_55 = arith.addf %add3A_49, %dot_general3A_54 : vector<2000x128xf32>
    %get3A_56 = arith.constant 0 : index
    %get3A_57 = arith.constant 0 : index
    %get3A_58 = vector.load %arg11[%get3A_56, %get3A_57] : memref<1x128xf32, #tpu.memory_space<vmem>>, vector<1x128xf32>
    %add3A_59 = vector.broadcast %get3A_58 : vector<1x128xf32> to vector<2000x128xf32>
    %add3A_60 = arith.addf %add3A_55, %add3A_59 : vector<2000x128xf32>
    %get3A_61 = arith.constant 0 : index
    %get3A_62 = arith.constant 0 : index
    %get3A_63 = vector.load %arg12[%get3A_61, %get3A_62] : memref<128x128xf32, #tpu.memory_space<vmem>>, vector<128x128xf32>
    %dot_general3A_64 = arith.constant dense<0.000000e+00> : vector<2000x128xf32>
    %dot_general3A_65 = tpu.matmul %add3A_60, %get3A_63, %dot_general3A_64 {dimension_numbers = #tpu.dot_dimension_numbers<[1], [0], [0], [1], [0, 0, 1, 1], [], []>, transpose_lhs_hint = false} : vector<2000x128xf32>, vector<128x128xf32>, vector<2000x128xf32> -> vector<2000x128xf32>
    %get3A_66 = arith.constant 0 : index
    %get3A_67 = arith.constant 0 : index
    %get3A_68 = vector.load %arg13[%get3A_66, %get3A_67] : memref<1x128xf32, #tpu.memory_space<vmem>>, vector<1x128xf32>
    %add3A_69 = vector.broadcast %get3A_68 : vector<1x128xf32> to vector<2000x128xf32>
    %add3A_70 = arith.addf %dot_general3A_65, %add3A_69 : vector<2000x128xf32>
    %get3A_71 = arith.constant 0 : index
    %get3A_72 = arith.constant 0 : index
    %get3A_73 = vector.load %arg16[%get3A_71, %get3A_72] : memref<1x128xf32, #tpu.memory_space<vmem>>, vector<1x128xf32>
    %sub3A = vector.broadcast %get3A_73 : vector<1x128xf32> to vector<2000x128xf32>
    %sub3A_74 = arith.subf %add3A_70, %sub3A : vector<2000x128xf32>
    %get3A_75 = arith.constant 0 : index
    %get3A_76 = arith.constant 0 : index
    %get3A_77 = vector.load %arg17[%get3A_75, %get3A_76] : memref<1x128xf32, #tpu.memory_space<vmem>>, vector<1x128xf32>
    %add3A_78 = arith.constant 9.99999974E-6 : f32
    %add3A_79 = vector.broadcast %add3A_78 : f32 to vector<1x128xf32>
    %add3A_80 = arith.addf %get3A_77, %add3A_79 : vector<1x128xf32>
    %sqrt3A = math.sqrt %add3A_80 : vector<1x128xf32>
    %div3A = vector.broadcast %sqrt3A : vector<1x128xf32> to vector<2000x128xf32>
    %div3A_81 = arith.divf %sub3A_74, %div3A : vector<2000x128xf32>
    %get3A_82 = arith.constant 0 : index
    %get3A_83 = arith.constant 0 : index
    %get3A_84 = vector.load %arg14[%get3A_82, %get3A_83] : memref<1x128xf32, #tpu.memory_space<vmem>>, vector<1x128xf32>
    %mul3A = vector.broadcast %get3A_84 : vector<1x128xf32> to vector<2000x128xf32>
    %mul3A_85 = arith.mulf %div3A_81, %mul3A : vector<2000x128xf32>
    %get3A_86 = arith.constant 0 : index
    %get3A_87 = arith.constant 0 : index
    %get3A_88 = vector.load %arg15[%get3A_86, %get3A_87] : memref<1x128xf32, #tpu.memory_space<vmem>>, vector<1x128xf32>
    %add3A_89 = vector.broadcast %get3A_88 : vector<1x128xf32> to vector<2000x128xf32>
    %add3A_90 = arith.addf %mul3A_85, %add3A_89 : vector<2000x128xf32>
    %max3A_91 = arith.constant 0.000000e+00 : f32
    %max3A_92 = vector.broadcast %max3A_91 : f32 to vector<2000x128xf32>
    %max3A_93 = arith.maximumf %add3A_90, %max3A_92 : vector<2000x128xf32>
    %get3A_94 = arith.constant 0 : index
    %get3A_95 = arith.constant 0 : index
    %get3A_96 = vector.load %arg18[%get3A_94, %get3A_95] : memref<128x128xf32, #tpu.memory_space<vmem>>, vector<128x128xf32>
    %dot_general3A_97 = arith.constant dense<0.000000e+00> : vector<2000x128xf32>
    %dot_general3A_98 = tpu.matmul %max3A_93, %get3A_96, %dot_general3A_97 {dimension_numbers = #tpu.dot_dimension_numbers<[1], [0], [0], [1], [0, 0, 1, 1], [], []>, transpose_lhs_hint = false} : vector<2000x128xf32>, vector<128x128xf32>, vector<2000x128xf32> -> vector<2000x128xf32>
    %get3A_99 = arith.constant 0 : index
    %get3A_100 = arith.constant 0 : index
    %get3A_101 = vector.load %arg19[%get3A_99, %get3A_100] : memref<1x128xf32, #tpu.memory_space<vmem>>, vector<1x128xf32>
    %add3A_102 = vector.broadcast %get3A_101 : vector<1x128xf32> to vector<2000x128xf32>
    %add3A_103 = arith.addf %dot_general3A_98, %add3A_102 : vector<2000x128xf32>
    %swap3A = arith.constant 0 : index
    %swap3A_104 = arith.constant 0 : index
    %swap3A_105 = vector.load %arg20[%swap3A, %swap3A_104] : memref<2000x128xf32, #tpu.memory_space<vmem>>, vector<2000x128xf32>
    tpu.vector_store %arg20[%swap3A, %swap3A_104], %add3A_103 {strides = array<i32>} : memref<2000x128xf32, #tpu.memory_space<vmem>>, vector<2000x128xf32>,
    return
  }
  func.func @transform_0(%arg0: i32) -> (i32, i32) {
    %c0_i32 = arith.constant 0 : i32
    %c0_i32_0 = arith.constant 0 : i32
    return %arg0, %c0_i32 : i32, i32
  }
  func.func @transform_1(%arg0: i32) -> (i32, i32) {
    %c0_i32 = arith.constant 0 : i32
    %c0_i32_0 = arith.constant 0 : i32
    return %arg0, %c0_i32 : i32, i32
  }
  func.func @transform_2(%arg0: i32) -> (i32, i32, i32) {
    %c0_i32 = arith.constant 0 : i32
    %c0_i32_0 = arith.constant 0 : i32
    %c0_i32_1 = arith.constant 0 : i32
    return %c0_i32, %arg0, %c0_i32_0 : i32, i32, i32
  }
  func.func @transform_3(%arg0: i32) -> (i32, i32) {
    %c0_i32 = arith.constant 0 : i32
    %c0_i32_0 = arith.constant 0 : i32
    %c0_i32_1 = arith.constant 0 : i32
    return %c0_i32, %c0_i32_0 : i32, i32
  }
  func.func @transform_4(%arg0: i32) -> (i32, i32) {
    %c0_i32 = arith.constant 0 : i32
    %c0_i32_0 = arith.constant 0 : i32
    %c0_i32_1 = arith.constant 0 : i32
    return %c0_i32, %c0_i32_0 : i32, i32
  }
  func.func @transform_5(%arg0: i32) -> (i32, i32) {
    %c0_i32 = arith.constant 0 : i32
    %c0_i32_0 = arith.constant 0 : i32
    %c0_i32_1 = arith.constant 0 : i32
    return %c0_i32, %c0_i32_0 : i32, i32
  }
  func.func @transform_6(%arg0: i32) -> (i32, i32) {
    %c0_i32 = arith.constant 0 : i32
    %c0_i32_0 = arith.constant 0 : i32
    %c0_i32_1 = arith.constant 0 : i32
    return %c0_i32, %c0_i32_0 : i32, i32
  }
  func.func @transform_7(%arg0: i32) -> (i32, i32) {
    %c0_i32 = arith.constant 0 : i32
    %c0_i32_0 = arith.constant 0 : i32
    %c0_i32_1 = arith.constant 0 : i32
    return %c0_i32, %c0_i32_0 : i32, i32
  }
  func.func @transform_8(%arg0: i32) -> (i32, i32) {
    %c0_i32 = arith.constant 0 : i32
    %c0_i32_0 = arith.constant 0 : i32
    %c0_i32_1 = arith.constant 0 : i32
    return %c0_i32, %c0_i32_0 : i32, i32
  }
  func.func @transform_9(%arg0: i32) -> (i32, i32) {
    %c0_i32 = arith.constant 0 : i32
    %c0_i32_0 = arith.constant 0 : i32
    %c0_i32_1 = arith.constant 0 : i32
    return %c0_i32, %c0_i32_0 : i32, i32
  }
  func.func @transform_10(%arg0: i32) -> (i32, i32) {
    %c0_i32 = arith.constant 0 : i32
    %c0_i32_0 = arith.constant 0 : i32
    %c0_i32_1 = arith.constant 0 : i32
    return %c0_i32, %c0_i32_0 : i32, i32
  }
  func.func @transform_11(%arg0: i32) -> (i32, i32) {
    %c0_i32 = arith.constant 0 : i32
    %c0_i32_0 = arith.constant 0 : i32
    %c0_i32_1 = arith.constant 0 : i32
    return %c0_i32, %c0_i32_0 : i32, i32
  }
  func.func @transform_12(%arg0: i32) -> (i32, i32) {
    %c0_i32 = arith.constant 0 : i32
    %c0_i32_0 = arith.constant 0 : i32
    %c0_i32_1 = arith.constant 0 : i32
    return %c0_i32, %c0_i32_0 : i32, i32
  }
  func.func @transform_13(%arg0: i32) -> (i32, i32) {
    %c0_i32 = arith.constant 0 : i32
    %c0_i32_0 = arith.constant 0 : i32
    %c0_i32_1 = arith.constant 0 : i32
    return %c0_i32, %c0_i32_0 : i32, i32
  }
  func.func @transform_14(%arg0: i32) -> (i32, i32) {
    %c0_i32 = arith.constant 0 : i32
    %c0_i32_0 = arith.constant 0 : i32
    %c0_i32_1 = arith.constant 0 : i32
    return %c0_i32, %c0_i32_0 : i32, i32
  }
  func.func @transform_15(%arg0: i32) -> (i32, i32) {
    %c0_i32 = arith.constant 0 : i32
    %c0_i32_0 = arith.constant 0 : i32
    %c0_i32_1 = arith.constant 0 : i32
    return %c0_i32, %c0_i32_0 : i32, i32
  }
  func.func @transform_16(%arg0: i32) -> (i32, i32) {
    %c0_i32 = arith.constant 0 : i32
    %c0_i32_0 = arith.constant 0 : i32
    %c0_i32_1 = arith.constant 0 : i32
    return %c0_i32, %c0_i32_0 : i32, i32
  }
  func.func @transform_17(%arg0: i32) -> (i32, i32) {
    %c0_i32 = arith.constant 0 : i32
    %c0_i32_0 = arith.constant 0 : i32
    %c0_i32_1 = arith.constant 0 : i32
    return %c0_i32, %c0_i32_0 : i32, i32
  }
  func.func @transform_18(%arg0: i32) -> (i32, i32) {
    %c0_i32 = arith.constant 0 : i32
    %c0_i32_0 = arith.constant 0 : i32
    %c0_i32_1 = arith.constant 0 : i32
    return %c0_i32, %c0_i32_0 : i32, i32
  }
  func.func @transform_19(%arg0: i32) -> (i32, i32) {
    %c0_i32 = arith.constant 0 : i32
    %c0_i32_0 = arith.constant 0 : i32
    return %arg0, %c0_i32 : i32, i32
  }
}

</mosaic_0001>

<sc_bundles>
// kernel: kernel.11.cloned.1.call-start
scs
__scs_entry_jumppad:
0x0: {  	(pc) =	sbr.rel $0x88, $3  }
0x1: {  	(tag) =	ssettag $0x0;
	lr =	simm.s32 $0x1  }
0x2: {  	[smem:$0x3F89] =	sst lr;
	_ =	strace $0xD0000000  }
0x3: {  	_ = 	snop  }
0x4: {  	_ = 	snop  }
0x5: {  	_ = 	snop  }
0x6: {  	_ = 	snop  }
0x7: {  	_ = 	snop  }
__scs_overlays_trampoline_lowered:
0x8: {  	[smem:$0x3F98] =	sst s0  }
0x9: {  	[smem:$0x3F99] =	sst s1  }
0xa: {  	[smem:$0x3F9A] =	sst s2  }
0xb: {  	[smem:$0x3F9B] =	sst s3  }
0xc: {  	[smem:$0x3F9C] =	sst s4  }
0xd: {  	[smem:$0x3F9D] =	sst s5  }
0xe: {  	[smem:$0x3F9E] =	sst s6  }
0xf: {  	[smem:$0x3F9F] =	sst s7  }
0x10: {  	[smem:$0x3FA0] =	sst s8  }
0x11: {  	[smem:$0x3FA1] =	sst s9;
	s0 =	simm.s32 @!p0 $0x0  }
0x12: {  	s1 =	sld [smem:$0x3F87];
	s0 =	simm.s32 @p0 $0x1  }
0x13: {  	[smem:$0x3FA2] =	sst s0;
	s0 =	simm.s32 @!p1 $0x0  }
0x14: {  	s2 =	sld [smem:$0x3F86];
	s0 =	simm.s32 @p1 $0x1  }
0x15: {  	[smem:$0x3FA3] =	sst s0;
	s0 =	simm.s32 @!p2 $0x0  }
0x16: {  	s3 =	sld [smem:$0x3FDB];
	s0 =	simm.s32 @p2 $0x1  }
0x17: {  	s4 =	simm.s32 $0x1BF5;
	[smem:$0x3FA5] =	sst s0  }
0x18: {  	s0 =	sld [smem:$0x3F88];
	_ =	swait.ge [sflag:s4], $0x0  }
0x19: {  	s7 =	sld [smem:$0x3F89]  }
0x1a: {  	s8 =	sadd.s32 $0xFFFFE003, lr  }
0x1b: {  	s9 =	sadd.s32 $0xFFFFFEF7, lr;
	s5 =	simm.s32 $0xFFFFFFFF;
	p2 =	slt.u32 s8, $0xFFFFF086  }
0x1c: {  	p1 =	slt.u32 s9, $0xF7A;
	s5 =	simm.s32 @!p2 $0x0  }
0x1d: {  	s5 =	simm.s32 @p1 $0x1;
	p0 =	seq.s32 s7, s2  }
0x1e: {  	s7 =	smul.u32 @!p0 $0xF7A, s2;
	p2 =	seq.s32 @!p0 s5, $0x0  }
0x1f: {  	s9 =	smul.u32 $0xF7A, s1;
	s8 =	simm.s32 @!p0 $0x1BF5;
	p2 =	por !p2, p0  }
0x20: {  	[sflag:s8] =	ssyncset.s32 @!p0 $0xFFFFF086;
	s6 =	sadd.s32 @!p0 s3, s7;
	s7 =	simm.s32 @!p0 $0x108  }
0x21: {  	s3 =	sadd.s32 s3, s9;
	s6 =	sadd.s32 @!p0 $0x88, s6;
	s7 =	simm.s32 @p2 $0x1082  }
0x22: {  	[simem:s7], [sflag:s8] =	dma.local @!p0 [hbm:s6], $0xF7A  }
0x23: {  	s9 =	sor.u32 $0xD0000000, s2;
	s6 =	simm.s32 $0x108;
	_ =	swait.ge @!p0 [sflag:s8], $0x0  }
0x24: {  	s3 =	sadd.s32 $0x88, s3;
	s6 =	simm.s32 @!p1 $0x1082;
	[sflag:s4] =	ssyncset.s32 $0xFFFFF086  }
0x25: {  	[simem:s6], [sflag:s4] =	dma.local [hbm:s3], $0xF7A  }
0x26: {  	[smem:$0x3F89] =	sst s1;
	(tag) =	ssettag s2;
	_ =	strace s9  }
0x27: {  	s1 =	sld [smem:$0x3F99]  }
0x28: {  	s2 =	sld [smem:$0x3F9A]  }
0x29: {  	s4 =	sld [smem:$0x3F9C]  }
0x2a: {  	p0 =	seq.s32 s5, $0x0;
	s5 =	sld [smem:$0x3F9D]  }
0x2b: {  	s6 =	sld [smem:$0x3F9E]  }
0x2c: {  	s7 =	sld [smem:$0x3F9F]  }
0x2d: {  	s3 =	simm.s32 $0x108;
	s8 =	sld [smem:$0x3FA0]  }
0x2e: {  	s3 =	simm.s32 @!p0 $0x1082;
	s9 =	sld [smem:$0x3FA1]  }
0x2f: {  	lr =	sadd.s32 s0, s3;
	s0 =	sld [smem:$0x3F98]  }
0x30: {  	s3 =	sld [smem:$0x3F9B]  }
0x31: {  	[smem:$0x3FA4] =	sst s10  }
0x32: {  	s10 =	sld [smem:$0x3FA2];
	_ =	sdelay $0x3  }
0x33: {  	p0 =	seq.s32 s10, $0x1;
	s10 =	sld [smem:$0x3FA4];
	_ =	sdelay $0x3  }
0x34: {  	[smem:$0x3FA4] =	sst s10  }
0x35: {  	s10 =	sld [smem:$0x3FA3];
	_ =	sdelay $0x3  }
0x36: {  	p1 =	seq.s32 s10, $0x1;
	s10 =	sld [smem:$0x3FA4];
	_ =	sdelay $0x3  }
0x37: {  	[smem:$0x3FA4] =	sst s10  }
0x38: {  	s10 =	sld [smem:$0x3FA5]  }
0x39: {  	_ = 	snop;
	(pc) =	sbr.ind lr, $3  }
0x3a: {  	_ = 	snop  }
0x3b: {  	_ = 	snop  }
0x3c: {  	p2 =	seq.s32 s10, $0x1;
	s10 =	sld [smem:$0x3FA4]  }
0x3d: {  	_ =	shalt  }
0x3e: {  	_ =	shalt  }
0x3f: {  	_ =	shalt  }
0x40: {  	_ =	shalt  }
0x41: {  	_ =	shalt  }
0x42: {  	_ =	shalt  }
0x43: {  	_ =	shalt  }
0x44: {  	_ =	shalt  }
0x45: {  	_ =	shalt  }
0x46: {  	_ =	shalt  }
0x47: {  	_ =	shalt  }
0x48: {  	_ =	shalt  }
0x49: {  	_ =	shalt  }
0x4a: {  	_ =	shalt  }
0x4b: {  	_ =	shalt  }
0x4c: {  	_ =	shalt  }
0x4d: {  	_ =	shalt  }
0x4e: {  	_ =	shalt  }
0x4f: {  	_ =	shalt  }
0x50: {  	_ =	shalt  }
0x51: {  	_ =	shalt  }
0x52: {  	_ =	shalt  }
0x53: {  	_ =	shalt  }
0x54: {  	_ =	shalt  }
0x55: {  	_ =	shalt  }
0x56: {  	_ =	shalt  }
0x57: {  	_ =	shalt  }
0x58: {  	_ =	shalt  }
0x59: {  	_ =	shalt  }
0x5a: {  	_ =	shalt  }
0x5b: {  	_ =	shalt  }
0x5c: {  	_ =	shalt  }
0x5d: {  	_ =	shalt  }
0x5e: {  	_ =	shalt  }
0x5f: {  	_ =	shalt  }
0x60: {  	_ =	shalt  }
0x61: {  	_ =	shalt  }
0x62: {  	_ =	shalt  }
0x63: {  	_ =	shalt  }
0x64: {  	_ =	shalt  }
0x65: {  	_ =	shalt  }
0x66: {  	_ =	shalt  }
0x67: {  	_ =	shalt  }
0x68: {  	_ =	shalt  }
0x69: {  	_ =	shalt  }
0x6a: {  	_ =	shalt  }
0x6b: {  	_ =	shalt  }
0x6c: {  	_ =	shalt  }
0x6d: {  	_ =	shalt  }
0x6e: {  	_ =	shalt  }
0x6f: {  	_ =	shalt  }
0x70: {  	_ =	shalt  }
0x71: {  	_ =	shalt  }
0x72: {  	_ =	shalt  }
0x73: {  	_ =	shalt  }
0x74: {  	_ =	shalt  }
0x75: {  	_ =	shalt  }
0x76: {  	_ =	shalt  }
0x77: {  	_ =	shalt  }
0x78: {  	_ =	shalt  }
0x79: {  	_ =	shalt  }
0x7a: {  	_ =	shalt  }
0x7b: {  	_ =	shalt  }
0x7c: {  	_ =	shalt  }
0x7d: {  	_ =	shalt  }
0x7e: {  	_ =	shalt  }
0x7f: {  	_ =	shalt  }
0x80: {  	_ =	shalt  }
0x81: {  	_ =	shalt  }
0x82: {  	_ =	shalt  }
0x83: {  	_ =	shalt  }
0x84: {  	_ =	shalt  }
0x85: {  	_ =	shalt  }
0x86: {  	_ =	shalt  }
0x87: {  	_ =	shalt  }
.Lfunc_end0:
.L_simem_size_0:
called_computation.1_lowered:
.L_overlay_start_0:
0x88: {  	s2 =	sld [smem:$0x3FD9]  }
0x89: {  	s3 =	sld [smem:$0x3FFE];
	_ =	sdelay $0x1  }
0x8a: {  	s1 =	srdreg.scid  }
0x8b: {  	s0 =	sand.u32 $0x1, s1  }
0x8c: {  	s17 =	sshll.u32 s0, $0xA;
	s2 =	sadd.s32 s3, s2  }
0x8d: {  	s2 =	sadd.s32 s2, s17  }
0x8e: {  	[smem:$0x3FB0] =	sst s2  }
0x8f: {  	_ = 	snop  }
0x90: {  	s2 =	sld [smem:$0x3FD0];
	(tm) =	ssettm $0x1  }
0x91: {  	s18 =	sld [smem:$0x3FFB];
	_ =	sdelay $0x3  }
0x92: {  	_ =	strace s18  }
0x93: {  	s3 =	sld [smem:$0x3FFC];
	_ =	sdelay $0x3  }
0x94: {  	_ =	strace s3  }
0x95: {  	s3 =	sld [smem:$0x3FFD];
	_ =	sdelay $0x3  }
0x96: {  	_ =	strace s3  }
0x97: {  	_ =	strace $0x8FFFFFFF  }
0x98: {  	s19 =	sld [smem:$0x3FDB];
	_ =	sdelay $0x1  }
0x99: {  	s4 =	simm.s32 $_scs_section_size  }
0x9a: {  	s5 =	simm.s32 $_size__tile_overlayer_lowered;
	s6 =	simm.s32 $_tile_overlayer_lowered  }
0x9b: {  	s22 =	simm.s32 $0x1BFF;
	s21 =	sshll.u32 s6, $0x1;
	s3 =	sadd.s32 s4, s19  }
0x9c: {  	s7 =	simm.s32 $0x0;
	s20 =	sshll.u32 s5, $0x1;
	s5 =	sadd.s32 s21, s3  }
0x9d: {  	[timem:s7], [sflag:s22] =	dma.local [hbm:s5], s20  }
0x9e: {  	_ =	swait.ge [sflag:s22], s20  }
0x9f: {  	s4 =	ssub.s32 $0x0, s20;
	[sflag:s22] =	ssyncset.done $0x0  }
0xa0: {  	[sflag:s22] =	ssyncadd.s32 s4;
	_ =	sdelay $0x1  }
0xa1: {  	s23 =	simm.s32 $0x1B8B  }
0xa2: {  	_ =	swait.ge [sflag:s23], $0x1  }
0xa3: {  	[sflag:s23] =	ssyncset.done $0x0  }
0xa4: {  	s25 =	simm.s32 $0x1B8E;
	s24 =	sld [smem:$0x3FFE];
	[sflag:s23] =	ssyncadd.s32 $0xFFFFFFFF  }
0xa5: {  	s26 =	simm.s32 $execute0_lowered;
	[smem:$0x3FD2] =	sst s25  }
0xa6: {  	s5 =	sshll.u32 s26, $0x1;
	_ =	strace $0x80000049;
	[dreg:$0x1] =	wrdreg $0xFFFFFFFF  }
0xa7: {  	s28 =	simm.s32 $_size_execute0_lowered;
	s3 =	sadd.s32 s3, s5;
	[dreg:$0x0] =	wrdreg $0x0  }
0xa8: {  	s5 =	sshll.u32 s28, $0x1;
	[dreg:$0x2] =	wrdreg s3  }
0xa9: {  	[dreg:$0x3] =	wrdreg s5  }
0xaa: {  	[dreg:$0x4] =	wrdreg $0xC0  }
0xab: {  	_ =	task [dreg:s7], $0x5FFFF  }
0xac: {  	[dreg:$0x1] =	wrdreg $0xFFFFFFFF  }
0xad: {  	[dreg:$0x0] =	wrdreg $0x60  }
0xae: {  	[dreg:$0x2] =	wrdreg s2  }
0xaf: {  	[dreg:$0x3] =	wrdreg s24  }
0xb0: {  	[dreg:$0x4] =	wrdreg $0x0  }
0xb1: {  	[dreg:$0x5] =	wrdreg $0x9  }
0xb2: {  	_ =	task.clear_ibuf [dreg:s7], $0x6FFFF;
	_ =	strace $0x90000049  }
0xb3: {  	s29 =	simm.s32 $0x9;
	_ =	strace $0x8000004B  }
0xb4: {  	_ =	swait.ge [sflag:s29], $0x1  }
0xb5: {  	[sflag:s29] =	ssyncadd.s32 $0xFFFFFFFF  }
0xb6: {  	_ =	strace $0x9000004B  }
0xb7: {  	_ =	sfence  }
0xb8: {  	s30 =	sld [smem:$0x0];
	_ =	sdelay $0x2  }
0xb9: {  	s31 =	sshll.u32 s1, $0xD;
	s1 =	sshrl.u32 s1, $0x2  }
0xba: {  	s3 =	sand.u32 $0x4000, s31;
	s1 =	sadd.s32 s1, s30  }
0xbb: {  	s0 =	sor.u32 s3, s0;
	s1 =	sshll.u32 s1, $0x11  }
0xbc: {  	s0 =	sor.u32 s1, s0  }
0xbd: {  	s0 =	sadd.s32 $0x8F2B, s0  }
0xbe: {  	[sflag:s0] =	ssyncadd.remote.s32 $0x1  }
0xbf: {  	_ =	sfence.sel $0xFFFF  }
0xc0: {  	[dreg:$0x0] =	wrdreg $0xFFFFFFFF;
	(pc) =	sbr.abs _section_cstart, $3  }
0xc1: {  	[dreg:$0x1] =	wrdreg $0xFFFFFFFF  }
0xc2: {  	_ =	task.clear_ibuf [dreg:s7], $0x2FFFF;
	_ =	strace $0x9FFFFFFF  }
0xc3: {  	(tm) =	ssettm $0x7FFFFFFF  }
tec
execute0_lowered:
.L_overlay_start_1:
0x0: {  	(tag) =	ssettag $0x1  }
0x1: {  	s2 =	rddreg [dreg:$0x0]  }
0x2: {  	s0 =	rddreg [dreg:$0x1]  }
0x3: {  	s3 =	rddreg [dreg:$0x2]  }
0x4: {  	s9 =	stileid.u32;
	s1 =	srdreg.scid;
	s5 =	simm.s32 $0x0  }
0x5: {  	s15 =	simm.s32 $0x14000;
	s16 =	simm.s32 $0x4;
	s17 =	simm.s32 $0x15400  }
0x6: {  	s18 =	simm.s32 $0x40;
	s19 =	simm.s32 $0x16800;
	s28 =	simm.s32 $0x2  }
0x7: {  	s29 =	simm.s32 $0x80;
	s30 =	simm.s32 $0x3;
	s31 =	simm.s32 $0x16700  }
0x8: {  	s4 =	smul.u32 $0x14000, s9;
	s1 =	sand.u32 $0x1, s1;
	[smem:$0x7FF] =	sst s5  }
0x9: {  	s10 =	sadd.s32 $0x4A00, s0;
	s11 =	sadd.s32 $0xEA00, s0;
	s7 =	smul.u32 $0x50000, s9  }
0xa: {  	s21 =	sshll.u32 s9, $0x1;
	s20 =	smul.u32 $0x140000, s1;
	_ =	strace $0x8000004A  }
0xb: {  	s22 =	ssub.s32 $0x2, s1;
	s1 =	sor.u32 s1, s21;
	s21 =	simm.s32 $0x18800  }
0xc: {  	s6 =	sshrl.u32 s4, $0x3;
	s23 =	sshrl.u32 s22, $0x1;
	s8 =	smul.u32 $0x2800, s1  }
0xd: {  	s7 =	sshrl.u32 s7, $0x2;
	s1 =	smul.u32 $0x500, s1;
	s6 =	sadd.s32 s6, s0  }
0xe: {  	s4 =	sadd.s32 s4, s20;
	s24 =	sadd.s32 s7, s3;
	s20 =	simm.s32 $0x14040  }
0xf: {  	s4 =	sshrl.u32 s4, $0x3;
	s6 =	sadd.s32 $0x18A00, s6;
	s25 =	sshrl.u32 s8, $0x3  }
0x10: {  	s8 =	sadd.s32 s10, s1;
	s14 =	sshrl.u32 s24, $0x3;
	s24 =	simm.s32 $0x140C0  }
0x11: {  	s0 =	sadd.s32 s4, s0;
	s4 =	ssub.s32 s22, s23;
	[dreg:$0x4] =	wrdreg s6  }
0x12: {  	s6 =	sshll.u32 s9, $0x6;
	s12 =	sadd.s32 $0x280, s25;
	s9 =	sadd.s32 s11, s1  }
0x13: {  	s22 =	simm.s32 $0x14080;
	s23 =	simm.s32 $0x1A800;
	s25 =	simm.s32 $0x1C800  }
0x14: {  	s1 =	simm.s32 $0x0;
	s26 =	sor.u32 $0x1C01, s6;
	s10 =	sadd.s32 s10, s12  }
0x15: {  	s11 =	sadd.s32 s11, s12;
	s12 =	sadd.s32 $0x40A00, s0;
	s13 =	smax.u32 s4, $0x1  }
0x16: {  	s0 =	simm.s32 $0x16780;
	[dreg:$0x5] =	wrdreg s26;
	s26 =	simm.s32 $0x1  }
.LBB2_1:
0x17: {  	s4 =	rddreg [dreg:$0x4]  }
0x18: {  	s5 =	rddreg [dreg:$0x5]  }
0x19: {  	[spmem:s14], [sflag:s5] =	dma.local [hbm:s4], $0x2800  }
0x1a: {  	s5 =	simm.s32 $0x0  }
0x1b: {  	[tilespmem:s15], [sflag:$0x4] =	stream.linear.gather [hbm4b:s8+s5], $0x1400, $0x38;
	[tilespmem:$0x1E800] =	vst v63  }
0x1c: {  	_ =	swait.ge [sflag:s16], $0x1400  }
0x1d: {  	[sflag:s16] =	ssyncset.done $0x0  }
0x1e: {  	[sflag:s16] =	ssyncadd.s32 $0xFFFFEC00  }
0x1f: {  	[tilespmem:s17], [sflag:$0x4] =	stream.linear.gather [hbm4b:s9+s5], $0x1400, $0x38;
	[tilespmem:$0x1E800] =	vst v63  }
0x20: {  	_ =	swait.ge [sflag:s16], $0x1400  }
0x21: {  	[sflag:s16] =	ssyncset.done $0x0  }
0x22: {  	[sflag:s16] =	ssyncadd.s32 $0xFFFFEC00  }
0x23: {  	[tilespmem:s19], [sflag:$0x2] =	stream.indirect.gather [hbm4b:s2+s18], $0x80, s15, s18, $0xb8;
	[tilespmem:$0x1E800] =	vst v63  }
0x24: {  	_ = 	snop  }
0x25: {  	[tilespmem:s21], [sflag:$0x2] =	stream.indirect.gather [hbm4b:s2+s18], $0x80, s20, s18, $0xb8;
	[tilespmem:$0x1E800] =	vst v63  }
0x26: {  	_ = 	snop  }
0x27: {  	[tilespmem:s23], [sflag:$0x3] =	stream.indirect.gather [hbm4b:s2+s18], $0x80, s22, s18, $0xb8;
	[tilespmem:$0x1E800] =	vst v63  }
0x28: {  	_ = 	snop  }
0x29: {  	[tilespmem:s25], [sflag:$0x3] =	stream.indirect.gather [hbm4b:s2+s18], $0x80, s24, s18, $0xb8;
	[tilespmem:$0x1E800] =	vst v63  }
0x2a: {  	_ =	swait.ge [sflag:s26], $0x2800  }
0x2b: {  	[sflag:s26] =	ssyncset.done $0x0  }
0x2c: {  	[sflag:s26] =	ssyncadd.s32 $0xFFFFD800  }
0x2d: {  	[bflag:$0x0] =	sbarrier.arrive $0xFFFF  }
0x2e: {  	_ =	swait.ge [sflag:s28], $0x2000  }
0x2f: {  	[sflag:s28] =	ssyncset.done $0x0  }
0x30: {  	[sflag:s28] =	ssyncadd.s32 $0xFFFFE000  }
0x31: {  	_ =	swait.ge [sflag:s28], $0x2000  }
0x32: {  	[sflag:s28] =	ssyncset.done $0x0  }
0x33: {  	s7 =	simm.s32 $0x15400;
	[sflag:s28] =	ssyncadd.s32 $0xFFFFE000  }
0x34: {  	[spmem:s3] =	stream.indirect.scatter.add.f32 [tilespmem:s19], [sflag:$0x4], $0x80, s7, s29, $0xb8;
	[tilespmem:$0x1E800] =	vst v63  }
0x35: {  	_ =	swait.ge [sflag:s16], $0x4000  }
0x36: {  	[sflag:s16] =	ssyncset.done $0x0  }
0x37: {  	s5 =	simm.s32 $0x14100;
	[sflag:s16] =	ssyncadd.s32 $0xFFFFC000  }
0x38: {  	[tilespmem:s19], [sflag:$0x2] =	stream.indirect.gather [hbm4b:s2+s18], $0x80, s5, s18, $0xb8;
	[tilespmem:$0x1E800] =	vst v63  }
0x39: {  	s7 =	simm.s32 $0x14140  }
0x3a: {  	[tilespmem:s21], [sflag:$0x2] =	stream.indirect.gather [hbm4b:s2+s18], $0x80, s7, s18, $0xb8;
	[tilespmem:$0x1E800] =	vst v63  }
0x3b: {  	_ =	swait.ge [sflag:s30], $0x2000  }
0x3c: {  	[sflag:s30] =	ssyncset.done $0x0  }
0x3d: {  	[sflag:s30] =	ssyncadd.s32 $0xFFFFE000  }
0x3e: {  	_ =	swait.ge [sflag:s30], $0x2000  }
0x3f: {  	[sflag:s30] =	ssyncset.done $0x0  }
0x40: {  	s5 =	simm.s32 $0x15480;
	[sflag:s30] =	ssyncadd.s32 $0xFFFFE000  }
0x41: {  	[spmem:s3] =	stream.indirect.scatter.add.f32 [tilespmem:s23], [sflag:$0x4], $0x80, s5, s29, $0xb8;
	[tilespmem:$0x1E800] =	vst v63  }
0x42: {  	_ =	swait.ge [sflag:s16], $0x4000  }
0x43: {  	s4 =	simm.s32 $0x400;
	[sflag:s16] =	ssyncset.done $0x0  }
0x44: {  	s7 =	simm.s32 $0x14180;
	s5 =	simm.s32 $0x141C0;
	[sflag:s16] =	ssyncadd.s32 $0xFFFFC000  }
0x45: {  	[tilespmem:s23], [sflag:$0x3] =	stream.indirect.gather [hbm4b:s2+s18], $0x80, s7, s18, $0xb8;
	[tilespmem:$0x1E800] =	vst v63  }
.LBB2_2:
0x46: {  	[tilespmem:s25], [sflag:$0x3] =	stream.indirect.gather [hbm4b:s2+s18], $0x80, s5, s18, $0xb8;
	[tilespmem:$0x1E800] =	vst v63  }
0x47: {  	s5 =	smov.u32 s4  }
0x48: {  	p0 =	sne.s32 s4, $0x4800;
	s4 =	sadd.s32 $0x400, s4;
	_ =	swait.ge [sflag:s28], $0x2000  }
0x49: {  	[sflag:s28] =	ssyncset.done $0x0  }
0x4a: {  	[sflag:s28] =	ssyncadd.s32 $0xFFFFE000  }
0x4b: {  	_ =	swait.ge [sflag:s28], $0x2000  }
0x4c: {  	s5 =	sshra.s32 s5, $0x2;
	[sflag:s28] =	ssyncset.done $0x0  }
0x4d: {  	s7 =	sadd.s32 $0x15400, s5;
	[sflag:s28] =	ssyncadd.s32 $0xFFFFE000  }
0x4e: {  	[spmem:s3] =	stream.indirect.scatter.add.f32 [tilespmem:s19], [sflag:$0x4], $0x80, s7, s29, $0xb8;
	[tilespmem:$0x1E800] =	vst v63  }
0x4f: {  	_ =	swait.ge [sflag:s16], $0x4000  }
0x50: {  	[sflag:s16] =	ssyncset.done $0x0  }
0x51: {  	s7 =	sadd.s32 $0x14100, s5;
	[sflag:s16] =	ssyncadd.s32 $0xFFFFC000  }
0x52: {  	[tilespmem:s19], [sflag:$0x2] =	stream.indirect.gather [hbm4b:s2+s18], $0x80, s7, s18, $0xb8;
	[tilespmem:$0x1E800] =	vst v63  }
0x53: {  	s7 =	sadd.s32 $0x14140, s5  }
0x54: {  	[tilespmem:s21], [sflag:$0x2] =	stream.indirect.gather [hbm4b:s2+s18], $0x80, s7, s18, $0xb8;
	[tilespmem:$0x1E800] =	vst v63  }
0x55: {  	_ =	swait.ge [sflag:s30], $0x2000  }
0x56: {  	[sflag:s30] =	ssyncset.done $0x0  }
0x57: {  	[sflag:s30] =	ssyncadd.s32 $0xFFFFE000  }
0x58: {  	_ =	swait.ge [sflag:s30], $0x2000  }
0x59: {  	[sflag:s30] =	ssyncset.done $0x0  }
0x5a: {  	s7 =	sadd.s32 $0x15480, s5;
	[sflag:s30] =	ssyncadd.s32 $0xFFFFE000  }
0x5b: {  	[spmem:s3] =	stream.indirect.scatter.add.f32 [tilespmem:s23], [sflag:$0x4], $0x80, s7, s29, $0xb8;
	[tilespmem:$0x1E800] =	vst v63  }
.Ltmp0:
0x5c: {  	_ =	swait.ge [sflag:s16], $0x4000;
	(pc) =	sbr.rel @p0 .LBB2_2-.Ltmp0, $4  }
0x5d: {  	[sflag:s16] =	ssyncset.done $0x0  }
0x5e: {  	s7 =	sadd.s32 $0x14180, s5;
	[sflag:s16] =	ssyncadd.s32 $0xFFFFC000  }
0x5f: {  	[tilespmem:s23], [sflag:$0x3] =	stream.indirect.gather [hbm4b:s2+s18], $0x80, s7, s18, $0xb8;
	[tilespmem:$0x1E800] =	vst v63  }
0x60: {  	s5 =	sadd.s32 $0x141C0, s5  }
0x61: {  	[tilespmem:s25], [sflag:$0x3] =	stream.indirect.gather [hbm4b:s2+s18], $0x80, s5, s18, $0xb8;
	[tilespmem:$0x1E800] =	vst v63  }
0x62: {  	_ =	swait.ge [sflag:s28], $0x2000  }
0x63: {  	[sflag:s28] =	ssyncset.done $0x0  }
0x64: {  	[sflag:s28] =	ssyncadd.s32 $0xFFFFE000  }
0x65: {  	_ =	swait.ge [sflag:s28], $0x2000  }
0x66: {  	[sflag:s28] =	ssyncset.done $0x0  }
0x67: {  	[sflag:s28] =	ssyncadd.s32 $0xFFFFE000  }
0x68: {  	[spmem:s3] =	stream.indirect.scatter.add.f32 [tilespmem:s19], [sflag:$0x4], $0x80, s31, s29, $0xb8;
	[tilespmem:$0x1E800] =	vst v63  }
0x69: {  	_ =	swait.ge [sflag:s16], $0x4000  }
0x6a: {  	[sflag:s16] =	ssyncset.done $0x0  }
0x6b: {  	[sflag:s16] =	ssyncadd.s32 $0xFFFFC000  }
0x6c: {  	_ =	swait.ge [sflag:s30], $0x2000  }
0x6d: {  	[sflag:s30] =	ssyncset.done $0x0  }
0x6e: {  	[sflag:s30] =	ssyncadd.s32 $0xFFFFE000  }
0x6f: {  	_ =	swait.ge [sflag:s30], $0x2000  }
0x70: {  	[sflag:s30] =	ssyncset.done $0x0  }
0x71: {  	[sflag:s30] =	ssyncadd.s32 $0xFFFFE000  }
0x72: {  	[spmem:s3] =	stream.indirect.scatter.add.f32 [tilespmem:s23], [sflag:$0x4], $0x80, s0, s29, $0xb8;
	[tilespmem:$0x1E800] =	vst v63  }
0x73: {  	_ =	swait.ge [sflag:s16], $0x4000  }
0x74: {  	[sflag:s16] =	ssyncset.done $0x0  }
0x75: {  	s4 =	simm.s32 $0x0;
	[sflag:s16] =	ssyncadd.s32 $0xFFFFC000  }
0x76: {  	[tilespmem:s15], [sflag:$0x4] =	stream.linear.gather [hbm4b:s10+s4], $0x1400, $0x38;
	[tilespmem:$0x1E800] =	vst v63  }
0x77: {  	_ =	swait.ge [sflag:s16], $0x1400  }
0x78: {  	[sflag:s16] =	ssyncset.done $0x0  }
0x79: {  	[sflag:s16] =	ssyncadd.s32 $0xFFFFEC00  }
0x7a: {  	[tilespmem:s17], [sflag:$0x4] =	stream.linear.gather [hbm4b:s11+s4], $0x1400, $0x38;
	[tilespmem:$0x1E800] =	vst v63  }
0x7b: {  	_ =	swait.ge [sflag:s16], $0x1400  }
0x7c: {  	[sflag:s16] =	ssyncset.done $0x0  }
0x7d: {  	[sflag:s16] =	ssyncadd.s32 $0xFFFFEC00  }
0x7e: {  	[tilespmem:s19], [sflag:$0x2] =	stream.indirect.gather [hbm4b:s2+s18], $0x80, s15, s18, $0xb8;
	[tilespmem:$0x1E800] =	vst v63  }
0x7f: {  	_ = 	snop  }
0x80: {  	[tilespmem:s21], [sflag:$0x2] =	stream.indirect.gather [hbm4b:s2+s18], $0x80, s20, s18, $0xb8;
	[tilespmem:$0x1E800] =	vst v63  }
0x81: {  	_ = 	snop  }
0x82: {  	[tilespmem:s23], [sflag:$0x3] =	stream.indirect.gather [hbm4b:s2+s18], $0x80, s22, s18, $0xb8;
	[tilespmem:$0x1E800] =	vst v63  }
0x83: {  	_ = 	snop  }
0x84: {  	[tilespmem:s25], [sflag:$0x3] =	stream.indirect.gather [hbm4b:s2+s18], $0x80, s24, s18, $0xb8;
	[tilespmem:$0x1E800] =	vst v63  }
0x85: {  	_ =	swait.ge [sflag:s28], $0x2000  }
0x86: {  	[sflag:s28] =	ssyncset.done $0x0  }
0x87: {  	[sflag:s28] =	ssyncadd.s32 $0xFFFFE000  }
0x88: {  	_ =	swait.ge [sflag:s28], $0x2000  }
0x89: {  	[sflag:s28] =	ssyncset.done $0x0  }
0x8a: {  	s7 =	simm.s32 $0x15400;
	[sflag:s28] =	ssyncadd.s32 $0xFFFFE000  }
0x8b: {  	[spmem:s3] =	stream.indirect.scatter.add.f32 [tilespmem:s19], [sflag:$0x4], $0x80, s7, s29, $0xb8;
	[tilespmem:$0x1E800] =	vst v63  }
0x8c: {  	_ =	swait.ge [sflag:s16], $0x4000  }
0x8d: {  	[sflag:s16] =	ssyncset.done $0x0  }
0x8e: {  	s5 =	simm.s32 $0x14100;
	[sflag:s16] =	ssyncadd.s32 $0xFFFFC000  }
0x8f: {  	[tilespmem:s19], [sflag:$0x2] =	stream.indirect.gather [hbm4b:s2+s18], $0x80, s5, s18, $0xb8;
	[tilespmem:$0x1E800] =	vst v63  }
0x90: {  	s7 =	simm.s32 $0x14140  }
0x91: {  	[tilespmem:s21], [sflag:$0x2] =	stream.indirect.gather [hbm4b:s2+s18], $0x80, s7, s18, $0xb8;
	[tilespmem:$0x1E800] =	vst v63  }
0x92: {  	_ =	swait.ge [sflag:s30], $0x2000  }
0x93: {  	[sflag:s30] =	ssyncset.done $0x0  }
0x94: {  	[sflag:s30] =	ssyncadd.s32 $0xFFFFE000  }
0x95: {  	_ =	swait.ge [sflag:s30], $0x2000  }
0x96: {  	[sflag:s30] =	ssyncset.done $0x0  }
0x97: {  	s5 =	simm.s32 $0x15480;
	[sflag:s30] =	ssyncadd.s32 $0xFFFFE000  }
0x98: {  	[spmem:s3] =	stream.indirect.scatter.add.f32 [tilespmem:s23], [sflag:$0x4], $0x80, s5, s29, $0xb8;
	[tilespmem:$0x1E800] =	vst v63  }
0x99: {  	_ =	swait.ge [sflag:s16], $0x4000  }
0x9a: {  	s4 =	simm.s32 $0x400;
	[sflag:s16] =	ssyncset.done $0x0  }
0x9b: {  	s7 =	simm.s32 $0x14180;
	s5 =	simm.s32 $0x141C0;
	[sflag:s16] =	ssyncadd.s32 $0xFFFFC000  }
0x9c: {  	[tilespmem:s23], [sflag:$0x3] =	stream.indirect.gather [hbm4b:s2+s18], $0x80, s7, s18, $0xb8;
	[tilespmem:$0x1E800] =	vst v63  }
.LBB2_4:
0x9d: {  	[tilespmem:s25], [sflag:$0x3] =	stream.indirect.gather [hbm4b:s2+s18], $0x80, s5, s18, $0xb8;
	[tilespmem:$0x1E800] =	vst v63  }
0x9e: {  	s5 =	smov.u32 s4  }
0x9f: {  	p0 =	sne.s32 s4, $0x4800;
	s4 =	sadd.s32 $0x400, s4;
	_ =	swait.ge [sflag:s28], $0x2000  }
0xa0: {  	[sflag:s28] =	ssyncset.done $0x0  }
0xa1: {  	[sflag:s28] =	ssyncadd.s32 $0xFFFFE000  }
0xa2: {  	_ =	swait.ge [sflag:s28], $0x2000  }
0xa3: {  	s5 =	sshra.s32 s5, $0x2;
	[sflag:s28] =	ssyncset.done $0x0  }
0xa4: {  	s7 =	sadd.s32 $0x15400, s5;
	[sflag:s28] =	ssyncadd.s32 $0xFFFFE000  }
0xa5: {  	[spmem:s3] =	stream.indirect.scatter.add.f32 [tilespmem:s19], [sflag:$0x4], $0x80, s7, s29, $0xb8;
	[tilespmem:$0x1E800] =	vst v63  }
0xa6: {  	_ =	swait.ge [sflag:s16], $0x4000  }
0xa7: {  	[sflag:s16] =	ssyncset.done $0x0  }
0xa8: {  	s7 =	sadd.s32 $0x14100, s5;
	[sflag:s16] =	ssyncadd.s32 $0xFFFFC000  }
0xa9: {  	[tilespmem:s19], [sflag:$0x2] =	stream.indirect.gather [hbm4b:s2+s18], $0x80, s7, s18, $0xb8;
	[tilespmem:$0x1E800] =	vst v63  }
0xaa: {  	s7 =	sadd.s32 $0x14140, s5  }
0xab: {  	[tilespmem:s21], [sflag:$0x2] =	stream.indirect.gather [hbm4b:s2+s18], $0x80, s7, s18, $0xb8;
	[tilespmem:$0x1E800] =	vst v63  }
0xac: {  	_ =	swait.ge [sflag:s30], $0x2000  }
0xad: {  	[sflag:s30] =	ssyncset.done $0x0  }
0xae: {  	[sflag:s30] =	ssyncadd.s32 $0xFFFFE000  }
0xaf: {  	_ =	swait.ge [sflag:s30], $0x2000  }
0xb0: {  	[sflag:s30] =	ssyncset.done $0x0  }
0xb1: {  	s7 =	sadd.s32 $0x15480, s5;
	[sflag:s30] =	ssyncadd.s32 $0xFFFFE000  }
0xb2: {  	[spmem:s3] =	stream.indirect.scatter.add.f32 [tilespmem:s23], [sflag:$0x4], $0x80, s7, s29, $0xb8;
	[tilespmem:$0x1E800] =	vst v63  }
.Ltmp1:
0xb3: {  	_ =	swait.ge [sflag:s16], $0x4000;
	(pc) =	sbr.rel @p0 .LBB2_4-.Ltmp1, $4  }
0xb4: {  	[sflag:s16] =	ssyncset.done $0x0  }
0xb5: {  	s7 =	sadd.s32 $0x14180, s5;
	[sflag:s16] =	ssyncadd.s32 $0xFFFFC000  }
0xb6: {  	[tilespmem:s23], [sflag:$0x3] =	stream.indirect.gather [hbm4b:s2+s18], $0x80, s7, s18, $0xb8;
	[tilespmem:$0x1E800] =	vst v63  }
0xb7: {  	s5 =	sadd.s32 $0x141C0, s5  }
0xb8: {  	[tilespmem:s25], [sflag:$0x3] =	stream.indirect.gather [hbm4b:s2+s18], $0x80, s5, s18, $0xb8;
	[tilespmem:$0x1E800] =	vst v63  }
0xb9: {  	_ =	swait.ge [sflag:s28], $0x2000  }
0xba: {  	[sflag:s28] =	ssyncset.done $0x0  }
0xbb: {  	[sflag:s28] =	ssyncadd.s32 $0xFFFFE000  }
0xbc: {  	_ =	swait.ge [sflag:s28], $0x2000  }
0xbd: {  	[sflag:s28] =	ssyncset.done $0x0  }
0xbe: {  	[sflag:s28] =	ssyncadd.s32 $0xFFFFE000  }
0xbf: {  	[spmem:s3] =	stream.indirect.scatter.add.f32 [tilespmem:s19], [sflag:$0x4], $0x80, s31, s29, $0xb8;
	[tilespmem:$0x1E800] =	vst v63  }
0xc0: {  	_ =	swait.ge [sflag:s16], $0x4000  }
0xc1: {  	[sflag:s16] =	ssyncset.done $0x0  }
0xc2: {  	[sflag:s16] =	ssyncadd.s32 $0xFFFFC000  }
0xc3: {  	_ =	swait.ge [sflag:s30], $0x2000  }
0xc4: {  	[sflag:s30] =	ssyncset.done $0x0  }
0xc5: {  	[sflag:s30] =	ssyncadd.s32 $0xFFFFE000  }
0xc6: {  	_ =	swait.ge [sflag:s30], $0x2000  }
0xc7: {  	[sflag:s30] =	ssyncset.done $0x0  }
0xc8: {  	[sflag:s30] =	ssyncadd.s32 $0xFFFFE000  }
0xc9: {  	[spmem:s3] =	stream.indirect.scatter.add.f32 [tilespmem:s23], [sflag:$0x4], $0x80, s0, s29, $0xb8;
	[tilespmem:$0x1E800] =	vst v63  }
0xca: {  	_ =	swait.ge [sflag:s16], $0x4000  }
0xcb: {  	s1 =	sadd.s32 $0x1, s1;
	[sflag:s16] =	ssyncset.done $0x0  }
0xcc: {  	p0 =	sne.s32 s1, s13;
	[sflag:s16] =	ssyncadd.s32 $0xFFFFC000  }
.Ltmp2:
0xcd: {  	s4 =	sor.u32 $0x1C04, s6;
	[bflag:$0x0] =	sbarrier.arrive $0xFFFF;
	(pc) =	sbr.rel @p0 .LBB2_1-.Ltmp2, $4  }
0xce: {  	[hbm:s12], [sflag:s4] =	dma.local [spmem:s14], $0x2800  }
0xcf: {  	_ =	swait.ge [sflag:s16], $0x2800  }
0xd0: {  	[sflag:s16] =	ssyncset.done $0x0  }
0xd1: {  	[sflag:s16] =	ssyncadd.s32 $0xFFFFD800  }
0xd2: {  	_ =	sfence.sel $0x180000  }
0xd3: {  	[bflag:$0x0] =	sbarrier.arrive $0xFFFF  }
0xd4: {  	_ =	strace $0x9000004A  }
0xd5: {  	s0 =	stileid.u32;
	[bflag:$0x2] =	sbarrier.arrive $0xFFFF  }
0xd6: {  	p0 =	sne.s32 s0, $0x0;
	s0 =	rddreg [dreg:$0x3]  }
0xd7: {  	s0 =	sadd.s32 @!p0 $0x100000, s0  }
0xd8: {  	[sflag:s0] =	ssyncadd.tile.s32 @!p0 $0x1;
	_ =	shalt  }
.Lfunc_end2:
_tile_overlayer_lowered:
.L_overlay_start_2:
0xd9: {  	(tag) =	ssettag $0x2  }
0xda: {  	s0 =	rddreg [dreg:$0x0];
	s2 =	stileid.u32  }
0xdb: {  	s1 =	rddreg [dreg:$0x1];
	p0 =	sne.s32 s2, $0x0  }
0xdc: {  	s3 =	rddreg [dreg:$0x2];
	[bflag:$0x3] =	sbarrier.arrive $0xFFFF;
	s2 =	simm.s32 @!p0 $0x1C04  }
0xdd: {  	[timem:s3], [sflag:s2] =	dma.local @!p0 [hbm:s0], s1  }
0xde: {  	s0 =	simm.s32 @!p0 $0x4  }
0xdf: {  	_ =	swait.ge @!p0 [sflag:s0], s1  }
0xe0: {  	s1 =	ssub.s32 @!p0 $0x0, s1;
	[sflag:s0] =	ssyncset.done @!p0 $0x0  }
0xe1: {  	[sflag:s0] =	ssyncadd.s32 @!p0 s1  }
0xe2: {  	[bflag:$0x3] =	sbarrier.arrive $0xFFFF  }
0xe3: {  	_ =	shalt  }

// kernel: kernel.14.cloned.1.call-start
scs
__scs_entry_jumppad:
0x0: {  	(pc) =	sbr.rel $0x88, $3  }
0x1: {  	(tag) =	ssettag $0x0;
	lr =	simm.s32 $0x1  }
0x2: {  	[smem:$0x3F89] =	sst lr;
	_ =	strace $0xD0000000  }
0x3: {  	_ = 	snop  }
0x4: {  	_ = 	snop  }
0x5: {  	_ = 	snop  }
0x6: {  	_ = 	snop  }
0x7: {  	_ = 	snop  }
__scs_overlays_trampoline_lowered:
0x8: {  	[smem:$0x3F98] =	sst s0  }
0x9: {  	[smem:$0x3F99] =	sst s1  }
0xa: {  	[smem:$0x3F9A] =	sst s2  }
0xb: {  	[smem:$0x3F9B] =	sst s3  }
0xc: {  	[smem:$0x3F9C] =	sst s4  }
0xd: {  	[smem:$0x3F9D] =	sst s5  }
0xe: {  	[smem:$0x3F9E] =	sst s6  }
0xf: {  	[smem:$0x3F9F] =	sst s7  }
0x10: {  	[smem:$0x3FA0] =	sst s8  }
0x11: {  	[smem:$0x3FA1] =	sst s9;
	s0 =	simm.s32 @!p0 $0x0  }
0x12: {  	s1 =	sld [smem:$0x3F87];
	s0 =	simm.s32 @p0 $0x1  }
0x13: {  	[smem:$0x3FA2] =	sst s0;
	s0 =	simm.s32 @!p1 $0x0  }
0x14: {  	s2 =	sld [smem:$0x3F86];
	s0 =	simm.s32 @p1 $0x1  }
0x15: {  	[smem:$0x3FA3] =	sst s0;
	s0 =	simm.s32 @!p2 $0x0  }
0x16: {  	s3 =	sld [smem:$0x3FDB];
	s0 =	simm.s32 @p2 $0x1  }
0x17: {  	s4 =	simm.s32 $0x1BF5;
	[smem:$0x3FA5] =	sst s0  }
0x18: {  	s0 =	sld [smem:$0x3F88];
	_ =	swait.ge [sflag:s4], $0x0  }
0x19: {  	s7 =	sld [smem:$0x3F89]  }
0x1a: {  	s8 =	sadd.s32 $0xFFFFE003, lr  }
0x1b: {  	s9 =	sadd.s32 $0xFFFFFEF7, lr;
	s5 =	simm.s32 $0xFFFFFFFF;
	p2 =	slt.u32 s8, $0xFFFFF086  }
0x1c: {  	p1 =	slt.u32 s9, $0xF7A;
	s5 =	simm.s32 @!p2 $0x0  }
0x1d: {  	s5 =	simm.s32 @p1 $0x1;
	p0 =	seq.s32 s7, s2  }
0x1e: {  	s7 =	smul.u32 @!p0 $0xF7A, s2;
	p2 =	seq.s32 @!p0 s5, $0x0  }
0x1f: {  	s9 =	smul.u32 $0xF7A, s1;
	s8 =	simm.s32 @!p0 $0x1BF5;
	p2 =	por !p2, p0  }
0x20: {  	[sflag:s8] =	ssyncset.s32 @!p0 $0xFFFFF086;
	s6 =	sadd.s32 @!p0 s3, s7;
	s7 =	simm.s32 @!p0 $0x108  }
0x21: {  	s3 =	sadd.s32 s3, s9;
	s6 =	sadd.s32 @!p0 $0x88, s6;
	s7 =	simm.s32 @p2 $0x1082  }
0x22: {  	[simem:s7], [sflag:s8] =	dma.local @!p0 [hbm:s6], $0xF7A  }
0x23: {  	s9 =	sor.u32 $0xD0000000, s2;
	s6 =	simm.s32 $0x108;
	_ =	swait.ge @!p0 [sflag:s8], $0x0  }
0x24: {  	s3 =	sadd.s32 $0x88, s3;
	s6 =	simm.s32 @!p1 $0x1082;
	[sflag:s4] =	ssyncset.s32 $0xFFFFF086  }
0x25: {  	[simem:s6], [sflag:s4] =	dma.local [hbm:s3], $0xF7A  }
0x26: {  	[smem:$0x3F89] =	sst s1;
	(tag) =	ssettag s2;
	_ =	strace s9  }
0x27: {  	s1 =	sld [smem:$0x3F99]  }
0x28: {  	s2 =	sld [smem:$0x3F9A]  }
0x29: {  	s4 =	sld [smem:$0x3F9C]  }
0x2a: {  	p0 =	seq.s32 s5, $0x0;
	s5 =	sld [smem:$0x3F9D]  }
0x2b: {  	s6 =	sld [smem:$0x3F9E]  }
0x2c: {  	s7 =	sld [smem:$0x3F9F]  }
0x2d: {  	s3 =	simm.s32 $0x108;
	s8 =	sld [smem:$0x3FA0]  }
0x2e: {  	s3 =	simm.s32 @!p0 $0x1082;
	s9 =	sld [smem:$0x3FA1]  }
0x2f: {  	lr =	sadd.s32 s0, s3;
	s0 =	sld [smem:$0x3F98]  }
0x30: {  	s3 =	sld [smem:$0x3F9B]  }
0x31: {  	[smem:$0x3FA4] =	sst s10  }
0x32: {  	s10 =	sld [smem:$0x3FA2];
	_ =	sdelay $0x3  }
0x33: {  	p0 =	seq.s32 s10, $0x1;
	s10 =	sld [smem:$0x3FA4];
	_ =	sdelay $0x3  }
0x34: {  	[smem:$0x3FA4] =	sst s10  }
0x35: {  	s10 =	sld [smem:$0x3FA3];
	_ =	sdelay $0x3  }
0x36: {  	p1 =	seq.s32 s10, $0x1;
	s10 =	sld [smem:$0x3FA4];
	_ =	sdelay $0x3  }
0x37: {  	[smem:$0x3FA4] =	sst s10  }
0x38: {  	s10 =	sld [smem:$0x3FA5]  }
0x39: {  	_ = 	snop;
	(pc) =	sbr.ind lr, $3  }
0x3a: {  	_ = 	snop  }
0x3b: {  	_ = 	snop  }
0x3c: {  	p2 =	seq.s32 s10, $0x1;
	s10 =	sld [smem:$0x3FA4]  }
0x3d: {  	_ =	shalt  }
0x3e: {  	_ =	shalt  }
0x3f: {  	_ =	shalt  }
0x40: {  	_ =	shalt  }
0x41: {  	_ =	shalt  }
0x42: {  	_ =	shalt  }
0x43: {  	_ =	shalt  }
0x44: {  	_ =	shalt  }
0x45: {  	_ =	shalt  }
0x46: {  	_ =	shalt  }
0x47: {  	_ =	shalt  }
0x48: {  	_ =	shalt  }
0x49: {  	_ =	shalt  }
0x4a: {  	_ =	shalt  }
0x4b: {  	_ =	shalt  }
0x4c: {  	_ =	shalt  }
0x4d: {  	_ =	shalt  }
0x4e: {  	_ =	shalt  }
0x4f: {  	_ =	shalt  }
0x50: {  	_ =	shalt  }
0x51: {  	_ =	shalt  }
0x52: {  	_ =	shalt  }
0x53: {  	_ =	shalt  }
0x54: {  	_ =	shalt  }
0x55: {  	_ =	shalt  }
0x56: {  	_ =	shalt  }
0x57: {  	_ =	shalt  }
0x58: {  	_ =	shalt  }
0x59: {  	_ =	shalt  }
0x5a: {  	_ =	shalt  }
0x5b: {  	_ =	shalt  }
0x5c: {  	_ =	shalt  }
0x5d: {  	_ =	shalt  }
0x5e: {  	_ =	shalt  }
0x5f: {  	_ =	shalt  }
0x60: {  	_ =	shalt  }
0x61: {  	_ =	shalt  }
0x62: {  	_ =	shalt  }
0x63: {  	_ =	shalt  }
0x64: {  	_ =	shalt  }
0x65: {  	_ =	shalt  }
0x66: {  	_ =	shalt  }
0x67: {  	_ =	shalt  }
0x68: {  	_ =	shalt  }
0x69: {  	_ =	shalt  }
0x6a: {  	_ =	shalt  }
0x6b: {  	_ =	shalt  }
0x6c: {  	_ =	shalt  }
0x6d: {  	_ =	shalt  }
0x6e: {  	_ =	shalt  }
0x6f: {  	_ =	shalt  }
0x70: {  	_ =	shalt  }
0x71: {  	_ =	shalt  }
0x72: {  	_ =	shalt  }
0x73: {  	_ =	shalt  }
0x74: {  	_ =	shalt  }
0x75: {  	_ =	shalt  }
0x76: {  	_ =	shalt  }
0x77: {  	_ =	shalt  }
0x78: {  	_ =	shalt  }
0x79: {  	_ =	shalt  }
0x7a: {  	_ =	shalt  }
0x7b: {  	_ =	shalt  }
0x7c: {  	_ =	shalt  }
0x7d: {  	_ =	shalt  }
0x7e: {  	_ =	shalt  }
0x7f: {  	_ =	shalt  }
0x80: {  	_ =	shalt  }
0x81: {  	_ =	shalt  }
0x82: {  	_ =	shalt  }
0x83: {  	_ =	shalt  }
0x84: {  	_ =	shalt  }
0x85: {  	_ =	shalt  }
0x86: {  	_ =	shalt  }
0x87: {  	_ =	shalt  }
.Lfunc_end0:
.L_simem_size_0:
called_computation.2_lowered:
.L_overlay_start_0:
0x88: {  	s2 =	sld [smem:$0x3FD9]  }
0x89: {  	s3 =	sld [smem:$0x3FFE];
	_ =	sdelay $0x1  }
0x8a: {  	s1 =	srdreg.scid  }
0x8b: {  	s0 =	sand.u32 $0x1, s1  }
0x8c: {  	s17 =	sshll.u32 s0, $0xA;
	s2 =	sadd.s32 s3, s2  }
0x8d: {  	s2 =	sadd.s32 s2, s17  }
0x8e: {  	[smem:$0x3FB0] =	sst s2  }
0x8f: {  	_ = 	snop  }
0x90: {  	s2 =	sld [smem:$0x3FD0];
	(tm) =	ssettm $0x1  }
0x91: {  	s18 =	sld [smem:$0x3FFB];
	_ =	sdelay $0x3  }
0x92: {  	_ =	strace s18  }
0x93: {  	s3 =	sld [smem:$0x3FFC];
	_ =	sdelay $0x3  }
0x94: {  	_ =	strace s3  }
0x95: {  	s3 =	sld [smem:$0x3FFD];
	_ =	sdelay $0x3  }
0x96: {  	_ =	strace s3  }
0x97: {  	_ =	strace $0x8FFFFFFF  }
0x98: {  	s19 =	sld [smem:$0x3FDB];
	_ =	sdelay $0x1  }
0x99: {  	s4 =	simm.s32 $_scs_section_size  }
0x9a: {  	s5 =	simm.s32 $_size__tile_overlayer_lowered;
	s6 =	simm.s32 $_tile_overlayer_lowered  }
0x9b: {  	s22 =	simm.s32 $0x1BFF;
	s21 =	sshll.u32 s6, $0x1;
	s3 =	sadd.s32 s4, s19  }
0x9c: {  	s7 =	simm.s32 $0x0;
	s20 =	sshll.u32 s5, $0x1;
	s5 =	sadd.s32 s21, s3  }
0x9d: {  	[timem:s7], [sflag:s22] =	dma.local [hbm:s5], s20  }
0x9e: {  	_ =	swait.ge [sflag:s22], s20  }
0x9f: {  	s4 =	ssub.s32 $0x0, s20;
	[sflag:s22] =	ssyncset.done $0x0  }
0xa0: {  	[sflag:s22] =	ssyncadd.s32 s4;
	_ =	sdelay $0x1  }
0xa1: {  	s23 =	simm.s32 $0x1B8B  }
0xa2: {  	_ =	swait.ge [sflag:s23], $0x1  }
0xa3: {  	[sflag:s23] =	ssyncset.done $0x0  }
0xa4: {  	s25 =	simm.s32 $0x1B8E;
	s24 =	sld [smem:$0x3FFE];
	[sflag:s23] =	ssyncadd.s32 $0xFFFFFFFF  }
0xa5: {  	s26 =	simm.s32 $execute0_lowered;
	[smem:$0x3FD2] =	sst s25  }
0xa6: {  	s5 =	sshll.u32 s26, $0x1;
	_ =	strace $0x8000004C;
	[dreg:$0x1] =	wrdreg $0xFFFFFFFF  }
0xa7: {  	s28 =	simm.s32 $_size_execute0_lowered;
	s3 =	sadd.s32 s3, s5;
	[dreg:$0x0] =	wrdreg $0x0  }
0xa8: {  	s5 =	sshll.u32 s28, $0x1;
	[dreg:$0x2] =	wrdreg s3  }
0xa9: {  	[dreg:$0x3] =	wrdreg s5  }
0xaa: {  	[dreg:$0x4] =	wrdreg $0xC0  }
0xab: {  	_ =	task [dreg:s7], $0x5FFFF  }
0xac: {  	[dreg:$0x1] =	wrdreg $0xFFFFFFFF  }
0xad: {  	[dreg:$0x0] =	wrdreg $0x60  }
0xae: {  	[dreg:$0x2] =	wrdreg s2  }
0xaf: {  	[dreg:$0x3] =	wrdreg s24  }
0xb0: {  	[dreg:$0x4] =	wrdreg $0x0  }
0xb1: {  	[dreg:$0x5] =	wrdreg $0x9  }
0xb2: {  	_ =	task.clear_ibuf [dreg:s7], $0x6FFFF;
	_ =	strace $0x9000004C  }
0xb3: {  	s29 =	simm.s32 $0x9;
	_ =	strace $0x8000004E  }
0xb4: {  	_ =	swait.ge [sflag:s29], $0x1  }
0xb5: {  	[sflag:s29] =	ssyncadd.s32 $0xFFFFFFFF  }
0xb6: {  	_ =	strace $0x9000004E  }
0xb7: {  	_ =	sfence  }
0xb8: {  	s30 =	sld [smem:$0x0];
	_ =	sdelay $0x2  }
0xb9: {  	s31 =	sshll.u32 s1, $0xD;
	s1 =	sshrl.u32 s1, $0x2  }
0xba: {  	s3 =	sand.u32 $0x4000, s31;
	s1 =	sadd.s32 s1, s30  }
0xbb: {  	s0 =	sor.u32 s3, s0;
	s1 =	sshll.u32 s1, $0x11  }
0xbc: {  	s0 =	sor.u32 s1, s0  }
0xbd: {  	s0 =	sadd.s32 $0x8F2B, s0  }
0xbe: {  	[sflag:s0] =	ssyncadd.remote.s32 $0x1  }
0xbf: {  	_ =	sfence.sel $0xFFFF  }
0xc0: {  	[dreg:$0x0] =	wrdreg $0xFFFFFFFF;
	(pc) =	sbr.abs _section_cstart, $3  }
0xc1: {  	[dreg:$0x1] =	wrdreg $0xFFFFFFFF  }
0xc2: {  	_ =	task.clear_ibuf [dreg:s7], $0x2FFFF;
	_ =	strace $0x9FFFFFFF  }
0xc3: {  	(tm) =	ssettm $0x7FFFFFFF  }
tec
execute0_lowered:
.L_overlay_start_1:
0x0: {  	(tag) =	ssettag $0x1  }
0x1: {  	s2 =	rddreg [dreg:$0x0]  }
0x2: {  	s0 =	rddreg [dreg:$0x1]  }
0x3: {  	s3 =	rddreg [dreg:$0x2]  }
0x4: {  	s9 =	stileid.u32;
	s1 =	srdreg.scid;
	s5 =	simm.s32 $0x0  }
0x5: {  	s15 =	simm.s32 $0x14000;
	s16 =	simm.s32 $0x4;
	s17 =	simm.s32 $0x15400  }
0x6: {  	s18 =	simm.s32 $0x40;
	s19 =	simm.s32 $0x16800;
	s28 =	simm.s32 $0x2  }
0x7: {  	s29 =	simm.s32 $0x80;
	s30 =	simm.s32 $0x3;
	s31 =	simm.s32 $0x16700  }
0x8: {  	s4 =	smul.u32 $0x14000, s9;
	s1 =	sand.u32 $0x1, s1;
	[smem:$0x7FF] =	sst s5  }
0x9: {  	s10 =	sadd.s32 $0x4A00, s0;
	s11 =	sadd.s32 $0xEA00, s0;
	s7 =	smul.u32 $0x50000, s9  }
0xa: {  	s21 =	sshll.u32 s9, $0x1;
	s20 =	smul.u32 $0x140000, s1;
	_ =	strace $0x8000004D  }
0xb: {  	s22 =	ssub.s32 $0x2, s1;
	s1 =	sor.u32 s1, s21;
	s21 =	simm.s32 $0x18800  }
0xc: {  	s6 =	sshrl.u32 s4, $0x3;
	s23 =	sshrl.u32 s22, $0x1;
	s8 =	smul.u32 $0x2800, s1  }
0xd: {  	s7 =	sshrl.u32 s7, $0x2;
	s1 =	smul.u32 $0x500, s1;
	s6 =	sadd.s32 s6, s0  }
0xe: {  	s4 =	sadd.s32 s4, s20;
	s24 =	sadd.s32 s7, s3;
	s20 =	simm.s32 $0x14040  }
0xf: {  	s4 =	sshrl.u32 s4, $0x3;
	s6 =	sadd.s32 $0x18A00, s6;
	s25 =	sshrl.u32 s8, $0x3  }
0x10: {  	s8 =	sadd.s32 s10, s1;
	s14 =	sshrl.u32 s24, $0x3;
	s24 =	simm.s32 $0x140C0  }
0x11: {  	s0 =	sadd.s32 s4, s0;
	s4 =	ssub.s32 s22, s23;
	[dreg:$0x4] =	wrdreg s6  }
0x12: {  	s6 =	sshll.u32 s9, $0x6;
	s12 =	sadd.s32 $0x280, s25;
	s9 =	sadd.s32 s11, s1  }
0x13: {  	s22 =	simm.s32 $0x14080;
	s23 =	simm.s32 $0x1A800;
	s25 =	simm.s32 $0x1C800  }
0x14: {  	s1 =	simm.s32 $0x0;
	s26 =	sor.u32 $0x1C01, s6;
	s10 =	sadd.s32 s10, s12  }
0x15: {  	s11 =	sadd.s32 s11, s12;
	s12 =	sadd.s32 $0x40A00, s0;
	s13 =	smax.u32 s4, $0x1  }
0x16: {  	s0 =	simm.s32 $0x16780;
	[dreg:$0x5] =	wrdreg s26;
	s26 =	simm.s32 $0x1  }
.LBB2_1:
0x17: {  	s4 =	rddreg [dreg:$0x4]  }
0x18: {  	s5 =	rddreg [dreg:$0x5]  }
0x19: {  	[spmem:s14], [sflag:s5] =	dma.local [hbm:s4], $0x2800  }
0x1a: {  	s5 =	simm.s32 $0x0  }
0x1b: {  	[tilespmem:s15], [sflag:$0x4] =	stream.linear.gather [hbm4b:s8+s5], $0x1400, $0x38;
	[tilespmem:$0x1E800] =	vst v63  }
0x1c: {  	_ =	swait.ge [sflag:s16], $0x1400  }
0x1d: {  	[sflag:s16] =	ssyncset.done $0x0  }
0x1e: {  	[sflag:s16] =	ssyncadd.s32 $0xFFFFEC00  }
0x1f: {  	[tilespmem:s17], [sflag:$0x4] =	stream.linear.gather [hbm4b:s9+s5], $0x1400, $0x38;
	[tilespmem:$0x1E800] =	vst v63  }
0x20: {  	_ =	swait.ge [sflag:s16], $0x1400  }
0x21: {  	[sflag:s16] =	ssyncset.done $0x0  }
0x22: {  	[sflag:s16] =	ssyncadd.s32 $0xFFFFEC00  }
0x23: {  	[tilespmem:s19], [sflag:$0x2] =	stream.indirect.gather [hbm4b:s2+s18], $0x80, s15, s18, $0xb8;
	[tilespmem:$0x1E800] =	vst v63  }
0x24: {  	_ = 	snop  }
0x25: {  	[tilespmem:s21], [sflag:$0x2] =	stream.indirect.gather [hbm4b:s2+s18], $0x80, s20, s18, $0xb8;
	[tilespmem:$0x1E800] =	vst v63  }
0x26: {  	_ = 	snop  }
0x27: {  	[tilespmem:s23], [sflag:$0x3] =	stream.indirect.gather [hbm4b:s2+s18], $0x80, s22, s18, $0xb8;
	[tilespmem:$0x1E800] =	vst v63  }
0x28: {  	_ = 	snop  }
0x29: {  	[tilespmem:s25], [sflag:$0x3] =	stream.indirect.gather [hbm4b:s2+s18], $0x80, s24, s18, $0xb8;
	[tilespmem:$0x1E800] =	vst v63  }
0x2a: {  	_ =	swait.ge [sflag:s26], $0x2800  }
0x2b: {  	[sflag:s26] =	ssyncset.done $0x0  }
0x2c: {  	[sflag:s26] =	ssyncadd.s32 $0xFFFFD800  }
0x2d: {  	[bflag:$0x0] =	sbarrier.arrive $0xFFFF  }
0x2e: {  	_ =	swait.ge [sflag:s28], $0x2000  }
0x2f: {  	[sflag:s28] =	ssyncset.done $0x0  }
0x30: {  	[sflag:s28] =	ssyncadd.s32 $0xFFFFE000  }
0x31: {  	_ =	swait.ge [sflag:s28], $0x2000  }
0x32: {  	[sflag:s28] =	ssyncset.done $0x0  }
0x33: {  	s7 =	simm.s32 $0x15400;
	[sflag:s28] =	ssyncadd.s32 $0xFFFFE000  }
0x34: {  	[spmem:s3] =	stream.indirect.scatter.add.f32 [tilespmem:s19], [sflag:$0x4], $0x80, s7, s29, $0xb8;
	[tilespmem:$0x1E800] =	vst v63  }
0x35: {  	_ =	swait.ge [sflag:s16], $0x4000  }
0x36: {  	[sflag:s16] =	ssyncset.done $0x0  }
0x37: {  	s5 =	simm.s32 $0x14100;
	[sflag:s16] =	ssyncadd.s32 $0xFFFFC000  }
0x38: {  	[tilespmem:s19], [sflag:$0x2] =	stream.indirect.gather [hbm4b:s2+s18], $0x80, s5, s18, $0xb8;
	[tilespmem:$0x1E800] =	vst v63  }
0x39: {  	s7 =	simm.s32 $0x14140  }
0x3a: {  	[tilespmem:s21], [sflag:$0x2] =	stream.indirect.gather [hbm4b:s2+s18], $0x80, s7, s18, $0xb8;
	[tilespmem:$0x1E800] =	vst v63  }
0x3b: {  	_ =	swait.ge [sflag:s30], $0x2000  }
0x3c: {  	[sflag:s30] =	ssyncset.done $0x0  }
0x3d: {  	[sflag:s30] =	ssyncadd.s32 $0xFFFFE000  }
0x3e: {  	_ =	swait.ge [sflag:s30], $0x2000  }
0x3f: {  	[sflag:s30] =	ssyncset.done $0x0  }
0x40: {  	s5 =	simm.s32 $0x15480;
	[sflag:s30] =	ssyncadd.s32 $0xFFFFE000  }
0x41: {  	[spmem:s3] =	stream.indirect.scatter.add.f32 [tilespmem:s23], [sflag:$0x4], $0x80, s5, s29, $0xb8;
	[tilespmem:$0x1E800] =	vst v63  }
0x42: {  	_ =	swait.ge [sflag:s16], $0x4000  }
0x43: {  	s4 =	simm.s32 $0x400;
	[sflag:s16] =	ssyncset.done $0x0  }
0x44: {  	s7 =	simm.s32 $0x14180;
	s5 =	simm.s32 $0x141C0;
	[sflag:s16] =	ssyncadd.s32 $0xFFFFC000  }
0x45: {  	[tilespmem:s23], [sflag:$0x3] =	stream.indirect.gather [hbm4b:s2+s18], $0x80, s7, s18, $0xb8;
	[tilespmem:$0x1E800] =	vst v63  }
.LBB2_2:
0x46: {  	[tilespmem:s25], [sflag:$0x3] =	stream.indirect.gather [hbm4b:s2+s18], $0x80, s5, s18, $0xb8;
	[tilespmem:$0x1E800] =	vst v63  }
0x47: {  	s5 =	smov.u32 s4  }
0x48: {  	p0 =	sne.s32 s4, $0x4800;
	s4 =	sadd.s32 $0x400, s4;
	_ =	swait.ge [sflag:s28], $0x2000  }
0x49: {  	[sflag:s28] =	ssyncset.done $0x0  }
0x4a: {  	[sflag:s28] =	ssyncadd.s32 $0xFFFFE000  }
0x4b: {  	_ =	swait.ge [sflag:s28], $0x2000  }
0x4c: {  	s5 =	sshra.s32 s5, $0x2;
	[sflag:s28] =	ssyncset.done $0x0  }
0x4d: {  	s7 =	sadd.s32 $0x15400, s5;
	[sflag:s28] =	ssyncadd.s32 $0xFFFFE000  }
0x4e: {  	[spmem:s3] =	stream.indirect.scatter.add.f32 [tilespmem:s19], [sflag:$0x4], $0x80, s7, s29, $0xb8;
	[tilespmem:$0x1E800] =	vst v63  }
0x4f: {  	_ =	swait.ge [sflag:s16], $0x4000  }
0x50: {  	[sflag:s16] =	ssyncset.done $0x0  }
0x51: {  	s7 =	sadd.s32 $0x14100, s5;
	[sflag:s16] =	ssyncadd.s32 $0xFFFFC000  }
0x52: {  	[tilespmem:s19], [sflag:$0x2] =	stream.indirect.gather [hbm4b:s2+s18], $0x80, s7, s18, $0xb8;
	[tilespmem:$0x1E800] =	vst v63  }
0x53: {  	s7 =	sadd.s32 $0x14140, s5  }
0x54: {  	[tilespmem:s21], [sflag:$0x2] =	stream.indirect.gather [hbm4b:s2+s18], $0x80, s7, s18, $0xb8;
	[tilespmem:$0x1E800] =	vst v63  }
0x55: {  	_ =	swait.ge [sflag:s30], $0x2000  }
0x56: {  	[sflag:s30] =	ssyncset.done $0x0  }
0x57: {  	[sflag:s30] =	ssyncadd.s32 $0xFFFFE000  }
0x58: {  	_ =	swait.ge [sflag:s30], $0x2000  }
0x59: {  	[sflag:s30] =	ssyncset.done $0x0  }
0x5a: {  	s7 =	sadd.s32 $0x15480, s5;
	[sflag:s30] =	ssyncadd.s32 $0xFFFFE000  }
0x5b: {  	[spmem:s3] =	stream.indirect.scatter.add.f32 [tilespmem:s23], [sflag:$0x4], $0x80, s7, s29, $0xb8;
	[tilespmem:$0x1E800] =	vst v63  }
.Ltmp0:
0x5c: {  	_ =	swait.ge [sflag:s16], $0x4000;
	(pc) =	sbr.rel @p0 .LBB2_2-.Ltmp0, $4  }
0x5d: {  	[sflag:s16] =	ssyncset.done $0x0  }
0x5e: {  	s7 =	sadd.s32 $0x14180, s5;
	[sflag:s16] =	ssyncadd.s32 $0xFFFFC000  }
0x5f: {  	[tilespmem:s23], [sflag:$0x3] =	stream.indirect.gather [hbm4b:s2+s18], $0x80, s7, s18, $0xb8;
	[tilespmem:$0x1E800] =	vst v63  }
0x60: {  	s5 =	sadd.s32 $0x141C0, s5  }
0x61: {  	[tilespmem:s25], [sflag:$0x3] =	stream.indirect.gather [hbm4b:s2+s18], $0x80, s5, s18, $0xb8;
	[tilespmem:$0x1E800] =	vst v63  }
0x62: {  	_ =	swait.ge [sflag:s28], $0x2000  }
0x63: {  	[sflag:s28] =	ssyncset.done $0x0  }
0x64: {  	[sflag:s28] =	ssyncadd.s32 $0xFFFFE000  }
0x65: {  	_ =	swait.ge [sflag:s28], $0x2000  }
0x66: {  	[sflag:s28] =	ssyncset.done $0x0  }
0x67: {  	[sflag:s28] =	ssyncadd.s32 $0xFFFFE000  }
0x68: {  	[spmem:s3] =	stream.indirect.scatter.add.f32 [tilespmem:s19], [sflag:$0x4], $0x80, s31, s29, $0xb8;
	[tilespmem:$0x1E800] =	vst v63  }
0x69: {  	_ =	swait.ge [sflag:s16], $0x4000  }
0x6a: {  	[sflag:s16] =	ssyncset.done $0x0  }
0x6b: {  	[sflag:s16] =	ssyncadd.s32 $0xFFFFC000  }
0x6c: {  	_ =	swait.ge [sflag:s30], $0x2000  }
0x6d: {  	[sflag:s30] =	ssyncset.done $0x0  }
0x6e: {  	[sflag:s30] =	ssyncadd.s32 $0xFFFFE000  }
0x6f: {  	_ =	swait.ge [sflag:s30], $0x2000  }
0x70: {  	[sflag:s30] =	ssyncset.done $0x0  }
0x71: {  	[sflag:s30] =	ssyncadd.s32 $0xFFFFE000  }
0x72: {  	[spmem:s3] =	stream.indirect.scatter.add.f32 [tilespmem:s23], [sflag:$0x4], $0x80, s0, s29, $0xb8;
	[tilespmem:$0x1E800] =	vst v63  }
0x73: {  	_ =	swait.ge [sflag:s16], $0x4000  }
0x74: {  	[sflag:s16] =	ssyncset.done $0x0  }
0x75: {  	s4 =	simm.s32 $0x0;
	[sflag:s16] =	ssyncadd.s32 $0xFFFFC000  }
0x76: {  	[tilespmem:s15], [sflag:$0x4] =	stream.linear.gather [hbm4b:s10+s4], $0x1400, $0x38;
	[tilespmem:$0x1E800] =	vst v63  }
0x77: {  	_ =	swait.ge [sflag:s16], $0x1400  }
0x78: {  	[sflag:s16] =	ssyncset.done $0x0  }
0x79: {  	[sflag:s16] =	ssyncadd.s32 $0xFFFFEC00  }
0x7a: {  	[tilespmem:s17], [sflag:$0x4] =	stream.linear.gather [hbm4b:s11+s4], $0x1400, $0x38;
	[tilespmem:$0x1E800] =	vst v63  }
0x7b: {  	_ =	swait.ge [sflag:s16], $0x1400  }
0x7c: {  	[sflag:s16] =	ssyncset.done $0x0  }
0x7d: {  	[sflag:s16] =	ssyncadd.s32 $0xFFFFEC00  }
0x7e: {  	[tilespmem:s19], [sflag:$0x2] =	stream.indirect.gather [hbm4b:s2+s18], $0x80, s15, s18, $0xb8;
	[tilespmem:$0x1E800] =	vst v63  }
0x7f: {  	_ = 	snop  }
0x80: {  	[tilespmem:s21], [sflag:$0x2] =	stream.indirect.gather [hbm4b:s2+s18], $0x80, s20, s18, $0xb8;
	[tilespmem:$0x1E800] =	vst v63  }
0x81: {  	_ = 	snop  }
0x82: {  	[tilespmem:s23], [sflag:$0x3] =	stream.indirect.gather [hbm4b:s2+s18], $0x80, s22, s18, $0xb8;
	[tilespmem:$0x1E800] =	vst v63  }
0x83: {  	_ = 	snop  }
0x84: {  	[tilespmem:s25], [sflag:$0x3] =	stream.indirect.gather [hbm4b:s2+s18], $0x80, s24, s18, $0xb8;
	[tilespmem:$0x1E800] =	vst v63  }
0x85: {  	_ =	swait.ge [sflag:s28], $0x2000  }
0x86: {  	[sflag:s28] =	ssyncset.done $0x0  }
0x87: {  	[sflag:s28] =	ssyncadd.s32 $0xFFFFE000  }
0x88: {  	_ =	swait.ge [sflag:s28], $0x2000  }
0x89: {  	[sflag:s28] =	ssyncset.done $0x0  }
0x8a: {  	s7 =	simm.s32 $0x15400;
	[sflag:s28] =	ssyncadd.s32 $0xFFFFE000  }
0x8b: {  	[spmem:s3] =	stream.indirect.scatter.add.f32 [tilespmem:s19], [sflag:$0x4], $0x80, s7, s29, $0xb8;
	[tilespmem:$0x1E800] =	vst v63  }
0x8c: {  	_ =	swait.ge [sflag:s16], $0x4000  }
0x8d: {  	[sflag:s16] =	ssyncset.done $0x0  }
0x8e: {  	s5 =	simm.s32 $0x14100;
	[sflag:s16] =	ssyncadd.s32 $0xFFFFC000  }
0x8f: {  	[tilespmem:s19], [sflag:$0x2] =	stream.indirect.gather [hbm4b:s2+s18], $0x80, s5, s18, $0xb8;
	[tilespmem:$0x1E800] =	vst v63  }
0x90: {  	s7 =	simm.s32 $0x14140  }
0x91: {  	[tilespmem:s21], [sflag:$0x2] =	stream.indirect.gather [hbm4b:s2+s18], $0x80, s7, s18, $0xb8;
	[tilespmem:$0x1E800] =	vst v63  }
0x92: {  	_ =	swait.ge [sflag:s30], $0x2000  }
0x93: {  	[sflag:s30] =	ssyncset.done $0x0  }
0x94: {  	[sflag:s30] =	ssyncadd.s32 $0xFFFFE000  }
0x95: {  	_ =	swait.ge [sflag:s30], $0x2000  }
0x96: {  	[sflag:s30] =	ssyncset.done $0x0  }
0x97: {  	s5 =	simm.s32 $0x15480;
	[sflag:s30] =	ssyncadd.s32 $0xFFFFE000  }
0x98: {  	[spmem:s3] =	stream.indirect.scatter.add.f32 [tilespmem:s23], [sflag:$0x4], $0x80, s5, s29, $0xb8;
	[tilespmem:$0x1E800] =	vst v63  }
0x99: {  	_ =	swait.ge [sflag:s16], $0x4000  }
0x9a: {  	s4 =	simm.s32 $0x400;
	[sflag:s16] =	ssyncset.done $0x0  }
0x9b: {  	s7 =	simm.s32 $0x14180;
	s5 =	simm.s32 $0x141C0;
	[sflag:s16] =	ssyncadd.s32 $0xFFFFC000  }
0x9c: {  	[tilespmem:s23], [sflag:$0x3] =	stream.indirect.gather [hbm4b:s2+s18], $0x80, s7, s18, $0xb8;
	[tilespmem:$0x1E800] =	vst v63  }
.LBB2_4:
0x9d: {  	[tilespmem:s25], [sflag:$0x3] =	stream.indirect.gather [hbm4b:s2+s18], $0x80, s5, s18, $0xb8;
	[tilespmem:$0x1E800] =	vst v63  }
0x9e: {  	s5 =	smov.u32 s4  }
0x9f: {  	p0 =	sne.s32 s4, $0x4800;
	s4 =	sadd.s32 $0x400, s4;
	_ =	swait.ge [sflag:s28], $0x2000  }
0xa0: {  	[sflag:s28] =	ssyncset.done $0x0  }
0xa1: {  	[sflag:s28] =	ssyncadd.s32 $0xFFFFE000  }
0xa2: {  	_ =	swait.ge [sflag:s28], $0x2000  }
0xa3: {  	s5 =	sshra.s32 s5, $0x2;
	[sflag:s28] =	ssyncset.done $0x0  }
0xa4: {  	s7 =	sadd.s32 $0x15400, s5;
	[sflag:s28] =	ssyncadd.s32 $0xFFFFE000  }
0xa5: {  	[spmem:s3] =	stream.indirect.scatter.add.f32 [tilespmem:s19], [sflag:$0x4], $0x80, s7, s29, $0xb8;
	[tilespmem:$0x1E800] =	vst v63  }
0xa6: {  	_ =	swait.ge [sflag:s16], $0x4000  }
0xa7: {  	[sflag:s16] =	ssyncset.done $0x0  }
0xa8: {  	s7 =	sadd.s32 $0x14100, s5;
	[sflag:s16] =	ssyncadd.s32 $0xFFFFC000  }
0xa9: {  	[tilespmem:s19], [sflag:$0x2] =	stream.indirect.gather [hbm4b:s2+s18], $0x80, s7, s18, $0xb8;
	[tilespmem:$0x1E800] =	vst v63  }
0xaa: {  	s7 =	sadd.s32 $0x14140, s5  }
0xab: {  	[tilespmem:s21], [sflag:$0x2] =	stream.indirect.gather [hbm4b:s2+s18], $0x80, s7, s18, $0xb8;
	[tilespmem:$0x1E800] =	vst v63  }
0xac: {  	_ =	swait.ge [sflag:s30], $0x2000  }
0xad: {  	[sflag:s30] =	ssyncset.done $0x0  }
0xae: {  	[sflag:s30] =	ssyncadd.s32 $0xFFFFE000  }
0xaf: {  	_ =	swait.ge [sflag:s30], $0x2000  }
0xb0: {  	[sflag:s30] =	ssyncset.done $0x0  }
0xb1: {  	s7 =	sadd.s32 $0x15480, s5;
	[sflag:s30] =	ssyncadd.s32 $0xFFFFE000  }
0xb2: {  	[spmem:s3] =	stream.indirect.scatter.add.f32 [tilespmem:s23], [sflag:$0x4], $0x80, s7, s29, $0xb8;
	[tilespmem:$0x1E800] =	vst v63  }
.Ltmp1:
0xb3: {  	_ =	swait.ge [sflag:s16], $0x4000;
	(pc) =	sbr.rel @p0 .LBB2_4-.Ltmp1, $4  }
0xb4: {  	[sflag:s16] =	ssyncset.done $0x0  }
0xb5: {  	s7 =	sadd.s32 $0x14180, s5;
	[sflag:s16] =	ssyncadd.s32 $0xFFFFC000  }
0xb6: {  	[tilespmem:s23], [sflag:$0x3] =	stream.indirect.gather [hbm4b:s2+s18], $0x80, s7, s18, $0xb8;
	[tilespmem:$0x1E800] =	vst v63  }
0xb7: {  	s5 =	sadd.s32 $0x141C0, s5  }
0xb8: {  	[tilespmem:s25], [sflag:$0x3] =	stream.indirect.gather [hbm4b:s2+s18], $0x80, s5, s18, $0xb8;
	[tilespmem:$0x1E800] =	vst v63  }
0xb9: {  	_ =	swait.ge [sflag:s28], $0x2000  }
0xba: {  	[sflag:s28] =	ssyncset.done $0x0  }
0xbb: {  	[sflag:s28] =	ssyncadd.s32 $0xFFFFE000  }
0xbc: {  	_ =	swait.ge [sflag:s28], $0x2000  }
0xbd: {  	[sflag:s28] =	ssyncset.done $0x0  }
0xbe: {  	[sflag:s28] =	ssyncadd.s32 $0xFFFFE000  }
0xbf: {  	[spmem:s3] =	stream.indirect.scatter.add.f32 [tilespmem:s19], [sflag:$0x4], $0x80, s31, s29, $0xb8;
	[tilespmem:$0x1E800] =	vst v63  }
0xc0: {  	_ =	swait.ge [sflag:s16], $0x4000  }
0xc1: {  	[sflag:s16] =	ssyncset.done $0x0  }
0xc2: {  	[sflag:s16] =	ssyncadd.s32 $0xFFFFC000  }
0xc3: {  	_ =	swait.ge [sflag:s30], $0x2000  }
0xc4: {  	[sflag:s30] =	ssyncset.done $0x0  }
0xc5: {  	[sflag:s30] =	ssyncadd.s32 $0xFFFFE000  }
0xc6: {  	_ =	swait.ge [sflag:s30], $0x2000  }
0xc7: {  	[sflag:s30] =	ssyncset.done $0x0  }
0xc8: {  	[sflag:s30] =	ssyncadd.s32 $0xFFFFE000  }
0xc9: {  	[spmem:s3] =	stream.indirect.scatter.add.f32 [tilespmem:s23], [sflag:$0x4], $0x80, s0, s29, $0xb8;
	[tilespmem:$0x1E800] =	vst v63  }
0xca: {  	_ =	swait.ge [sflag:s16], $0x4000  }
0xcb: {  	s1 =	sadd.s32 $0x1, s1;
	[sflag:s16] =	ssyncset.done $0x0  }
0xcc: {  	p0 =	sne.s32 s1, s13;
	[sflag:s16] =	ssyncadd.s32 $0xFFFFC000  }
.Ltmp2:
0xcd: {  	s4 =	sor.u32 $0x1C04, s6;
	[bflag:$0x0] =	sbarrier.arrive $0xFFFF;
	(pc) =	sbr.rel @p0 .LBB2_1-.Ltmp2, $4  }
0xce: {  	[hbm:s12], [sflag:s4] =	dma.local [spmem:s14], $0x2800  }
0xcf: {  	_ =	swait.ge [sflag:s16], $0x2800  }
0xd0: {  	[sflag:s16] =	ssyncset.done $0x0  }
0xd1: {  	[sflag:s16] =	ssyncadd.s32 $0xFFFFD800  }
0xd2: {  	_ =	sfence.sel $0x180000  }
0xd3: {  	[bflag:$0x0] =	sbarrier.arrive $0xFFFF  }
0xd4: {  	_ =	strace $0x9000004D  }
0xd5: {  	s0 =	stileid.u32;
	[bflag:$0x2] =	sbarrier.arrive $0xFFFF  }
0xd6: {  	p0 =	sne.s32 s0, $0x0;
	s0 =	rddreg [dreg:$0x3]  }
0xd7: {  	s0 =	sadd.s32 @!p0 $0x100000, s0  }
0xd8: {  	[sflag:s0] =	ssyncadd.tile.s32 @!p0 $0x1;
	_ =	shalt  }
.Lfunc_end2:
_tile_overlayer_lowered:
.L_overlay_start_2:
0xd9: {  	(tag) =	ssettag $0x2  }
0xda: {  	s0 =	rddreg [dreg:$0x0];
	s2 =	stileid.u32  }
0xdb: {  	s1 =	rddreg [dreg:$0x1];
	p0 =	sne.s32 s2, $0x0  }
0xdc: {  	s3 =	rddreg [dreg:$0x2];
	[bflag:$0x3] =	sbarrier.arrive $0xFFFF;
	s2 =	simm.s32 @!p0 $0x1C04  }
0xdd: {  	[timem:s3], [sflag:s2] =	dma.local @!p0 [hbm:s0], s1  }
0xde: {  	s0 =	simm.s32 @!p0 $0x4  }
0xdf: {  	_ =	swait.ge @!p0 [sflag:s0], s1  }
0xe0: {  	s1 =	ssub.s32 @!p0 $0x0, s1;
	[sflag:s0] =	ssyncset.done @!p0 $0x0  }
0xe1: {  	[sflag:s0] =	ssyncadd.s32 @!p0 s1  }
0xe2: {  	[bflag:$0x3] =	sbarrier.arrive $0xFFFF  }
0xe3: {  	_ =	shalt  }

// kernel: kernel.8.cloned.1.call-start
scs
__scs_entry_jumppad:
0x0: {  	(pc) =	sbr.rel $0x88, $3  }
0x1: {  	(tag) =	ssettag $0x0;
	lr =	simm.s32 $0x1  }
0x2: {  	[smem:$0x3F89] =	sst lr;
	_ =	strace $0xD0000000  }
0x3: {  	_ = 	snop  }
0x4: {  	_ = 	snop  }
0x5: {  	_ = 	snop  }
0x6: {  	_ = 	snop  }
0x7: {  	_ = 	snop  }
__scs_overlays_trampoline_lowered:
0x8: {  	[smem:$0x3F98] =	sst s0  }
0x9: {  	[smem:$0x3F99] =	sst s1  }
0xa: {  	[smem:$0x3F9A] =	sst s2  }
0xb: {  	[smem:$0x3F9B] =	sst s3  }
0xc: {  	[smem:$0x3F9C] =	sst s4  }
0xd: {  	[smem:$0x3F9D] =	sst s5  }
0xe: {  	[smem:$0x3F9E] =	sst s6  }
0xf: {  	[smem:$0x3F9F] =	sst s7  }
0x10: {  	[smem:$0x3FA0] =	sst s8  }
0x11: {  	[smem:$0x3FA1] =	sst s9;
	s0 =	simm.s32 @!p0 $0x0  }
0x12: {  	s1 =	sld [smem:$0x3F87];
	s0 =	simm.s32 @p0 $0x1  }
0x13: {  	[smem:$0x3FA2] =	sst s0;
	s0 =	simm.s32 @!p1 $0x0  }
0x14: {  	s2 =	sld [smem:$0x3F86];
	s0 =	simm.s32 @p1 $0x1  }
0x15: {  	[smem:$0x3FA3] =	sst s0;
	s0 =	simm.s32 @!p2 $0x0  }
0x16: {  	s3 =	sld [smem:$0x3FDB];
	s0 =	simm.s32 @p2 $0x1  }
0x17: {  	s4 =	simm.s32 $0x1BF5;
	[smem:$0x3FA5] =	sst s0  }
0x18: {  	s0 =	sld [smem:$0x3F88];
	_ =	swait.ge [sflag:s4], $0x0  }
0x19: {  	s7 =	sld [smem:$0x3F89]  }
0x1a: {  	s8 =	sadd.s32 $0xFFFFE003, lr  }
0x1b: {  	s9 =	sadd.s32 $0xFFFFFEF7, lr;
	s5 =	simm.s32 $0xFFFFFFFF;
	p2 =	slt.u32 s8, $0xFFFFF086  }
0x1c: {  	p1 =	slt.u32 s9, $0xF7A;
	s5 =	simm.s32 @!p2 $0x0  }
0x1d: {  	s5 =	simm.s32 @p1 $0x1;
	p0 =	seq.s32 s7, s2  }
0x1e: {  	s7 =	smul.u32 @!p0 $0xF7A, s2;
	p2 =	seq.s32 @!p0 s5, $0x0  }
0x1f: {  	s9 =	smul.u32 $0xF7A, s1;
	s8 =	simm.s32 @!p0 $0x1BF5;
	p2 =	por !p2, p0  }
0x20: {  	[sflag:s8] =	ssyncset.s32 @!p0 $0xFFFFF086;
	s6 =	sadd.s32 @!p0 s3, s7;
	s7 =	simm.s32 @!p0 $0x108  }
0x21: {  	s3 =	sadd.s32 s3, s9;
	s6 =	sadd.s32 @!p0 $0x88, s6;
	s7 =	simm.s32 @p2 $0x1082  }
0x22: {  	[simem:s7], [sflag:s8] =	dma.local @!p0 [hbm:s6], $0xF7A  }
0x23: {  	s9 =	sor.u32 $0xD0000000, s2;
	s6 =	simm.s32 $0x108;
	_ =	swait.ge @!p0 [sflag:s8], $0x0  }
0x24: {  	s3 =	sadd.s32 $0x88, s3;
	s6 =	simm.s32 @!p1 $0x1082;
	[sflag:s4] =	ssyncset.s32 $0xFFFFF086  }
0x25: {  	[simem:s6], [sflag:s4] =	dma.local [hbm:s3], $0xF7A  }
0x26: {  	[smem:$0x3F89] =	sst s1;
	(tag) =	ssettag s2;
	_ =	strace s9  }
0x27: {  	s1 =	sld [smem:$0x3F99]  }
0x28: {  	s2 =	sld [smem:$0x3F9A]  }
0x29: {  	s4 =	sld [smem:$0x3F9C]  }
0x2a: {  	p0 =	seq.s32 s5, $0x0;
	s5 =	sld [smem:$0x3F9D]  }
0x2b: {  	s6 =	sld [smem:$0x3F9E]  }
0x2c: {  	s7 =	sld [smem:$0x3F9F]  }
0x2d: {  	s3 =	simm.s32 $0x108;
	s8 =	sld [smem:$0x3FA0]  }
0x2e: {  	s3 =	simm.s32 @!p0 $0x1082;
	s9 =	sld [smem:$0x3FA1]  }
0x2f: {  	lr =	sadd.s32 s0, s3;
	s0 =	sld [smem:$0x3F98]  }
0x30: {  	s3 =	sld [smem:$0x3F9B]  }
0x31: {  	[smem:$0x3FA4] =	sst s10  }
0x32: {  	s10 =	sld [smem:$0x3FA2];
	_ =	sdelay $0x3  }
0x33: {  	p0 =	seq.s32 s10, $0x1;
	s10 =	sld [smem:$0x3FA4];
	_ =	sdelay $0x3  }
0x34: {  	[smem:$0x3FA4] =	sst s10  }
0x35: {  	s10 =	sld [smem:$0x3FA3];
	_ =	sdelay $0x3  }
0x36: {  	p1 =	seq.s32 s10, $0x1;
	s10 =	sld [smem:$0x3FA4];
	_ =	sdelay $0x3  }
0x37: {  	[smem:$0x3FA4] =	sst s10  }
0x38: {  	s10 =	sld [smem:$0x3FA5]  }
0x39: {  	_ = 	snop;
	(pc) =	sbr.ind lr, $3  }
0x3a: {  	_ = 	snop  }
0x3b: {  	_ = 	snop  }
0x3c: {  	p2 =	seq.s32 s10, $0x1;
	s10 =	sld [smem:$0x3FA4]  }
0x3d: {  	_ =	shalt  }
0x3e: {  	_ =	shalt  }
0x3f: {  	_ =	shalt  }
0x40: {  	_ =	shalt  }
0x41: {  	_ =	shalt  }
0x42: {  	_ =	shalt  }
0x43: {  	_ =	shalt  }
0x44: {  	_ =	shalt  }
0x45: {  	_ =	shalt  }
0x46: {  	_ =	shalt  }
0x47: {  	_ =	shalt  }
0x48: {  	_ =	shalt  }
0x49: {  	_ =	shalt  }
0x4a: {  	_ =	shalt  }
0x4b: {  	_ =	shalt  }
0x4c: {  	_ =	shalt  }
0x4d: {  	_ =	shalt  }
0x4e: {  	_ =	shalt  }
0x4f: {  	_ =	shalt  }
0x50: {  	_ =	shalt  }
0x51: {  	_ =	shalt  }
0x52: {  	_ =	shalt  }
0x53: {  	_ =	shalt  }
0x54: {  	_ =	shalt  }
0x55: {  	_ =	shalt  }
0x56: {  	_ =	shalt  }
0x57: {  	_ =	shalt  }
0x58: {  	_ =	shalt  }
0x59: {  	_ =	shalt  }
0x5a: {  	_ =	shalt  }
0x5b: {  	_ =	shalt  }
0x5c: {  	_ =	shalt  }
0x5d: {  	_ =	shalt  }
0x5e: {  	_ =	shalt  }
0x5f: {  	_ =	shalt  }
0x60: {  	_ =	shalt  }
0x61: {  	_ =	shalt  }
0x62: {  	_ =	shalt  }
0x63: {  	_ =	shalt  }
0x64: {  	_ =	shalt  }
0x65: {  	_ =	shalt  }
0x66: {  	_ =	shalt  }
0x67: {  	_ =	shalt  }
0x68: {  	_ =	shalt  }
0x69: {  	_ =	shalt  }
0x6a: {  	_ =	shalt  }
0x6b: {  	_ =	shalt  }
0x6c: {  	_ =	shalt  }
0x6d: {  	_ =	shalt  }
0x6e: {  	_ =	shalt  }
0x6f: {  	_ =	shalt  }
0x70: {  	_ =	shalt  }
0x71: {  	_ =	shalt  }
0x72: {  	_ =	shalt  }
0x73: {  	_ =	shalt  }
0x74: {  	_ =	shalt  }
0x75: {  	_ =	shalt  }
0x76: {  	_ =	shalt  }
0x77: {  	_ =	shalt  }
0x78: {  	_ =	shalt  }
0x79: {  	_ =	shalt  }
0x7a: {  	_ =	shalt  }
0x7b: {  	_ =	shalt  }
0x7c: {  	_ =	shalt  }
0x7d: {  	_ =	shalt  }
0x7e: {  	_ =	shalt  }
0x7f: {  	_ =	shalt  }
0x80: {  	_ =	shalt  }
0x81: {  	_ =	shalt  }
0x82: {  	_ =	shalt  }
0x83: {  	_ =	shalt  }
0x84: {  	_ =	shalt  }
0x85: {  	_ =	shalt  }
0x86: {  	_ =	shalt  }
0x87: {  	_ =	shalt  }
.Lfunc_end0:
.L_simem_size_0:
called_computation_lowered:
.L_overlay_start_0:
0x88: {  	s2 =	sld [smem:$0x3FD9]  }
0x89: {  	s3 =	sld [smem:$0x3FFE];
	_ =	sdelay $0x1  }
0x8a: {  	s1 =	srdreg.scid  }
0x8b: {  	s0 =	sand.u32 $0x1, s1  }
0x8c: {  	s17 =	sshll.u32 s0, $0xA;
	s2 =	sadd.s32 s3, s2  }
0x8d: {  	s2 =	sadd.s32 s2, s17  }
0x8e: {  	[smem:$0x3FB0] =	sst s2  }
0x8f: {  	_ = 	snop  }
0x90: {  	s2 =	sld [smem:$0x3FC9];
	(tm) =	ssettm $0x1  }
0x91: {  	s18 =	sld [smem:$0x3FFB];
	_ =	sdelay $0x3  }
0x92: {  	_ =	strace s18  }
0x93: {  	s3 =	sld [smem:$0x3FFC];
	_ =	sdelay $0x3  }
0x94: {  	_ =	strace s3  }
0x95: {  	s3 =	sld [smem:$0x3FFD];
	_ =	sdelay $0x3  }
0x96: {  	_ =	strace s3  }
0x97: {  	_ =	strace $0x8FFFFFFF  }
0x98: {  	s19 =	sld [smem:$0x3FDB];
	_ =	sdelay $0x1  }
0x99: {  	s4 =	simm.s32 $_scs_section_size  }
0x9a: {  	s5 =	simm.s32 $_size__tile_overlayer_lowered;
	s6 =	simm.s32 $_tile_overlayer_lowered  }
0x9b: {  	s22 =	simm.s32 $0x1BFF;
	s21 =	sshll.u32 s6, $0x1;
	s3 =	sadd.s32 s4, s19  }
0x9c: {  	s7 =	simm.s32 $0x0;
	s20 =	sshll.u32 s5, $0x1;
	s5 =	sadd.s32 s21, s3  }
0x9d: {  	[timem:s7], [sflag:s22] =	dma.local [hbm:s5], s20  }
0x9e: {  	_ =	swait.ge [sflag:s22], s20  }
0x9f: {  	s4 =	ssub.s32 $0x0, s20;
	[sflag:s22] =	ssyncset.done $0x0  }
0xa0: {  	[sflag:s22] =	ssyncadd.s32 s4;
	_ =	sdelay $0x1  }
0xa1: {  	s23 =	simm.s32 $0x1B8B  }
0xa2: {  	_ =	swait.ge [sflag:s23], $0x1  }
0xa3: {  	[sflag:s23] =	ssyncset.done $0x0  }
0xa4: {  	s25 =	simm.s32 $0x1B8E;
	s24 =	sld [smem:$0x3FFE];
	[sflag:s23] =	ssyncadd.s32 $0xFFFFFFFF  }
0xa5: {  	s26 =	simm.s32 $execute0_lowered;
	[smem:$0x3FD2] =	sst s25  }
0xa6: {  	s5 =	sshll.u32 s26, $0x1;
	_ =	strace $0x80000046;
	[dreg:$0x1] =	wrdreg $0xFFFFFFFF  }
0xa7: {  	s28 =	simm.s32 $_size_execute0_lowered;
	s3 =	sadd.s32 s3, s5;
	[dreg:$0x0] =	wrdreg $0x0  }
0xa8: {  	s5 =	sshll.u32 s28, $0x1;
	[dreg:$0x2] =	wrdreg s3  }
0xa9: {  	[dreg:$0x3] =	wrdreg s5  }
0xaa: {  	[dreg:$0x4] =	wrdreg $0xC0  }
0xab: {  	_ =	task [dreg:s7], $0x5FFFF  }
0xac: {  	[dreg:$0x1] =	wrdreg $0xFFFFFFFF  }
0xad: {  	[dreg:$0x0] =	wrdreg $0x60  }
0xae: {  	[dreg:$0x2] =	wrdreg s2  }
0xaf: {  	[dreg:$0x3] =	wrdreg s24  }
0xb0: {  	[dreg:$0x4] =	wrdreg $0x0  }
0xb1: {  	[dreg:$0x5] =	wrdreg $0x9  }
0xb2: {  	_ =	task.clear_ibuf [dreg:s7], $0x6FFFF;
	_ =	strace $0x90000046  }
0xb3: {  	s29 =	simm.s32 $0x9;
	_ =	strace $0x80000048  }
0xb4: {  	_ =	swait.ge [sflag:s29], $0x1  }
0xb5: {  	[sflag:s29] =	ssyncadd.s32 $0xFFFFFFFF  }
0xb6: {  	_ =	strace $0x90000048  }
0xb7: {  	_ =	sfence  }
0xb8: {  	s30 =	sld [smem:$0x0];
	_ =	sdelay $0x2  }
0xb9: {  	s31 =	sshll.u32 s1, $0xD;
	s1 =	sshrl.u32 s1, $0x2  }
0xba: {  	s3 =	sand.u32 $0x4000, s31;
	s1 =	sadd.s32 s1, s30  }
0xbb: {  	s0 =	sor.u32 s3, s0;
	s1 =	sshll.u32 s1, $0x11  }
0xbc: {  	s0 =	sor.u32 s1, s0  }
0xbd: {  	s0 =	sadd.s32 $0x8F2B, s0  }
0xbe: {  	[sflag:s0] =	ssyncadd.remote.s32 $0x1  }
0xbf: {  	_ =	sfence.sel $0xFFFF  }
0xc0: {  	[dreg:$0x0] =	wrdreg $0xFFFFFFFF;
	(pc) =	sbr.abs _section_cstart, $3  }
0xc1: {  	[dreg:$0x1] =	wrdreg $0xFFFFFFFF  }
0xc2: {  	_ =	task.clear_ibuf [dreg:s7], $0x2FFFF;
	_ =	strace $0x9FFFFFFF  }
0xc3: {  	(tm) =	ssettm $0x7FFFFFFF  }
tec
execute0_lowered:
.L_overlay_start_1:
0x0: {  	(tag) =	ssettag $0x1  }
0x1: {  	s2 =	rddreg [dreg:$0x0]  }
0x2: {  	s0 =	rddreg [dreg:$0x1]  }
0x3: {  	s3 =	rddreg [dreg:$0x2]  }
0x4: {  	s9 =	stileid.u32;
	s1 =	srdreg.scid;
	s5 =	simm.s32 $0x0  }
0x5: {  	s15 =	simm.s32 $0x14000;
	s16 =	simm.s32 $0x4;
	s17 =	simm.s32 $0x15400  }
0x6: {  	s18 =	simm.s32 $0x40;
	s19 =	simm.s32 $0x16800;
	s28 =	simm.s32 $0x2  }
0x7: {  	s29 =	simm.s32 $0x80;
	s30 =	simm.s32 $0x3;
	s31 =	simm.s32 $0x16700  }
0x8: {  	s4 =	smul.u32 $0x14000, s9;
	s1 =	sand.u32 $0x1, s1;
	[smem:$0x7FF] =	sst s5  }
0x9: {  	s10 =	sadd.s32 $0x4A00, s0;
	s11 =	sadd.s32 $0xEA00, s0;
	s7 =	smul.u32 $0x50000, s9  }
0xa: {  	s21 =	sshll.u32 s9, $0x1;
	s20 =	smul.u32 $0x140000, s1;
	_ =	strace $0x80000047  }
0xb: {  	s22 =	ssub.s32 $0x2, s1;
	s1 =	sor.u32 s1, s21;
	s21 =	simm.s32 $0x18800  }
0xc: {  	s6 =	sshrl.u32 s4, $0x3;
	s23 =	sshrl.u32 s22, $0x1;
	s8 =	smul.u32 $0x2800, s1  }
0xd: {  	s7 =	sshrl.u32 s7, $0x2;
	s1 =	smul.u32 $0x500, s1;
	s6 =	sadd.s32 s6, s0  }
0xe: {  	s4 =	sadd.s32 s4, s20;
	s24 =	sadd.s32 s7, s3;
	s20 =	simm.s32 $0x14040  }
0xf: {  	s4 =	sshrl.u32 s4, $0x3;
	s6 =	sadd.s32 $0x18A00, s6;
	s25 =	sshrl.u32 s8, $0x3  }
0x10: {  	s8 =	sadd.s32 s10, s1;
	s14 =	sshrl.u32 s24, $0x3;
	s24 =	simm.s32 $0x140C0  }
0x11: {  	s0 =	sadd.s32 s4, s0;
	s4 =	ssub.s32 s22, s23;
	[dreg:$0x4] =	wrdreg s6  }
0x12: {  	s6 =	sshll.u32 s9, $0x6;
	s12 =	sadd.s32 $0x280, s25;
	s9 =	sadd.s32 s11, s1  }
0x13: {  	s22 =	simm.s32 $0x14080;
	s23 =	simm.s32 $0x1A800;
	s25 =	simm.s32 $0x1C800  }
0x14: {  	s1 =	simm.s32 $0x0;
	s26 =	sor.u32 $0x1C01, s6;
	s10 =	sadd.s32 s10, s12  }
0x15: {  	s11 =	sadd.s32 s11, s12;
	s12 =	sadd.s32 $0x40A00, s0;
	s13 =	smax.u32 s4, $0x1  }
0x16: {  	s0 =	simm.s32 $0x16780;
	[dreg:$0x5] =	wrdreg s26;
	s26 =	simm.s32 $0x1  }
.LBB2_1:
0x17: {  	s4 =	rddreg [dreg:$0x4]  }
0x18: {  	s5 =	rddreg [dreg:$0x5]  }
0x19: {  	[spmem:s14], [sflag:s5] =	dma.local [hbm:s4], $0x2800  }
0x1a: {  	s5 =	simm.s32 $0x0  }
0x1b: {  	[tilespmem:s15], [sflag:$0x4] =	stream.linear.gather [hbm4b:s8+s5], $0x1400, $0x38;
	[tilespmem:$0x1E800] =	vst v63  }
0x1c: {  	_ =	swait.ge [sflag:s16], $0x1400  }
0x1d: {  	[sflag:s16] =	ssyncset.done $0x0  }
0x1e: {  	[sflag:s16] =	ssyncadd.s32 $0xFFFFEC00  }
0x1f: {  	[tilespmem:s17], [sflag:$0x4] =	stream.linear.gather [hbm4b:s9+s5], $0x1400, $0x38;
	[tilespmem:$0x1E800] =	vst v63  }
0x20: {  	_ =	swait.ge [sflag:s16], $0x1400  }
0x21: {  	[sflag:s16] =	ssyncset.done $0x0  }
0x22: {  	[sflag:s16] =	ssyncadd.s32 $0xFFFFEC00  }
0x23: {  	[tilespmem:s19], [sflag:$0x2] =	stream.indirect.gather [hbm4b:s2+s18], $0x80, s15, s18, $0xb8;
	[tilespmem:$0x1E800] =	vst v63  }
0x24: {  	_ = 	snop  }
0x25: {  	[tilespmem:s21], [sflag:$0x2] =	stream.indirect.gather [hbm4b:s2+s18], $0x80, s20, s18, $0xb8;
	[tilespmem:$0x1E800] =	vst v63  }
0x26: {  	_ = 	snop  }
0x27: {  	[tilespmem:s23], [sflag:$0x3] =	stream.indirect.gather [hbm4b:s2+s18], $0x80, s22, s18, $0xb8;
	[tilespmem:$0x1E800] =	vst v63  }
0x28: {  	_ = 	snop  }
0x29: {  	[tilespmem:s25], [sflag:$0x3] =	stream.indirect.gather [hbm4b:s2+s18], $0x80, s24, s18, $0xb8;
	[tilespmem:$0x1E800] =	vst v63  }
0x2a: {  	_ =	swait.ge [sflag:s26], $0x2800  }
0x2b: {  	[sflag:s26] =	ssyncset.done $0x0  }
0x2c: {  	[sflag:s26] =	ssyncadd.s32 $0xFFFFD800  }
0x2d: {  	[bflag:$0x0] =	sbarrier.arrive $0xFFFF  }
0x2e: {  	_ =	swait.ge [sflag:s28], $0x2000  }
0x2f: {  	[sflag:s28] =	ssyncset.done $0x0  }
0x30: {  	[sflag:s28] =	ssyncadd.s32 $0xFFFFE000  }
0x31: {  	_ =	swait.ge [sflag:s28], $0x2000  }
0x32: {  	[sflag:s28] =	ssyncset.done $0x0  }
0x33: {  	s7 =	simm.s32 $0x15400;
	[sflag:s28] =	ssyncadd.s32 $0xFFFFE000  }
0x34: {  	[spmem:s3] =	stream.indirect.scatter.add.f32 [tilespmem:s19], [sflag:$0x4], $0x80, s7, s29, $0xb8;
	[tilespmem:$0x1E800] =	vst v63  }
0x35: {  	_ =	swait.ge [sflag:s16], $0x4000  }
0x36: {  	[sflag:s16] =	ssyncset.done $0x0  }
0x37: {  	s5 =	simm.s32 $0x14100;
	[sflag:s16] =	ssyncadd.s32 $0xFFFFC000  }
0x38: {  	[tilespmem:s19], [sflag:$0x2] =	stream.indirect.gather [hbm4b:s2+s18], $0x80, s5, s18, $0xb8;
	[tilespmem:$0x1E800] =	vst v63  }
0x39: {  	s7 =	simm.s32 $0x14140  }
0x3a: {  	[tilespmem:s21], [sflag:$0x2] =	stream.indirect.gather [hbm4b:s2+s18], $0x80, s7, s18, $0xb8;
	[tilespmem:$0x1E800] =	vst v63  }
0x3b: {  	_ =	swait.ge [sflag:s30], $0x2000  }
0x3c: {  	[sflag:s30] =	ssyncset.done $0x0  }
0x3d: {  	[sflag:s30] =	ssyncadd.s32 $0xFFFFE000  }
0x3e: {  	_ =	swait.ge [sflag:s30], $0x2000  }
0x3f: {  	[sflag:s30] =	ssyncset.done $0x0  }
0x40: {  	s5 =	simm.s32 $0x15480;
	[sflag:s30] =	ssyncadd.s32 $0xFFFFE000  }
0x41: {  	[spmem:s3] =	stream.indirect.scatter.add.f32 [tilespmem:s23], [sflag:$0x4], $0x80, s5, s29, $0xb8;
	[tilespmem:$0x1E800] =	vst v63  }
0x42: {  	_ =	swait.ge [sflag:s16], $0x4000  }
0x43: {  	s4 =	simm.s32 $0x400;
	[sflag:s16] =	ssyncset.done $0x0  }
0x44: {  	s7 =	simm.s32 $0x14180;
	s5 =	simm.s32 $0x141C0;
	[sflag:s16] =	ssyncadd.s32 $0xFFFFC000  }
0x45: {  	[tilespmem:s23], [sflag:$0x3] =	stream.indirect.gather [hbm4b:s2+s18], $0x80, s7, s18, $0xb8;
	[tilespmem:$0x1E800] =	vst v63  }
.LBB2_2:
0x46: {  	[tilespmem:s25], [sflag:$0x3] =	stream.indirect.gather [hbm4b:s2+s18], $0x80, s5, s18, $0xb8;
	[tilespmem:$0x1E800] =	vst v63  }
0x47: {  	s5 =	smov.u32 s4  }
0x48: {  	p0 =	sne.s32 s4, $0x4800;
	s4 =	sadd.s32 $0x400, s4;
	_ =	swait.ge [sflag:s28], $0x2000  }
0x49: {  	[sflag:s28] =	ssyncset.done $0x0  }
0x4a: {  	[sflag:s28] =	ssyncadd.s32 $0xFFFFE000  }
0x4b: {  	_ =	swait.ge [sflag:s28], $0x2000  }
0x4c: {  	s5 =	sshra.s32 s5, $0x2;
	[sflag:s28] =	ssyncset.done $0x0  }
0x4d: {  	s7 =	sadd.s32 $0x15400, s5;
	[sflag:s28] =	ssyncadd.s32 $0xFFFFE000  }
0x4e: {  	[spmem:s3] =	stream.indirect.scatter.add.f32 [tilespmem:s19], [sflag:$0x4], $0x80, s7, s29, $0xb8;
	[tilespmem:$0x1E800] =	vst v63  }
0x4f: {  	_ =	swait.ge [sflag:s16], $0x4000  }
0x50: {  	[sflag:s16] =	ssyncset.done $0x0  }
0x51: {  	s7 =	sadd.s32 $0x14100, s5;
	[sflag:s16] =	ssyncadd.s32 $0xFFFFC000  }
0x52: {  	[tilespmem:s19], [sflag:$0x2] =	stream.indirect.gather [hbm4b:s2+s18], $0x80, s7, s18, $0xb8;
	[tilespmem:$0x1E800] =	vst v63  }
0x53: {  	s7 =	sadd.s32 $0x14140, s5  }
0x54: {  	[tilespmem:s21], [sflag:$0x2] =	stream.indirect.gather [hbm4b:s2+s18], $0x80, s7, s18, $0xb8;
	[tilespmem:$0x1E800] =	vst v63  }
0x55: {  	_ =	swait.ge [sflag:s30], $0x2000  }
0x56: {  	[sflag:s30] =	ssyncset.done $0x0  }
0x57: {  	[sflag:s30] =	ssyncadd.s32 $0xFFFFE000  }
0x58: {  	_ =	swait.ge [sflag:s30], $0x2000  }
0x59: {  	[sflag:s30] =	ssyncset.done $0x0  }
0x5a: {  	s7 =	sadd.s32 $0x15480, s5;
	[sflag:s30] =	ssyncadd.s32 $0xFFFFE000  }
0x5b: {  	[spmem:s3] =	stream.indirect.scatter.add.f32 [tilespmem:s23], [sflag:$0x4], $0x80, s7, s29, $0xb8;
	[tilespmem:$0x1E800] =	vst v63  }
.Ltmp0:
0x5c: {  	_ =	swait.ge [sflag:s16], $0x4000;
	(pc) =	sbr.rel @p0 .LBB2_2-.Ltmp0, $4  }
0x5d: {  	[sflag:s16] =	ssyncset.done $0x0  }
0x5e: {  	s7 =	sadd.s32 $0x14180, s5;
	[sflag:s16] =	ssyncadd.s32 $0xFFFFC000  }
0x5f: {  	[tilespmem:s23], [sflag:$0x3] =	stream.indirect.gather [hbm4b:s2+s18], $0x80, s7, s18, $0xb8;
	[tilespmem:$0x1E800] =	vst v63  }
0x60: {  	s5 =	sadd.s32 $0x141C0, s5  }
0x61: {  	[tilespmem:s25], [sflag:$0x3] =	stream.indirect.gather [hbm4b:s2+s18], $0x80, s5, s18, $0xb8;
	[tilespmem:$0x1E800] =	vst v63  }
0x62: {  	_ =	swait.ge [sflag:s28], $0x2000  }
0x63: {  	[sflag:s28] =	ssyncset.done $0x0  }
0x64: {  	[sflag:s28] =	ssyncadd.s32 $0xFFFFE000  }
0x65: {  	_ =	swait.ge [sflag:s28], $0x2000  }
0x66: {  	[sflag:s28] =	ssyncset.done $0x0  }
0x67: {  	[sflag:s28] =	ssyncadd.s32 $0xFFFFE000  }
0x68: {  	[spmem:s3] =	stream.indirect.scatter.add.f32 [tilespmem:s19], [sflag:$0x4], $0x80, s31, s29, $0xb8;
	[tilespmem:$0x1E800] =	vst v63  }
0x69: {  	_ =	swait.ge [sflag:s16], $0x4000  }
0x6a: {  	[sflag:s16] =	ssyncset.done $0x0  }
0x6b: {  	[sflag:s16] =	ssyncadd.s32 $0xFFFFC000  }
0x6c: {  	_ =	swait.ge [sflag:s30], $0x2000  }
0x6d: {  	[sflag:s30] =	ssyncset.done $0x0  }
0x6e: {  	[sflag:s30] =	ssyncadd.s32 $0xFFFFE000  }
0x6f: {  	_ =	swait.ge [sflag:s30], $0x2000  }
0x70: {  	[sflag:s30] =	ssyncset.done $0x0  }
0x71: {  	[sflag:s30] =	ssyncadd.s32 $0xFFFFE000  }
0x72: {  	[spmem:s3] =	stream.indirect.scatter.add.f32 [tilespmem:s23], [sflag:$0x4], $0x80, s0, s29, $0xb8;
	[tilespmem:$0x1E800] =	vst v63  }
0x73: {  	_ =	swait.ge [sflag:s16], $0x4000  }
0x74: {  	[sflag:s16] =	ssyncset.done $0x0  }
0x75: {  	s4 =	simm.s32 $0x0;
	[sflag:s16] =	ssyncadd.s32 $0xFFFFC000  }
0x76: {  	[tilespmem:s15], [sflag:$0x4] =	stream.linear.gather [hbm4b:s10+s4], $0x1400, $0x38;
	[tilespmem:$0x1E800] =	vst v63  }
0x77: {  	_ =	swait.ge [sflag:s16], $0x1400  }
0x78: {  	[sflag:s16] =	ssyncset.done $0x0  }
0x79: {  	[sflag:s16] =	ssyncadd.s32 $0xFFFFEC00  }
0x7a: {  	[tilespmem:s17], [sflag:$0x4] =	stream.linear.gather [hbm4b:s11+s4], $0x1400, $0x38;
	[tilespmem:$0x1E800] =	vst v63  }
0x7b: {  	_ =	swait.ge [sflag:s16], $0x1400  }
0x7c: {  	[sflag:s16] =	ssyncset.done $0x0  }
0x7d: {  	[sflag:s16] =	ssyncadd.s32 $0xFFFFEC00  }
0x7e: {  	[tilespmem:s19], [sflag:$0x2] =	stream.indirect.gather [hbm4b:s2+s18], $0x80, s15, s18, $0xb8;
	[tilespmem:$0x1E800] =	vst v63  }
0x7f: {  	_ = 	snop  }
0x80: {  	[tilespmem:s21], [sflag:$0x2] =	stream.indirect.gather [hbm4b:s2+s18], $0x80, s20, s18, $0xb8;
	[tilespmem:$0x1E800] =	vst v63  }
0x81: {  	_ = 	snop  }
0x82: {  	[tilespmem:s23], [sflag:$0x3] =	stream.indirect.gather [hbm4b:s2+s18], $0x80, s22, s18, $0xb8;
	[tilespmem:$0x1E800] =	vst v63  }
0x83: {  	_ = 	snop  }
0x84: {  	[tilespmem:s25], [sflag:$0x3] =	stream.indirect.gather [hbm4b:s2+s18], $0x80, s24, s18, $0xb8;
	[tilespmem:$0x1E800] =	vst v63  }
0x85: {  	_ =	swait.ge [sflag:s28], $0x2000  }
0x86: {  	[sflag:s28] =	ssyncset.done $0x0  }
0x87: {  	[sflag:s28] =	ssyncadd.s32 $0xFFFFE000  }
0x88: {  	_ =	swait.ge [sflag:s28], $0x2000  }
0x89: {  	[sflag:s28] =	ssyncset.done $0x0  }
0x8a: {  	s7 =	simm.s32 $0x15400;
	[sflag:s28] =	ssyncadd.s32 $0xFFFFE000  }
0x8b: {  	[spmem:s3] =	stream.indirect.scatter.add.f32 [tilespmem:s19], [sflag:$0x4], $0x80, s7, s29, $0xb8;
	[tilespmem:$0x1E800] =	vst v63  }
0x8c: {  	_ =	swait.ge [sflag:s16], $0x4000  }
0x8d: {  	[sflag:s16] =	ssyncset.done $0x0  }
0x8e: {  	s5 =	simm.s32 $0x14100;
	[sflag:s16] =	ssyncadd.s32 $0xFFFFC000  }
0x8f: {  	[tilespmem:s19], [sflag:$0x2] =	stream.indirect.gather [hbm4b:s2+s18], $0x80, s5, s18, $0xb8;
	[tilespmem:$0x1E800] =	vst v63  }
0x90: {  	s7 =	simm.s32 $0x14140  }
0x91: {  	[tilespmem:s21], [sflag:$0x2] =	stream.indirect.gather [hbm4b:s2+s18], $0x80, s7, s18, $0xb8;
	[tilespmem:$0x1E800] =	vst v63  }
0x92: {  	_ =	swait.ge [sflag:s30], $0x2000  }
0x93: {  	[sflag:s30] =	ssyncset.done $0x0  }
0x94: {  	[sflag:s30] =	ssyncadd.s32 $0xFFFFE000  }
0x95: {  	_ =	swait.ge [sflag:s30], $0x2000  }
0x96: {  	[sflag:s30] =	ssyncset.done $0x0  }
0x97: {  	s5 =	simm.s32 $0x15480;
	[sflag:s30] =	ssyncadd.s32 $0xFFFFE000  }
0x98: {  	[spmem:s3] =	stream.indirect.scatter.add.f32 [tilespmem:s23], [sflag:$0x4], $0x80, s5, s29, $0xb8;
	[tilespmem:$0x1E800] =	vst v63  }
0x99: {  	_ =	swait.ge [sflag:s16], $0x4000  }
0x9a: {  	s4 =	simm.s32 $0x400;
	[sflag:s16] =	ssyncset.done $0x0  }
0x9b: {  	s7 =	simm.s32 $0x14180;
	s5 =	simm.s32 $0x141C0;
	[sflag:s16] =	ssyncadd.s32 $0xFFFFC000  }
0x9c: {  	[tilespmem:s23], [sflag:$0x3] =	stream.indirect.gather [hbm4b:s2+s18], $0x80, s7, s18, $0xb8;
	[tilespmem:$0x1E800] =	vst v63  }
.LBB2_4:
0x9d: {  	[tilespmem:s25], [sflag:$0x3] =	stream.indirect.gather [hbm4b:s2+s18], $0x80, s5, s18, $0xb8;
	[tilespmem:$0x1E800] =	vst v63  }
0x9e: {  	s5 =	smov.u32 s4  }
0x9f: {  	p0 =	sne.s32 s4, $0x4800;
	s4 =	sadd.s32 $0x400, s4;
	_ =	swait.ge [sflag:s28], $0x2000  }
0xa0: {  	[sflag:s28] =	ssyncset.done $0x0  }
0xa1: {  	[sflag:s28] =	ssyncadd.s32 $0xFFFFE000  }
0xa2: {  	_ =	swait.ge [sflag:s28], $0x2000  }
0xa3: {  	s5 =	sshra.s32 s5, $0x2;
	[sflag:s28] =	ssyncset.done $0x0  }
0xa4: {  	s7 =	sadd.s32 $0x15400, s5;
	[sflag:s28] =	ssyncadd.s32 $0xFFFFE000  }
0xa5: {  	[spmem:s3] =	stream.indirect.scatter.add.f32 [tilespmem:s19], [sflag:$0x4], $0x80, s7, s29, $0xb8;
	[tilespmem:$0x1E800] =	vst v63  }
0xa6: {  	_ =	swait.ge [sflag:s16], $0x4000  }
0xa7: {  	[sflag:s16] =	ssyncset.done $0x0  }
0xa8: {  	s7 =	sadd.s32 $0x14100, s5;
	[sflag:s16] =	ssyncadd.s32 $0xFFFFC000  }
0xa9: {  	[tilespmem:s19], [sflag:$0x2] =	stream.indirect.gather [hbm4b:s2+s18], $0x80, s7, s18, $0xb8;
	[tilespmem:$0x1E800] =	vst v63  }
0xaa: {  	s7 =	sadd.s32 $0x14140, s5  }
0xab: {  	[tilespmem:s21], [sflag:$0x2] =	stream.indirect.gather [hbm4b:s2+s18], $0x80, s7, s18, $0xb8;
	[tilespmem:$0x1E800] =	vst v63  }
0xac: {  	_ =	swait.ge [sflag:s30], $0x2000  }
0xad: {  	[sflag:s30] =	ssyncset.done $0x0  }
0xae: {  	[sflag:s30] =	ssyncadd.s32 $0xFFFFE000  }
0xaf: {  	_ =	swait.ge [sflag:s30], $0x2000  }
0xb0: {  	[sflag:s30] =	ssyncset.done $0x0  }
0xb1: {  	s7 =	sadd.s32 $0x15480, s5;
	[sflag:s30] =	ssyncadd.s32 $0xFFFFE000  }
0xb2: {  	[spmem:s3] =	stream.indirect.scatter.add.f32 [tilespmem:s23], [sflag:$0x4], $0x80, s7, s29, $0xb8;
	[tilespmem:$0x1E800] =	vst v63  }
.Ltmp1:
0xb3: {  	_ =	swait.ge [sflag:s16], $0x4000;
	(pc) =	sbr.rel @p0 .LBB2_4-.Ltmp1, $4  }
0xb4: {  	[sflag:s16] =	ssyncset.done $0x0  }
0xb5: {  	s7 =	sadd.s32 $0x14180, s5;
	[sflag:s16] =	ssyncadd.s32 $0xFFFFC000  }
0xb6: {  	[tilespmem:s23], [sflag:$0x3] =	stream.indirect.gather [hbm4b:s2+s18], $0x80, s7, s18, $0xb8;
	[tilespmem:$0x1E800] =	vst v63  }
0xb7: {  	s5 =	sadd.s32 $0x141C0, s5  }
0xb8: {  	[tilespmem:s25], [sflag:$0x3] =	stream.indirect.gather [hbm4b:s2+s18], $0x80, s5, s18, $0xb8;
	[tilespmem:$0x1E800] =	vst v63  }
0xb9: {  	_ =	swait.ge [sflag:s28], $0x2000  }
0xba: {  	[sflag:s28] =	ssyncset.done $0x0  }
0xbb: {  	[sflag:s28] =	ssyncadd.s32 $0xFFFFE000  }
0xbc: {  	_ =	swait.ge [sflag:s28], $0x2000  }
0xbd: {  	[sflag:s28] =	ssyncset.done $0x0  }
0xbe: {  	[sflag:s28] =	ssyncadd.s32 $0xFFFFE000  }
0xbf: {  	[spmem:s3] =	stream.indirect.scatter.add.f32 [tilespmem:s19], [sflag:$0x4], $0x80, s31, s29, $0xb8;
	[tilespmem:$0x1E800] =	vst v63  }
0xc0: {  	_ =	swait.ge [sflag:s16], $0x4000  }
0xc1: {  	[sflag:s16] =	ssyncset.done $0x0  }
0xc2: {  	[sflag:s16] =	ssyncadd.s32 $0xFFFFC000  }
0xc3: {  	_ =	swait.ge [sflag:s30], $0x2000  }
0xc4: {  	[sflag:s30] =	ssyncset.done $0x0  }
0xc5: {  	[sflag:s30] =	ssyncadd.s32 $0xFFFFE000  }
0xc6: {  	_ =	swait.ge [sflag:s30], $0x2000  }
0xc7: {  	[sflag:s30] =	ssyncset.done $0x0  }
0xc8: {  	[sflag:s30] =	ssyncadd.s32 $0xFFFFE000  }
0xc9: {  	[spmem:s3] =	stream.indirect.scatter.add.f32 [tilespmem:s23], [sflag:$0x4], $0x80, s0, s29, $0xb8;
	[tilespmem:$0x1E800] =	vst v63  }
0xca: {  	_ =	swait.ge [sflag:s16], $0x4000  }
0xcb: {  	s1 =	sadd.s32 $0x1, s1;
	[sflag:s16] =	ssyncset.done $0x0  }
0xcc: {  	p0 =	sne.s32 s1, s13;
	[sflag:s16] =	ssyncadd.s32 $0xFFFFC000  }
.Ltmp2:
0xcd: {  	s4 =	sor.u32 $0x1C04, s6;
	[bflag:$0x0] =	sbarrier.arrive $0xFFFF;
	(pc) =	sbr.rel @p0 .LBB2_1-.Ltmp2, $4  }
0xce: {  	[hbm:s12], [sflag:s4] =	dma.local [spmem:s14], $0x2800  }
0xcf: {  	_ =	swait.ge [sflag:s16], $0x2800  }
0xd0: {  	[sflag:s16] =	ssyncset.done $0x0  }
0xd1: {  	[sflag:s16] =	ssyncadd.s32 $0xFFFFD800  }
0xd2: {  	_ =	sfence.sel $0x180000  }
0xd3: {  	[bflag:$0x0] =	sbarrier.arrive $0xFFFF  }
0xd4: {  	_ =	strace $0x90000047  }
0xd5: {  	s0 =	stileid.u32;
	[bflag:$0x2] =	sbarrier.arrive $0xFFFF  }
0xd6: {  	p0 =	sne.s32 s0, $0x0;
	s0 =	rddreg [dreg:$0x3]  }
0xd7: {  	s0 =	sadd.s32 @!p0 $0x100000, s0  }
0xd8: {  	[sflag:s0] =	ssyncadd.tile.s32 @!p0 $0x1;
	_ =	shalt  }
.Lfunc_end2:
_tile_overlayer_lowered:
.L_overlay_start_2:
0xd9: {  	(tag) =	ssettag $0x2  }
0xda: {  	s0 =	rddreg [dreg:$0x0];
	s2 =	stileid.u32  }
0xdb: {  	s1 =	rddreg [dreg:$0x1];
	p0 =	sne.s32 s2, $0x0  }
0xdc: {  	s3 =	rddreg [dreg:$0x2];
	[bflag:$0x3] =	sbarrier.arrive $0xFFFF;
	s2 =	simm.s32 @!p0 $0x1C04  }
0xdd: {  	[timem:s3], [sflag:s2] =	dma.local @!p0 [hbm:s0], s1  }
0xde: {  	s0 =	simm.s32 @!p0 $0x4  }
0xdf: {  	_ =	swait.ge @!p0 [sflag:s0], s1  }
0xe0: {  	s1 =	ssub.s32 @!p0 $0x0, s1;
	[sflag:s0] =	ssyncset.done @!p0 $0x0  }
0xe1: {  	[sflag:s0] =	ssyncadd.s32 @!p0 s1  }
0xe2: {  	[bflag:$0x3] =	sbarrier.arrive $0xFFFF  }
0xe3: {  	_ =	shalt  }

</sc_bundles>
